<compile_context>
chip_gen: v7x
topology: tpu7x:2x2x1
jax: 0.10.2.dev20260603
libtpu: 0.0.44.dev20260713+nightly
codegen_flags: <defaults>
</compile_context>

<pallas_src>
import functools

import jax
import jax.numpy as jnp
from jax import lax
from jax.experimental import pallas as pl
from jax.experimental.pallas import tpu as pltpu
from jax.experimental.pallas import tpu_sc as plsc

N = 10000
E = 320000
D = 128
G = 8

NC = 2
NS = 16
NP = 10240
ROWS_T = NP // NS
CH = 80
NCH = E // (NS * CH)
KB = 50
NBLK = NCH // KB
BN = 640
NB = NP // BN

_mesh = plsc.VectorSubcoreMesh(core_axis_name="c", subcore_axis_name="s")


def _embed_body(emb, xidx, out, x_v, rows_v, sem):
    cid = lax.axis_index("c")
    sid = lax.axis_index("s")
    pltpu.sync_copy(xidx.at[cid, sid], x_v)
    for q in range(5):
        pltpu.async_copy(emb.at[x_v.at[q]], rows_v, sem).wait()
        pltpu.sync_copy(
            rows_v,
            out.at[pl.ds(cid * NP + sid * ROWS_T + q * 128, 128)])


_embed = functools.partial(
    pl.kernel, _embed_body, mesh=_mesh,
    out_type=jax.ShapeDtypeStruct((2 * NP, D), jnp.float32),
    scratch_types=[
        pltpu.VMEM((5, 128), jnp.int32),
        pltpu.VMEM((128, D), jnp.float32),
        pltpu.SemaphoreType.DMA,
    ],
)()


def _counts_body(dst_idx, out, dst_v, ones_v, z_v, acc):
    cid = lax.axis_index("c")
    sid = lax.axis_index("s")
    for k in range(ROWS_T // 16):
        z_v[pl.ds(k * 16, 16)] = jnp.zeros((16,), jnp.float32)
    for k in range(CH // 16):
        ones_v[pl.ds(k * 16, 16)] = jnp.ones((16,), jnp.float32)
    pltpu.sync_copy(z_v, acc.at[pl.ds(sid * ROWS_T, ROWS_T)])
    plsc.subcore_barrier()

    def blk(bi, carry):
        pltpu.sync_copy(dst_idx.at[cid, sid, bi], dst_v)

        def step(j, carry2):
            pltpu.sync_copy(ones_v, acc.at[dst_v.at[j]], add=True)
            return carry2

        lax.fori_loop(0, KB, step, 0)
        return carry

    lax.fori_loop(0, NBLK, blk, 0)
    plsc.subcore_barrier()
    pltpu.sync_copy(acc.at[pl.ds(sid * ROWS_T, ROWS_T)],
                    out.at[pl.ds(cid * NP + sid * ROWS_T, ROWS_T)])


_counts = functools.partial(
    pl.kernel, _counts_body, mesh=_mesh,
    out_type=jax.ShapeDtypeStruct((2 * NP,), jnp.float32),
    scratch_types=[
        pltpu.VMEM((KB, CH), jnp.int32),
        pltpu.VMEM((CH,), jnp.float32),
        pltpu.VMEM((ROWS_T,), jnp.float32),
        pltpu.VMEM_SHARED((NP,), jnp.float32),
    ],
)()


def _segsum_body(tables, src_idx, dst_idx, out,
                 src_v, dst_v, rows_v, z_v, acc, sem):
    cid = lax.axis_index("c")
    sid = lax.axis_index("s")

    def zrow(i, carry):
        for k in range(D // 16):
            z_v[i, pl.ds(k * 16, 16)] = jnp.zeros((16,), jnp.float32)
        return carry

    lax.fori_loop(0, 64, zrow, 0)
    for q in range(ROWS_T // 64):
        pltpu.sync_copy(z_v, acc.at[pl.ds(sid * ROWS_T + q * 64, 64)])
    plsc.subcore_barrier()

    def blk(bi, carry):
        pltpu.sync_copy(src_idx.at[cid, sid, bi], src_v)
        pltpu.sync_copy(dst_idx.at[cid, sid, bi], dst_v)

        def step(j, carry2):
            pltpu.async_copy(tables.at[src_v.at[j]], rows_v, sem).wait()
            pltpu.sync_copy(rows_v, acc.at[dst_v.at[j]], add=True)
            return carry2

        lax.fori_loop(0, KB, step, 0)
        return carry

    lax.fori_loop(0, NBLK, blk, 0)
    plsc.subcore_barrier()
    pltpu.sync_copy(acc.at[pl.ds(sid * ROWS_T, ROWS_T)],
                    out.at[pl.ds(cid * NP + sid * ROWS_T, ROWS_T)])


_segsum = functools.partial(
    pl.kernel, _segsum_body, mesh=_mesh,
    out_type=jax.ShapeDtypeStruct((2 * NP, D), jnp.float32),
    scratch_types=[
        pltpu.VMEM((KB, CH), jnp.int32),
        pltpu.VMEM((KB, CH), jnp.int32),
        pltpu.VMEM((CH, D), jnp.float32),
        pltpu.VMEM((64, D), jnp.float32),
        pltpu.VMEM_SHARED((NP, D), jnp.float32),
        pltpu.SemaphoreType.DMA,
    ],
)()


def _dense_body(s_ref, cnt_ref, h_ref, wl_ref, bl_ref, wr_ref, o_ref):
    s = s_ref[0]
    c = cnt_ref[0, 0, 0]
    mean = s / jnp.maximum(c, 1.0)[:, None]
    o_ref[0] = (jnp.dot(mean, wl_ref[0], preferred_element_type=jnp.float32)
                + bl_ref[0, 0][None, :]
                + jnp.dot(h_ref[0], wr_ref[0],
                          preferred_element_type=jnp.float32))


def _dense(s, cnt4, h, wl, bl, wr):
    return pl.pallas_call(
        _dense_body,
        grid=(2, NB),
        in_specs=[
            pl.BlockSpec((1, BN, D), lambda t, b: (t, b, 0)),
            pl.BlockSpec((1, 1, 1, BN), lambda t, b: (t, b, 0, 0)),
            pl.BlockSpec((1, BN, D), lambda t, b: (t, b, 0)),
            pl.BlockSpec((1, D, D), lambda t, b: (t, 0, 0)),
            pl.BlockSpec((1, 1, D), lambda t, b: (t, 0, 0)),
            pl.BlockSpec((1, D, D), lambda t, b: (t, 0, 0)),
        ],
        out_specs=pl.BlockSpec((1, BN, D), lambda t, b: (t, b, 0)),
        out_shape=jax.ShapeDtypeStruct((2, NP, D), jnp.float32),
    )(s, cnt4, h, wl, bl, wr)


def _final_body(s_ref, cnt_ref, h_ref, wl_ref, bl_ref, wr_ref, batch_ref,
                w1_ref, b1_ref, w2_ref, b2_ref, o_ref, acc_ref):
    t = pl.program_id(0)
    b = pl.program_id(1)

    @pl.when(jnp.logical_and(t == 0, b == 0))
    def _():
        acc_ref[...] = jnp.zeros_like(acc_ref)

    s = s_ref[0]
    c = cnt_ref[0, 0, 0]
    mean = s / jnp.maximum(c, 1.0)[:, None]
    hn = (jnp.dot(mean, wl_ref[0], preferred_element_type=jnp.float32)
          + bl_ref[0, 0][None, :]
          + jnp.dot(h_ref[0], wr_ref[0], preferred_element_type=jnp.float32))
    ids = batch_ref[0, 0, 0]
    oh = (ids[None, :] ==
          lax.broadcasted_iota(jnp.int32, (G, BN), 0)).astype(jnp.float32)
    acc_ref[...] += jnp.dot(oh, hn, preferred_element_type=jnp.float32)

    @pl.when(jnp.logical_and(t == 1, b == NB - 1))
    def _():
        g = acc_ref[...]
        g = jnp.maximum(
            jnp.dot(g, w1_ref[...], preferred_element_type=jnp.float32)
            + b1_ref[0][None, :], 0.0)
        o_ref[...] = (jnp.dot(g, w2_ref[...],
                              preferred_element_type=jnp.float32)
                      + b2_ref[0][None, :])


def _final(s, cnt4, h, wl, bl, wr, batch4, w1, b1, w2, b2):
    return pl.pallas_call(
        _final_body,
        grid=(2, NB),
        in_specs=[
            pl.BlockSpec((1, BN, D), lambda t, b: (t, b, 0)),
            pl.BlockSpec((1, 1, 1, BN), lambda t, b: (t, b, 0, 0)),
            pl.BlockSpec((1, BN, D), lambda t, b: (t, b, 0)),
            pl.BlockSpec((1, D, D), lambda t, b: (t, 0, 0)),
            pl.BlockSpec((1, 1, D), lambda t, b: (t, 0, 0)),
            pl.BlockSpec((1, D, D), lambda t, b: (t, 0, 0)),
            pl.BlockSpec((1, 1, 1, BN), lambda t, b: (t, b, 0, 0)),
            pl.BlockSpec((D, D), lambda t, b: (0, 0)),
            pl.BlockSpec((1, D), lambda t, b: (0, 0)),
            pl.BlockSpec((D, D), lambda t, b: (0, 0)),
            pl.BlockSpec((1, D), lambda t, b: (0, 0)),
        ],
        out_specs=pl.BlockSpec((G, D), lambda t, b: (0, 0)),
        out_shape=jax.ShapeDtypeStruct((G, D), jnp.float32),
        scratch_shapes=[pltpu.VMEM((G, D), jnp.float32)],
    )(s, cnt4, h, wl, bl, wr, batch4, w1, b1, w2, b2)


def kernel(x_a, x_b, edge_index_ab, edge_index_ba, batch_a, batch_b,
           emb_a, emb_b,
           Wl_ab_0, bl_ab_0, Wr_ab_0, Wl_ba_0, bl_ba_0, Wr_ba_0,
           Wl_ab_1, bl_ab_1, Wr_ab_1, Wl_ba_1, bl_ba_1, Wr_ba_1,
           W1, b1, W2, b2):
    zpadD = jnp.zeros((NP - N, D), jnp.float32)
    embt = jnp.concatenate([emb_a, zpadD, emb_b, zpadD], axis=0)
    zpadI = jnp.zeros((NP - N,), jnp.int32)
    x_stack = jnp.stack([
        jnp.concatenate([x_a, zpadI]),
        jnp.concatenate([x_b + NP, zpadI + NP]),
    ]).reshape(2, NS, 5, 128)
    src_stack = jnp.stack([
        (edge_index_ba[0] + NP).reshape(NS, NBLK, KB, CH),
        edge_index_ab[0].reshape(NS, NBLK, KB, CH)])
    dst_stack = jnp.stack([
        edge_index_ba[1].reshape(NS, NBLK, KB, CH),
        edge_index_ab[1].reshape(NS, NBLK, KB, CH)])

    h0 = _embed(embt, x_stack)
    cnt = _counts(dst_stack)
    cnt4 = cnt.reshape(2, NB, 1, BN)

    wl0 = jnp.stack([Wl_ba_0, Wl_ab_0])
    bl0 = jnp.stack([bl_ba_0, bl_ab_0]).reshape(2, 1, D)
    wr0 = jnp.stack([Wr_ba_0, Wr_ab_0])
    wl1 = jnp.stack([Wl_ba_1, Wl_ab_1])
    bl1 = jnp.stack([bl_ba_1, bl_ab_1]).reshape(2, 1, D)
    wr1 = jnp.stack([Wr_ba_1, Wr_ab_1])
    bpad = jnp.full((NP - N,), G, jnp.int32)
    batch4 = jnp.stack([
        jnp.concatenate([batch_a, bpad]),
        jnp.concatenate([batch_b, bpad]),
    ]).reshape(2, NB, 1, BN)

    s0 = _segsum(h0, src_stack, dst_stack)
    h1 = _dense(s0.reshape(2, NP, D), cnt4, h0.reshape(2, NP, D),
                wl0, bl0, wr0).reshape(2 * NP, D)
    s1 = _segsum(h1, src_stack, dst_stack)
    g = _final(s1.reshape(2, NP, D), cnt4, h1.reshape(2, NP, D),
               wl1, bl1, wr1, batch4,
               W1, b1.reshape(1, D), W2, b2.reshape(1, D))
    return g

# --- scband reference (transcript-rebuilt; emitter-appended) ---
"""Pipeline reference for scband-hetero-graph-encoder-29901562314976 (READ-ONLY COPY).

The authoritative reference and input builder live on the scoring server;
editing this copy changes nothing except your own understanding.
"""

import jax, jax.numpy as jnp
import numpy as np

N_A = 10000
N_B = 10000
E = 320000
D = 128
H = 128
OUT = 128
G = 8


def setup_inputs(seed: int = 0) -> dict:
    key = jax.random.key(seed)
    ks = jax.random.split(key, 32)
    inp = {}
    inp["x_a"] = jax.random.randint(ks[0], (N_A,), 0, N_A, dtype=jnp.int32)
    inp["x_b"] = jax.random.randint(ks[1], (N_B,), 0, N_B, dtype=jnp.int32)
    inp["edge_index_ab"] = jnp.stack([
        jax.random.randint(ks[2], (E,), 0, N_A, dtype=jnp.int32),
        jax.random.randint(ks[3], (E,), 0, N_B, dtype=jnp.int32),
    ])
    inp["edge_index_ba"] = jnp.stack([
        jax.random.randint(ks[4], (E,), 0, N_B, dtype=jnp.int32),
        jax.random.randint(ks[5], (E,), 0, N_A, dtype=jnp.int32),
    ])
    inp["batch_a"] = jnp.sort(jax.random.randint(ks[6], (N_A,), 0, G, dtype=jnp.int32))
    inp["batch_b"] = jnp.sort(jax.random.randint(ks[7], (N_B,), 0, G, dtype=jnp.int32))
    inp["emb_a"] = jax.random.normal(ks[8], (N_A, D), dtype=jnp.float32) * 0.05
    inp["emb_b"] = jax.random.normal(ks[9], (N_B, D), dtype=jnp.float32) * 0.05
    i = 10
    for l in range(2):
        for et in ["ab", "ba"]:
            inp[f"Wl_{et}_{l}"] = jax.random.normal(ks[i], (D, H), dtype=jnp.float32) / np.sqrt(D); i += 1
            inp[f"bl_{et}_{l}"] = jnp.zeros((H,), dtype=jnp.float32)
            inp[f"Wr_{et}_{l}"] = jax.random.normal(ks[i], (D, H), dtype=jnp.float32) / np.sqrt(D); i += 1
    inp["W1"] = jax.random.normal(ks[i], (H, H), dtype=jnp.float32) / np.sqrt(H); i += 1
    inp["b1"] = jnp.zeros((H,), dtype=jnp.float32)
    inp["W2"] = jax.random.normal(ks[i], (H, OUT), dtype=jnp.float32) / np.sqrt(H); i += 1
    inp["b2"] = jnp.zeros((OUT,), dtype=jnp.float32)
    return inp


def _sage(x_src, x_dst, ei, Wl, bl, Wr):
    # PyG SAGEConv: lin_l(mean_j x_j) + lin_r(x_i); lin_r has no bias
    src = ei[0]
    dst = ei[1]
    msg = jnp.take(x_src, src, axis=0)
    n_dst = x_dst.shape[0]
    s = jax.ops.segment_sum(msg, dst, num_segments=n_dst)
    cnt = jax.ops.segment_sum(jnp.ones((ei.shape[1],), msg.dtype), dst, num_segments=n_dst)
    mean = s / jnp.clip(cnt, 1.0)[:, None]
    return mean @ Wl + bl + x_dst @ Wr


def reference(x_a, x_b, edge_index_ab, edge_index_ba, batch_a, batch_b,
              emb_a, emb_b,
              Wl_ab_0, bl_ab_0, Wr_ab_0, Wl_ba_0, bl_ba_0, Wr_ba_0,
              Wl_ab_1, bl_ab_1, Wr_ab_1, Wl_ba_1, bl_ba_1, Wr_ba_1,
              W1, b1, W2, b2):
    # per-node-type embedding lookup
    h_a = jnp.take(emb_a, x_a, axis=0)
    h_b = jnp.take(emb_b, x_b, axis=0)
    # HeteroConv layer 0: edge type a->b updates b, b->a updates a (aggr='sum' trivial: one conv per dst type)
    nb = _sage(h_a, h_b, edge_index_ab, Wl_ab_0, bl_ab_0, Wr_ab_0)
    na = _sage(h_b, h_a, edge_index_ba, Wl_ba_0, bl_ba_0, Wr_ba_0)
    h_a, h_b = na, nb
    # HeteroConv layer 1
    nb = _sage(h_a, h_b, edge_index_ab, Wl_ab_1, bl_ab_1, Wr_ab_1)
    na = _sage(h_b, h_a, edge_index_ba, Wl_ba_1, bl_ba_1, Wr_ba_1)
    h_a, h_b = na, nb
    # global add pooling per node type, then sum over node types
    pa = jax.ops.segment_sum(h_a, batch_a, num_segments=G)
    pb = jax.ops.segment_sum(h_b, batch_b, num_segments=G)
    g = pa + pb
    g = jax.nn.relu(g @ W1 + b1) @ W2 + b2
    return g

if __name__ == "__main__":
    import jax
    _d = setup_inputs()
    print(jax.jit(kernel)(*tuple(_d.values())))

</pallas_src>

<mosaic_0001>
#map = affine_map<(d0, d1) -> (0, 0)>
#map1 = affine_map<(d0, d1) -> (0, 0, 0, 0)>
module attributes {stable_mosaic.version = 14 : i64} {
  func.func @_embed_body(%arg0: i32, %arg1: i32, %arg2: memref<20480x128xf32, #tpu.memory_space<hbm>>, %arg3: memref<2x16x5x128xi32, #tpu.memory_space<hbm>>, %arg4: memref<20480x128xf32, #tpu.memory_space<hbm>>, %arg5: memref<5x128xi32, #tpu.memory_space<vmem>>, %arg6: memref<128x128xf32, #tpu.memory_space<vmem>>, %arg7: memref<!tpu.dma_semaphore, #tpu.memory_space<semaphore_mem>>) attributes {dimension_semantics = [#tpu.dimension_semantics<core_parallel>, #tpu.dimension_semantics<subcore_parallel>], iteration_bounds = array<i64: 2, 16>, scalar_prefetch = 0 : i64, scratch_operands = 3 : i64, tpu.core_type = #tpu.core_type<sc_vector_subcore>, window_params = [{transform_indices = #map}, {transform_indices = #map1}, {transform_indices = #map}]} {
    "tpu.region"() ({
      %run_scoped3A = tpu.sem_alloc : memref<!tpu.dma_semaphore, #tpu.memory_space<semaphore_mem>>
      %dma_start3A_101 = arith.constant 0 : i32
      %dma_start3A_102 = arith.constant 0 : i32
      %dma_start3A_103 = tpu.memref_slice %arg3[%arg0, %arg1, %dma_start3A_101, %dma_start3A_102] : memref<2x16x5x128xi32, #tpu.memory_space<hbm>> -> memref<1x1x5x128xi32, #tpu.memory_space<hbm>>
      %dma_start3A_104 = tpu.memref_squeeze %dma_start3A_103 : memref<1x1x5x128xi32, #tpu.memory_space<hbm>> -> memref<5x128xi32, #tpu.memory_space<hbm>>
      %dma_start3A_105 = arith.constant 0 : i32
      %dma_start3A_106 = arith.constant 0 : i32
      %dma_start3A_107 = tpu.memref_slice %arg3[%arg0, %arg1, %dma_start3A_105, %dma_start3A_106] : memref<2x16x5x128xi32, #tpu.memory_space<hbm>> -> memref<1x1x5x128xi32, #tpu.memory_space<hbm>>
      %dma_start3A_108 = tpu.memref_squeeze %dma_start3A_107 : memref<1x1x5x128xi32, #tpu.memory_space<hbm>> -> memref<5x128xi32, #tpu.memory_space<hbm>>
      tpu.enqueue_dma source(%dma_start3A_108 : memref<5x128xi32, #tpu.memory_space<hbm>>) target(%arg5 : memref<5x128xi32, #tpu.memory_space<vmem>>) target_semaphore(%run_scoped3A : memref<!tpu.dma_semaphore, #tpu.memory_space<semaphore_mem>>)
      %dma_wait3A_109 = arith.constant 0 : i32
      %dma_wait3A_110 = arith.constant 0 : i32
      %dma_wait3A_111 = tpu.memref_slice %arg3[%arg0, %arg1, %dma_wait3A_109, %dma_wait3A_110] : memref<2x16x5x128xi32, #tpu.memory_space<hbm>> -> memref<1x1x5x128xi32, #tpu.memory_space<hbm>>
      %dma_wait3A_112 = tpu.memref_squeeze %dma_wait3A_111 : memref<1x1x5x128xi32, #tpu.memory_space<hbm>> -> memref<5x128xi32, #tpu.memory_space<hbm>>
      %dma_wait3A_113 = arith.constant 0 : i32
      %dma_wait3A_114 = arith.constant 0 : i32
      %dma_wait3A_115 = tpu.memref_slice %arg3[%arg0, %arg1, %dma_wait3A_113, %dma_wait3A_114] : memref<2x16x5x128xi32, #tpu.memory_space<hbm>> -> memref<1x1x5x128xi32, #tpu.memory_space<hbm>>
      %dma_wait3A_116 = tpu.memref_squeeze %dma_wait3A_115 : memref<1x1x5x128xi32, #tpu.memory_space<hbm>> -> memref<5x128xi32, #tpu.memory_space<hbm>>
      tpu.wait_dma2 semaphore(%run_scoped3A : memref<!tpu.dma_semaphore, #tpu.memory_space<semaphore_mem>>) src(%dma_wait3A_116 : memref<5x128xi32, #tpu.memory_space<hbm>>) dst(%arg5 : memref<5x128xi32, #tpu.memory_space<vmem>>)
      tpu.yield
    }) : () -> ()
    %dma_start3A = arith.constant 0 : i32
    %dma_start3A_0 = arith.constant 0 : i32
    %dma_start3A_1 = tpu.memref_slice %arg5[%dma_start3A, %dma_start3A_0] : memref<5x128xi32, #tpu.memory_space<vmem>> -> memref<1x128xi32, #tpu.memory_space<vmem>>
    %dma_start3A_2 = tpu.memref_squeeze %dma_start3A_1 : memref<1x128xi32, #tpu.memory_space<vmem>> -> memref<128xi32, #tpu.memory_space<vmem>>
    %dma_start3A_3 = arith.constant 0 : i32
    %dma_start3A_4 = arith.constant 0 : i32
    %dma_start3A_5 = tpu.memref_slice %arg2[%dma_start3A_3, %dma_start3A_4] : memref<20480x128xf32, #tpu.memory_space<hbm>> -> memref<20480x128xf32, #tpu.memory_space<hbm>>
    tpu.enqueue_indirect_dma source(%dma_start3A_5 : memref<20480x128xf32, #tpu.memory_space<hbm>>) target(%arg6 : memref<128x128xf32, #tpu.memory_space<vmem>>) offsets(%dma_start3A_2 : memref<128xi32, #tpu.memory_space<vmem>>) semaphore(%arg7 : memref<!tpu.dma_semaphore, #tpu.memory_space<semaphore_mem>>)
    %dma_wait3A = arith.constant 0 : i32
    %dma_wait3A_6 = arith.constant 0 : i32
    %dma_wait3A_7 = tpu.memref_slice %arg5[%dma_wait3A, %dma_wait3A_6] : memref<5x128xi32, #tpu.memory_space<vmem>> -> memref<1x128xi32, #tpu.memory_space<vmem>>
    %dma_wait3A_8 = tpu.memref_squeeze %dma_wait3A_7 : memref<1x128xi32, #tpu.memory_space<vmem>> -> memref<128xi32, #tpu.memory_space<vmem>>
    %dma_wait3A_9 = arith.constant 0 : i32
    %dma_wait3A_10 = arith.constant 0 : i32
    %dma_wait3A_11 = tpu.memref_slice %arg2[%dma_wait3A_9, %dma_wait3A_10] : memref<20480x128xf32, #tpu.memory_space<hbm>> -> memref<20480x128xf32, #tpu.memory_space<hbm>>
    tpu.wait_indirect_dma semaphore(%arg7 : memref<!tpu.dma_semaphore, #tpu.memory_space<semaphore_mem>>) src(%dma_wait3A_11 : memref<20480x128xf32, #tpu.memory_space<hbm>>) dst(%arg6 : memref<128x128xf32, #tpu.memory_space<vmem>>)
    %mul3A = arith.constant 10240 : i32
    %mul3A_12 = arith.muli %arg0, %mul3A : i32
    %mul3A_13 = arith.constant 640 : i32
    %mul3A_14 = arith.muli %arg1, %mul3A_13 : i32
    %add3A = arith.addi %mul3A_12, %mul3A_14 : i32
    %add3A_15 = arith.constant 0 : i32
    %add3A_16 = arith.addi %add3A, %add3A_15 : i32
    "tpu.region"() ({
      %run_scoped3A = tpu.sem_alloc : memref<!tpu.dma_semaphore, #tpu.memory_space<semaphore_mem>>
      %dma_start3A_101 = arith.constant 0 : i32
      %dma_start3A_102 = tpu.memref_slice %arg4[%add3A_16, %dma_start3A_101] : memref<20480x128xf32, #tpu.memory_space<hbm>> -> memref<128x128xf32, #tpu.memory_space<hbm>>
      %dma_start3A_103 = arith.constant 0 : i32
      %dma_start3A_104 = tpu.memref_slice %arg4[%add3A_16, %dma_start3A_103] : memref<20480x128xf32, #tpu.memory_space<hbm>> -> memref<128x128xf32, #tpu.memory_space<hbm>>
      tpu.enqueue_dma source(%arg6 : memref<128x128xf32, #tpu.memory_space<vmem>>) target(%dma_start3A_104 : memref<128x128xf32, #tpu.memory_space<hbm>>) target_semaphore(%run_scoped3A : memref<!tpu.dma_semaphore, #tpu.memory_space<semaphore_mem>>)
      %dma_wait3A_105 = arith.constant 0 : i32
      %dma_wait3A_106 = tpu.memref_slice %arg4[%add3A_16, %dma_wait3A_105] : memref<20480x128xf32, #tpu.memory_space<hbm>> -> memref<128x128xf32, #tpu.memory_space<hbm>>
      %dma_wait3A_107 = arith.constant 0 : i32
      %dma_wait3A_108 = tpu.memref_slice %arg4[%add3A_16, %dma_wait3A_107] : memref<20480x128xf32, #tpu.memory_space<hbm>> -> memref<128x128xf32, #tpu.memory_space<hbm>>
      tpu.wait_dma2 semaphore(%run_scoped3A : memref<!tpu.dma_semaphore, #tpu.memory_space<semaphore_mem>>) src(%arg6 : memref<128x128xf32, #tpu.memory_space<vmem>>) dst(%dma_wait3A_108 : memref<128x128xf32, #tpu.memory_space<hbm>>)
      tpu.yield
    }) : () -> ()
    %dma_start3A_17 = arith.constant 1 : i32
    %dma_start3A_18 = arith.constant 0 : i32
    %dma_start3A_19 = tpu.memref_slice %arg5[%dma_start3A_17, %dma_start3A_18] : memref<5x128xi32, #tpu.memory_space<vmem>> -> memref<1x128xi32, #tpu.memory_space<vmem>>
    %dma_start3A_20 = tpu.memref_squeeze %dma_start3A_19 : memref<1x128xi32, #tpu.memory_space<vmem>> -> memref<128xi32, #tpu.memory_space<vmem>>
    %dma_start3A_21 = arith.constant 0 : i32
    %dma_start3A_22 = arith.constant 0 : i32
    %dma_start3A_23 = tpu.memref_slice %arg2[%dma_start3A_21, %dma_start3A_22] : memref<20480x128xf32, #tpu.memory_space<hbm>> -> memref<20480x128xf32, #tpu.memory_space<hbm>>
    tpu.enqueue_indirect_dma source(%dma_start3A_23 : memref<20480x128xf32, #tpu.memory_space<hbm>>) target(%arg6 : memref<128x128xf32, #tpu.memory_space<vmem>>) offsets(%dma_start3A_20 : memref<128xi32, #tpu.memory_space<vmem>>) semaphore(%arg7 : memref<!tpu.dma_semaphore, #tpu.memory_space<semaphore_mem>>)
    %dma_wait3A_24 = arith.constant 1 : i32
    %dma_wait3A_25 = arith.constant 0 : i32
    %dma_wait3A_26 = tpu.memref_slice %arg5[%dma_wait3A_24, %dma_wait3A_25] : memref<5x128xi32, #tpu.memory_space<vmem>> -> memref<1x128xi32, #tpu.memory_space<vmem>>
    %dma_wait3A_27 = tpu.memref_squeeze %dma_wait3A_26 : memref<1x128xi32, #tpu.memory_space<vmem>> -> memref<128xi32, #tpu.memory_space<vmem>>
    %dma_wait3A_28 = arith.constant 0 : i32
    %dma_wait3A_29 = arith.constant 0 : i32
    %dma_wait3A_30 = tpu.memref_slice %arg2[%dma_wait3A_28, %dma_wait3A_29] : memref<20480x128xf32, #tpu.memory_space<hbm>> -> memref<20480x128xf32, #tpu.memory_space<hbm>>
    tpu.wait_indirect_dma semaphore(%arg7 : memref<!tpu.dma_semaphore, #tpu.memory_space<semaphore_mem>>) src(%dma_wait3A_30 : memref<20480x128xf32, #tpu.memory_space<hbm>>) dst(%arg6 : memref<128x128xf32, #tpu.memory_space<vmem>>)
    %mul3A_31 = arith.constant 10240 : i32
    %mul3A_32 = arith.muli %arg0, %mul3A_31 : i32
    %mul3A_33 = arith.constant 640 : i32
    %mul3A_34 = arith.muli %arg1, %mul3A_33 : i32
    %add3A_35 = arith.addi %mul3A_32, %mul3A_34 : i32
    %add3A_36 = arith.constant 128 : i32
    %add3A_37 = arith.addi %add3A_35, %add3A_36 : i32
    "tpu.region"() ({
      %run_scoped3A = tpu.sem_alloc : memref<!tpu.dma_semaphore, #tpu.memory_space<semaphore_mem>>
      %dma_start3A_101 = arith.constant 0 : i32
      %dma_start3A_102 = tpu.memref_slice %arg4[%add3A_37, %dma_start3A_101] : memref<20480x128xf32, #tpu.memory_space<hbm>> -> memref<128x128xf32, #tpu.memory_space<hbm>>
      %dma_start3A_103 = arith.constant 0 : i32
      %dma_start3A_104 = tpu.memref_slice %arg4[%add3A_37, %dma_start3A_103] : memref<20480x128xf32, #tpu.memory_space<hbm>> -> memref<128x128xf32, #tpu.memory_space<hbm>>
      tpu.enqueue_dma source(%arg6 : memref<128x128xf32, #tpu.memory_space<vmem>>) target(%dma_start3A_104 : memref<128x128xf32, #tpu.memory_space<hbm>>) target_semaphore(%run_scoped3A : memref<!tpu.dma_semaphore, #tpu.memory_space<semaphore_mem>>)
      %dma_wait3A_105 = arith.constant 0 : i32
      %dma_wait3A_106 = tpu.memref_slice %arg4[%add3A_37, %dma_wait3A_105] : memref<20480x128xf32, #tpu.memory_space<hbm>> -> memref<128x128xf32, #tpu.memory_space<hbm>>
      %dma_wait3A_107 = arith.constant 0 : i32
      %dma_wait3A_108 = tpu.memref_slice %arg4[%add3A_37, %dma_wait3A_107] : memref<20480x128xf32, #tpu.memory_space<hbm>> -> memref<128x128xf32, #tpu.memory_space<hbm>>
      tpu.wait_dma2 semaphore(%run_scoped3A : memref<!tpu.dma_semaphore, #tpu.memory_space<semaphore_mem>>) src(%arg6 : memref<128x128xf32, #tpu.memory_space<vmem>>) dst(%dma_wait3A_108 : memref<128x128xf32, #tpu.memory_space<hbm>>)
      tpu.yield
    }) : () -> ()
    %dma_start3A_38 = arith.constant 2 : i32
    %dma_start3A_39 = arith.constant 0 : i32
    %dma_start3A_40 = tpu.memref_slice %arg5[%dma_start3A_38, %dma_start3A_39] : memref<5x128xi32, #tpu.memory_space<vmem>> -> memref<1x128xi32, #tpu.memory_space<vmem>>
    %dma_start3A_41 = tpu.memref_squeeze %dma_start3A_40 : memref<1x128xi32, #tpu.memory_space<vmem>> -> memref<128xi32, #tpu.memory_space<vmem>>
    %dma_start3A_42 = arith.constant 0 : i32
    %dma_start3A_43 = arith.constant 0 : i32
    %dma_start3A_44 = tpu.memref_slice %arg2[%dma_start3A_42, %dma_start3A_43] : memref<20480x128xf32, #tpu.memory_space<hbm>> -> memref<20480x128xf32, #tpu.memory_space<hbm>>
    tpu.enqueue_indirect_dma source(%dma_start3A_44 : memref<20480x128xf32, #tpu.memory_space<hbm>>) target(%arg6 : memref<128x128xf32, #tpu.memory_space<vmem>>) offsets(%dma_start3A_41 : memref<128xi32, #tpu.memory_space<vmem>>) semaphore(%arg7 : memref<!tpu.dma_semaphore, #tpu.memory_space<semaphore_mem>>)
    %dma_wait3A_45 = arith.constant 2 : i32
    %dma_wait3A_46 = arith.constant 0 : i32
    %dma_wait3A_47 = tpu.memref_slice %arg5[%dma_wait3A_45, %dma_wait3A_46] : memref<5x128xi32, #tpu.memory_space<vmem>> -> memref<1x128xi32, #tpu.memory_space<vmem>>
    %dma_wait3A_48 = tpu.memref_squeeze %dma_wait3A_47 : memref<1x128xi32, #tpu.memory_space<vmem>> -> memref<128xi32, #tpu.memory_space<vmem>>
    %dma_wait3A_49 = arith.constant 0 : i32
    %dma_wait3A_50 = arith.constant 0 : i32
    %dma_wait3A_51 = tpu.memref_slice %arg2[%dma_wait3A_49, %dma_wait3A_50] : memref<20480x128xf32, #tpu.memory_space<hbm>> -> memref<20480x128xf32, #tpu.memory_space<hbm>>
    tpu.wait_indirect_dma semaphore(%arg7 : memref<!tpu.dma_semaphore, #tpu.memory_space<semaphore_mem>>) src(%dma_wait3A_51 : memref<20480x128xf32, #tpu.memory_space<hbm>>) dst(%arg6 : memref<128x128xf32, #tpu.memory_space<vmem>>)
    %mul3A_52 = arith.constant 10240 : i32
    %mul3A_53 = arith.muli %arg0, %mul3A_52 : i32
    %mul3A_54 = arith.constant 640 : i32
    %mul3A_55 = arith.muli %arg1, %mul3A_54 : i32
    %add3A_56 = arith.addi %mul3A_53, %mul3A_55 : i32
    %add3A_57 = arith.constant 256 : i32
    %add3A_58 = arith.addi %add3A_56, %add3A_57 : i32
    "tpu.region"() ({
      %run_scoped3A = tpu.sem_alloc : memref<!tpu.dma_semaphore, #tpu.memory_space<semaphore_mem>>
      %dma_start3A_101 = arith.constant 0 : i32
      %dma_start3A_102 = tpu.memref_slice %arg4[%add3A_58, %dma_start3A_101] : memref<20480x128xf32, #tpu.memory_space<hbm>> -> memref<128x128xf32, #tpu.memory_space<hbm>>
      %dma_start3A_103 = arith.constant 0 : i32
      %dma_start3A_104 = tpu.memref_slice %arg4[%add3A_58, %dma_start3A_103] : memref<20480x128xf32, #tpu.memory_space<hbm>> -> memref<128x128xf32, #tpu.memory_space<hbm>>
      tpu.enqueue_dma source(%arg6 : memref<128x128xf32, #tpu.memory_space<vmem>>) target(%dma_start3A_104 : memref<128x128xf32, #tpu.memory_space<hbm>>) target_semaphore(%run_scoped3A : memref<!tpu.dma_semaphore, #tpu.memory_space<semaphore_mem>>)
      %dma_wait3A_105 = arith.constant 0 : i32
      %dma_wait3A_106 = tpu.memref_slice %arg4[%add3A_58, %dma_wait3A_105] : memref<20480x128xf32, #tpu.memory_space<hbm>> -> memref<128x128xf32, #tpu.memory_space<hbm>>
      %dma_wait3A_107 = arith.constant 0 : i32
      %dma_wait3A_108 = tpu.memref_slice %arg4[%add3A_58, %dma_wait3A_107] : memref<20480x128xf32, #tpu.memory_space<hbm>> -> memref<128x128xf32, #tpu.memory_space<hbm>>
      tpu.wait_dma2 semaphore(%run_scoped3A : memref<!tpu.dma_semaphore, #tpu.memory_space<semaphore_mem>>) src(%arg6 : memref<128x128xf32, #tpu.memory_space<vmem>>) dst(%dma_wait3A_108 : memref<128x128xf32, #tpu.memory_space<hbm>>)
      tpu.yield
    }) : () -> ()
    %dma_start3A_59 = arith.constant 3 : i32
    %dma_start3A_60 = arith.constant 0 : i32
    %dma_start3A_61 = tpu.memref_slice %arg5[%dma_start3A_59, %dma_start3A_60] : memref<5x128xi32, #tpu.memory_space<vmem>> -> memref<1x128xi32, #tpu.memory_space<vmem>>
    %dma_start3A_62 = tpu.memref_squeeze %dma_start3A_61 : memref<1x128xi32, #tpu.memory_space<vmem>> -> memref<128xi32, #tpu.memory_space<vmem>>
    %dma_start3A_63 = arith.constant 0 : i32
    %dma_start3A_64 = arith.constant 0 : i32
    %dma_start3A_65 = tpu.memref_slice %arg2[%dma_start3A_63, %dma_start3A_64] : memref<20480x128xf32, #tpu.memory_space<hbm>> -> memref<20480x128xf32, #tpu.memory_space<hbm>>
    tpu.enqueue_indirect_dma source(%dma_start3A_65 : memref<20480x128xf32, #tpu.memory_space<hbm>>) target(%arg6 : memref<128x128xf32, #tpu.memory_space<vmem>>) offsets(%dma_start3A_62 : memref<128xi32, #tpu.memory_space<vmem>>) semaphore(%arg7 : memref<!tpu.dma_semaphore, #tpu.memory_space<semaphore_mem>>)
    %dma_wait3A_66 = arith.constant 3 : i32
    %dma_wait3A_67 = arith.constant 0 : i32
    %dma_wait3A_68 = tpu.memref_slice %arg5[%dma_wait3A_66, %dma_wait3A_67] : memref<5x128xi32, #tpu.memory_space<vmem>> -> memref<1x128xi32, #tpu.memory_space<vmem>>
    %dma_wait3A_69 = tpu.memref_squeeze %dma_wait3A_68 : memref<1x128xi32, #tpu.memory_space<vmem>> -> memref<128xi32, #tpu.memory_space<vmem>>
    %dma_wait3A_70 = arith.constant 0 : i32
    %dma_wait3A_71 = arith.constant 0 : i32
    %dma_wait3A_72 = tpu.memref_slice %arg2[%dma_wait3A_70, %dma_wait3A_71] : memref<20480x128xf32, #tpu.memory_space<hbm>> -> memref<20480x128xf32, #tpu.memory_space<hbm>>
    tpu.wait_indirect_dma semaphore(%arg7 : memref<!tpu.dma_semaphore, #tpu.memory_space<semaphore_mem>>) src(%dma_wait3A_72 : memref<20480x128xf32, #tpu.memory_space<hbm>>) dst(%arg6 : memref<128x128xf32, #tpu.memory_space<vmem>>)
    %mul3A_73 = arith.constant 10240 : i32
    %mul3A_74 = arith.muli %arg0, %mul3A_73 : i32
    %mul3A_75 = arith.constant 640 : i32
    %mul3A_76 = arith.muli %arg1, %mul3A_75 : i32
    %add3A_77 = arith.addi %mul3A_74, %mul3A_76 : i32
    %add3A_78 = arith.constant 384 : i32
    %add3A_79 = arith.addi %add3A_77, %add3A_78 : i32
    "tpu.region"() ({
      %run_scoped3A = tpu.sem_alloc : memref<!tpu.dma_semaphore, #tpu.memory_space<semaphore_mem>>
      %dma_start3A_101 = arith.constant 0 : i32
      %dma_start3A_102 = tpu.memref_slice %arg4[%add3A_79, %dma_start3A_101] : memref<20480x128xf32, #tpu.memory_space<hbm>> -> memref<128x128xf32, #tpu.memory_space<hbm>>
      %dma_start3A_103 = arith.constant 0 : i32
      %dma_start3A_104 = tpu.memref_slice %arg4[%add3A_79, %dma_start3A_103] : memref<20480x128xf32, #tpu.memory_space<hbm>> -> memref<128x128xf32, #tpu.memory_space<hbm>>
      tpu.enqueue_dma source(%arg6 : memref<128x128xf32, #tpu.memory_space<vmem>>) target(%dma_start3A_104 : memref<128x128xf32, #tpu.memory_space<hbm>>) target_semaphore(%run_scoped3A : memref<!tpu.dma_semaphore, #tpu.memory_space<semaphore_mem>>)
      %dma_wait3A_105 = arith.constant 0 : i32
      %dma_wait3A_106 = tpu.memref_slice %arg4[%add3A_79, %dma_wait3A_105] : memref<20480x128xf32, #tpu.memory_space<hbm>> -> memref<128x128xf32, #tpu.memory_space<hbm>>
      %dma_wait3A_107 = arith.constant 0 : i32
      %dma_wait3A_108 = tpu.memref_slice %arg4[%add3A_79, %dma_wait3A_107] : memref<20480x128xf32, #tpu.memory_space<hbm>> -> memref<128x128xf32, #tpu.memory_space<hbm>>
      tpu.wait_dma2 semaphore(%run_scoped3A : memref<!tpu.dma_semaphore, #tpu.memory_space<semaphore_mem>>) src(%arg6 : memref<128x128xf32, #tpu.memory_space<vmem>>) dst(%dma_wait3A_108 : memref<128x128xf32, #tpu.memory_space<hbm>>)
      tpu.yield
    }) : () -> ()
    %dma_start3A_80 = arith.constant 4 : i32
    %dma_start3A_81 = arith.constant 0 : i32
    %dma_start3A_82 = tpu.memref_slice %arg5[%dma_start3A_80, %dma_start3A_81] : memref<5x128xi32, #tpu.memory_space<vmem>> -> memref<1x128xi32, #tpu.memory_space<vmem>>
    %dma_start3A_83 = tpu.memref_squeeze %dma_start3A_82 : memref<1x128xi32, #tpu.memory_space<vmem>> -> memref<128xi32, #tpu.memory_space<vmem>>
    %dma_start3A_84 = arith.constant 0 : i32
    %dma_start3A_85 = arith.constant 0 : i32
    %dma_start3A_86 = tpu.memref_slice %arg2[%dma_start3A_84, %dma_start3A_85] : memref<20480x128xf32, #tpu.memory_space<hbm>> -> memref<20480x128xf32, #tpu.memory_space<hbm>>
    tpu.enqueue_indirect_dma source(%dma_start3A_86 : memref<20480x128xf32, #tpu.memory_space<hbm>>) target(%arg6 : memref<128x128xf32, #tpu.memory_space<vmem>>) offsets(%dma_start3A_83 : memref<128xi32, #tpu.memory_space<vmem>>) semaphore(%arg7 : memref<!tpu.dma_semaphore, #tpu.memory_space<semaphore_mem>>)
    %dma_wait3A_87 = arith.constant 4 : i32
    %dma_wait3A_88 = arith.constant 0 : i32
    %dma_wait3A_89 = tpu.memref_slice %arg5[%dma_wait3A_87, %dma_wait3A_88] : memref<5x128xi32, #tpu.memory_space<vmem>> -> memref<1x128xi32, #tpu.memory_space<vmem>>
    %dma_wait3A_90 = tpu.memref_squeeze %dma_wait3A_89 : memref<1x128xi32, #tpu.memory_space<vmem>> -> memref<128xi32, #tpu.memory_space<vmem>>
    %dma_wait3A_91 = arith.constant 0 : i32
    %dma_wait3A_92 = arith.constant 0 : i32
    %dma_wait3A_93 = tpu.memref_slice %arg2[%dma_wait3A_91, %dma_wait3A_92] : memref<20480x128xf32, #tpu.memory_space<hbm>> -> memref<20480x128xf32, #tpu.memory_space<hbm>>
    tpu.wait_indirect_dma semaphore(%arg7 : memref<!tpu.dma_semaphore, #tpu.memory_space<semaphore_mem>>) src(%dma_wait3A_93 : memref<20480x128xf32, #tpu.memory_space<hbm>>) dst(%arg6 : memref<128x128xf32, #tpu.memory_space<vmem>>)
    %mul3A_94 = arith.constant 10240 : i32
    %mul3A_95 = arith.muli %arg0, %mul3A_94 : i32
    %mul3A_96 = arith.constant 640 : i32
    %mul3A_97 = arith.muli %arg1, %mul3A_96 : i32
    %add3A_98 = arith.addi %mul3A_95, %mul3A_97 : i32
    %add3A_99 = arith.constant 512 : i32
    %add3A_100 = arith.addi %add3A_98, %add3A_99 : i32
    "tpu.region"() ({
      %run_scoped3A = tpu.sem_alloc : memref<!tpu.dma_semaphore, #tpu.memory_space<semaphore_mem>>
      %dma_start3A_101 = arith.constant 0 : i32
      %dma_start3A_102 = tpu.memref_slice %arg4[%add3A_100, %dma_start3A_101] : memref<20480x128xf32, #tpu.memory_space<hbm>> -> memref<128x128xf32, #tpu.memory_space<hbm>>
      %dma_start3A_103 = arith.constant 0 : i32
      %dma_start3A_104 = tpu.memref_slice %arg4[%add3A_100, %dma_start3A_103] : memref<20480x128xf32, #tpu.memory_space<hbm>> -> memref<128x128xf32, #tpu.memory_space<hbm>>
      tpu.enqueue_dma source(%arg6 : memref<128x128xf32, #tpu.memory_space<vmem>>) target(%dma_start3A_104 : memref<128x128xf32, #tpu.memory_space<hbm>>) target_semaphore(%run_scoped3A : memref<!tpu.dma_semaphore, #tpu.memory_space<semaphore_mem>>)
      %dma_wait3A_105 = arith.constant 0 : i32
      %dma_wait3A_106 = tpu.memref_slice %arg4[%add3A_100, %dma_wait3A_105] : memref<20480x128xf32, #tpu.memory_space<hbm>> -> memref<128x128xf32, #tpu.memory_space<hbm>>
      %dma_wait3A_107 = arith.constant 0 : i32
      %dma_wait3A_108 = tpu.memref_slice %arg4[%add3A_100, %dma_wait3A_107] : memref<20480x128xf32, #tpu.memory_space<hbm>> -> memref<128x128xf32, #tpu.memory_space<hbm>>
      tpu.wait_dma2 semaphore(%run_scoped3A : memref<!tpu.dma_semaphore, #tpu.memory_space<semaphore_mem>>) src(%arg6 : memref<128x128xf32, #tpu.memory_space<vmem>>) dst(%dma_wait3A_108 : memref<128x128xf32, #tpu.memory_space<hbm>>)
      tpu.yield
    }) : () -> ()
    return
  }
}

#map = affine_map<(d0, d1) -> (0, 0, 0, 0, 0)>
#map1 = affine_map<(d0, d1) -> (0)>
module attributes {stable_mosaic.version = 14 : i64} {
  func.func @_counts_body(%arg0: i32, %arg1: i32, %arg2: memref<2x16x5x50x80xi32, #tpu.memory_space<hbm>>, %arg3: memref<20480xf32, #tpu.memory_space<hbm>>, %arg4: memref<50x80xi32, #tpu.memory_space<vmem>>, %arg5: memref<80xf32, #tpu.memory_space<vmem>>, %arg6: memref<640xf32, #tpu.memory_space<vmem>>, %arg7: memref<10240xf32, #tpu.memory_space<vmem_shared>>) attributes {dimension_semantics = [#tpu.dimension_semantics<core_parallel>, #tpu.dimension_semantics<subcore_parallel>], iteration_bounds = array<i64: 2, 16>, scalar_prefetch = 0 : i64, scratch_operands = 4 : i64, tpu.core_type = #tpu.core_type<sc_vector_subcore>, window_params = [{transform_indices = #map}, {transform_indices = #map1}]} {
    %broadcast_in_dim3A = arith.constant 0.000000e+00 : f32
    %broadcast_in_dim3A_0 = vector.broadcast %broadcast_in_dim3A : f32 to vector<16xf32>
    %swap3A = arith.constant 0 : index
    %swap3A_1 = tpu.vector_load %arg6[%swap3A] {strides = array<i32>} : memref<640xf32, #tpu.memory_space<vmem>>, vector<16xf32>,
    %swap3A_2 = vector.shape_cast %swap3A_1 : vector<16xf32> to vector<16xf32>
    %swap3A_3 = vector.shape_cast %broadcast_in_dim3A_0 : vector<16xf32> to vector<16xf32>
    tpu.vector_store %arg6[%swap3A], %swap3A_3 {strides = array<i32>} : memref<640xf32, #tpu.memory_space<vmem>>, vector<16xf32>,
    %broadcast_in_dim3A_4 = arith.constant 0.000000e+00 : f32
    %broadcast_in_dim3A_5 = vector.broadcast %broadcast_in_dim3A_4 : f32 to vector<16xf32>
    %swap3A_6 = arith.constant 16 : index
    %swap3A_7 = tpu.vector_load %arg6[%swap3A_6] {strides = array<i32>} : memref<640xf32, #tpu.memory_space<vmem>>, vector<16xf32>,
    %swap3A_8 = vector.shape_cast %swap3A_7 : vector<16xf32> to vector<16xf32>
    %swap3A_9 = vector.shape_cast %broadcast_in_dim3A_5 : vector<16xf32> to vector<16xf32>
    tpu.vector_store %arg6[%swap3A_6], %swap3A_9 {strides = array<i32>} : memref<640xf32, #tpu.memory_space<vmem>>, vector<16xf32>,
    %broadcast_in_dim3A_10 = arith.constant 0.000000e+00 : f32
    %broadcast_in_dim3A_11 = vector.broadcast %broadcast_in_dim3A_10 : f32 to vector<16xf32>
    %swap3A_12 = arith.constant 32 : index
    %swap3A_13 = tpu.vector_load %arg6[%swap3A_12] {strides = array<i32>} : memref<640xf32, #tpu.memory_space<vmem>>, vector<16xf32>,
    %swap3A_14 = vector.shape_cast %swap3A_13 : vector<16xf32> to vector<16xf32>
    %swap3A_15 = vector.shape_cast %broadcast_in_dim3A_11 : vector<16xf32> to vector<16xf32>
    tpu.vector_store %arg6[%swap3A_12], %swap3A_15 {strides = array<i32>} : memref<640xf32, #tpu.memory_space<vmem>>, vector<16xf32>,
    %broadcast_in_dim3A_16 = arith.constant 0.000000e+00 : f32
    %broadcast_in_dim3A_17 = vector.broadcast %broadcast_in_dim3A_16 : f32 to vector<16xf32>
    %swap3A_18 = arith.constant 48 : index
    %swap3A_19 = tpu.vector_load %arg6[%swap3A_18] {strides = array<i32>} : memref<640xf32, #tpu.memory_space<vmem>>, vector<16xf32>,
    %swap3A_20 = vector.shape_cast %swap3A_19 : vector<16xf32> to vector<16xf32>
    %swap3A_21 = vector.shape_cast %broadcast_in_dim3A_17 : vector<16xf32> to vector<16xf32>
    tpu.vector_store %arg6[%swap3A_18], %swap3A_21 {strides = array<i32>} : memref<640xf32, #tpu.memory_space<vmem>>, vector<16xf32>,
    %broadcast_in_dim3A_22 = arith.constant 0.000000e+00 : f32
    %broadcast_in_dim3A_23 = vector.broadcast %broadcast_in_dim3A_22 : f32 to vector<16xf32>
    %swap3A_24 = arith.constant 64 : index
    %swap3A_25 = tpu.vector_load %arg6[%swap3A_24] {strides = array<i32>} : memref<640xf32, #tpu.memory_space<vmem>>, vector<16xf32>,
    %swap3A_26 = vector.shape_cast %swap3A_25 : vector<16xf32> to vector<16xf32>
    %swap3A_27 = vector.shape_cast %broadcast_in_dim3A_23 : vector<16xf32> to vector<16xf32>
    tpu.vector_store %arg6[%swap3A_24], %swap3A_27 {strides = array<i32>} : memref<640xf32, #tpu.memory_space<vmem>>, vector<16xf32>,
    %broadcast_in_dim3A_28 = arith.constant 0.000000e+00 : f32
    %broadcast_in_dim3A_29 = vector.broadcast %broadcast_in_dim3A_28 : f32 to vector<16xf32>
    %swap3A_30 = arith.constant 80 : index
    %swap3A_31 = tpu.vector_load %arg6[%swap3A_30] {strides = array<i32>} : memref<640xf32, #tpu.memory_space<vmem>>, vector<16xf32>,
    %swap3A_32 = vector.shape_cast %swap3A_31 : vector<16xf32> to vector<16xf32>
    %swap3A_33 = vector.shape_cast %broadcast_in_dim3A_29 : vector<16xf32> to vector<16xf32>
    tpu.vector_store %arg6[%swap3A_30], %swap3A_33 {strides = array<i32>} : memref<640xf32, #tpu.memory_space<vmem>>, vector<16xf32>,
    %broadcast_in_dim3A_34 = arith.constant 0.000000e+00 : f32
    %broadcast_in_dim3A_35 = vector.broadcast %broadcast_in_dim3A_34 : f32 to vector<16xf32>
    %swap3A_36 = arith.constant 96 : index
    %swap3A_37 = tpu.vector_load %arg6[%swap3A_36] {strides = array<i32>} : memref<640xf32, #tpu.memory_space<vmem>>, vector<16xf32>,
    %swap3A_38 = vector.shape_cast %swap3A_37 : vector<16xf32> to vector<16xf32>
    %swap3A_39 = vector.shape_cast %broadcast_in_dim3A_35 : vector<16xf32> to vector<16xf32>
    tpu.vector_store %arg6[%swap3A_36], %swap3A_39 {strides = array<i32>} : memref<640xf32, #tpu.memory_space<vmem>>, vector<16xf32>,
    %broadcast_in_dim3A_40 = arith.constant 0.000000e+00 : f32
    %broadcast_in_dim3A_41 = vector.broadcast %broadcast_in_dim3A_40 : f32 to vector<16xf32>
    %swap3A_42 = arith.constant 112 : index
    %swap3A_43 = tpu.vector_load %arg6[%swap3A_42] {strides = array<i32>} : memref<640xf32, #tpu.memory_space<vmem>>, vector<16xf32>,
    %swap3A_44 = vector.shape_cast %swap3A_43 : vector<16xf32> to vector<16xf32>
    %swap3A_45 = vector.shape_cast %broadcast_in_dim3A_41 : vector<16xf32> to vector<16xf32>
    tpu.vector_store %arg6[%swap3A_42], %swap3A_45 {strides = array<i32>} : memref<640xf32, #tpu.memory_space<vmem>>, vector<16xf32>,
    %broadcast_in_dim3A_46 = arith.constant 0.000000e+00 : f32
    %broadcast_in_dim3A_47 = vector.broadcast %broadcast_in_dim3A_46 : f32 to vector<16xf32>
    %swap3A_48 = arith.constant 128 : index
    %swap3A_49 = tpu.vector_load %arg6[%swap3A_48] {strides = array<i32>} : memref<640xf32, #tpu.memory_space<vmem>>, vector<16xf32>,
    %swap3A_50 = vector.shape_cast %swap3A_49 : vector<16xf32> to vector<16xf32>
    %swap3A_51 = vector.shape_cast %broadcast_in_dim3A_47 : vector<16xf32> to vector<16xf32>
    tpu.vector_store %arg6[%swap3A_48], %swap3A_51 {strides = array<i32>} : memref<640xf32, #tpu.memory_space<vmem>>, vector<16xf32>,
    %broadcast_in_dim3A_52 = arith.constant 0.000000e+00 : f32
    %broadcast_in_dim3A_53 = vector.broadcast %broadcast_in_dim3A_52 : f32 to vector<16xf32>
    %swap3A_54 = arith.constant 144 : index
    %swap3A_55 = tpu.vector_load %arg6[%swap3A_54] {strides = array<i32>} : memref<640xf32, #tpu.memory_space<vmem>>, vector<16xf32>,
    %swap3A_56 = vector.shape_cast %swap3A_55 : vector<16xf32> to vector<16xf32>
    %swap3A_57 = vector.shape_cast %broadcast_in_dim3A_53 : vector<16xf32> to vector<16xf32>
    tpu.vector_store %arg6[%swap3A_54], %swap3A_57 {strides = array<i32>} : memref<640xf32, #tpu.memory_space<vmem>>, vector<16xf32>,
    %broadcast_in_dim3A_58 = arith.constant 0.000000e+00 : f32
    %broadcast_in_dim3A_59 = vector.broadcast %broadcast_in_dim3A_58 : f32 to vector<16xf32>
    %swap3A_60 = arith.constant 160 : index
    %swap3A_61 = tpu.vector_load %arg6[%swap3A_60] {strides = array<i32>} : memref<640xf32, #tpu.memory_space<vmem>>, vector<16xf32>,
    %swap3A_62 = vector.shape_cast %swap3A_61 : vector<16xf32> to vector<16xf32>
    %swap3A_63 = vector.shape_cast %broadcast_in_dim3A_59 : vector<16xf32> to vector<16xf32>
    tpu.vector_store %arg6[%swap3A_60], %swap3A_63 {strides = array<i32>} : memref<640xf32, #tpu.memory_space<vmem>>, vector<16xf32>,
    %broadcast_in_dim3A_64 = arith.constant 0.000000e+00 : f32
    %broadcast_in_dim3A_65 = vector.broadcast %broadcast_in_dim3A_64 : f32 to vector<16xf32>
    %swap3A_66 = arith.constant 176 : index
    %swap3A_67 = tpu.vector_load %arg6[%swap3A_66] {strides = array<i32>} : memref<640xf32, #tpu.memory_space<vmem>>, vector<16xf32>,
    %swap3A_68 = vector.shape_cast %swap3A_67 : vector<16xf32> to vector<16xf32>
    %swap3A_69 = vector.shape_cast %broadcast_in_dim3A_65 : vector<16xf32> to vector<16xf32>
    tpu.vector_store %arg6[%swap3A_66], %swap3A_69 {strides = array<i32>} : memref<640xf32, #tpu.memory_space<vmem>>, vector<16xf32>,
    %broadcast_in_dim3A_70 = arith.constant 0.000000e+00 : f32
    %broadcast_in_dim3A_71 = vector.broadcast %broadcast_in_dim3A_70 : f32 to vector<16xf32>
    %swap3A_72 = arith.constant 192 : index
    %swap3A_73 = tpu.vector_load %arg6[%swap3A_72] {strides = array<i32>} : memref<640xf32, #tpu.memory_space<vmem>>, vector<16xf32>,
    %swap3A_74 = vector.shape_cast %swap3A_73 : vector<16xf32> to vector<16xf32>
    %swap3A_75 = vector.shape_cast %broadcast_in_dim3A_71 : vector<16xf32> to vector<16xf32>
    tpu.vector_store %arg6[%swap3A_72], %swap3A_75 {strides = array<i32>} : memref<640xf32, #tpu.memory_space<vmem>>, vector<16xf32>,
    %broadcast_in_dim3A_76 = arith.constant 0.000000e+00 : f32
    %broadcast_in_dim3A_77 = vector.broadcast %broadcast_in_dim3A_76 : f32 to vector<16xf32>
    %swap3A_78 = arith.constant 208 : index
    %swap3A_79 = tpu.vector_load %arg6[%swap3A_78] {strides = array<i32>} : memref<640xf32, #tpu.memory_space<vmem>>, vector<16xf32>,
    %swap3A_80 = vector.shape_cast %swap3A_79 : vector<16xf32> to vector<16xf32>
    %swap3A_81 = vector.shape_cast %broadcast_in_dim3A_77 : vector<16xf32> to vector<16xf32>
    tpu.vector_store %arg6[%swap3A_78], %swap3A_81 {strides = array<i32>} : memref<640xf32, #tpu.memory_space<vmem>>, vector<16xf32>,
    %broadcast_in_dim3A_82 = arith.constant 0.000000e+00 : f32
    %broadcast_in_dim3A_83 = vector.broadcast %broadcast_in_dim3A_82 : f32 to vector<16xf32>
    %swap3A_84 = arith.constant 224 : index
    %swap3A_85 = tpu.vector_load %arg6[%swap3A_84] {strides = array<i32>} : memref<640xf32, #tpu.memory_space<vmem>>, vector<16xf32>,
    %swap3A_86 = vector.shape_cast %swap3A_85 : vector<16xf32> to vector<16xf32>
    %swap3A_87 = vector.shape_cast %broadcast_in_dim3A_83 : vector<16xf32> to vector<16xf32>
    tpu.vector_store %arg6[%swap3A_84], %swap3A_87 {strides = array<i32>} : memref<640xf32, #tpu.memory_space<vmem>>, vector<16xf32>,
    %broadcast_in_dim3A_88 = arith.constant 0.000000e+00 : f32
    %broadcast_in_dim3A_89 = vector.broadcast %broadcast_in_dim3A_88 : f32 to vector<16xf32>
    %swap3A_90 = arith.constant 240 : index
    %swap3A_91 = tpu.vector_load %arg6[%swap3A_90] {strides = array<i32>} : memref<640xf32, #tpu.memory_space<vmem>>, vector<16xf32>,
    %swap3A_92 = vector.shape_cast %swap3A_91 : vector<16xf32> to vector<16xf32>
    %swap3A_93 = vector.shape_cast %broadcast_in_dim3A_89 : vector<16xf32> to vector<16xf32>
    tpu.vector_store %arg6[%swap3A_90], %swap3A_93 {strides = array<i32>} : memref<640xf32, #tpu.memory_space<vmem>>, vector<16xf32>,
    %broadcast_in_dim3A_94 = arith.constant 0.000000e+00 : f32
    %broadcast_in_dim3A_95 = vector.broadcast %broadcast_in_dim3A_94 : f32 to vector<16xf32>
    %swap3A_96 = arith.constant 256 : index
    %swap3A_97 = tpu.vector_load %arg6[%swap3A_96] {strides = array<i32>} : memref<640xf32, #tpu.memory_space<vmem>>, vector<16xf32>,
    %swap3A_98 = vector.shape_cast %swap3A_97 : vector<16xf32> to vector<16xf32>
    %swap3A_99 = vector.shape_cast %broadcast_in_dim3A_95 : vector<16xf32> to vector<16xf32>
    tpu.vector_store %arg6[%swap3A_96], %swap3A_99 {strides = array<i32>} : memref<640xf32, #tpu.memory_space<vmem>>, vector<16xf32>,
    %broadcast_in_dim3A_100 = arith.constant 0.000000e+00 : f32
    %broadcast_in_dim3A_101 = vector.broadcast %broadcast_in_dim3A_100 : f32 to vector<16xf32>
    %swap3A_102 = arith.constant 272 : index
    %swap3A_103 = tpu.vector_load %arg6[%swap3A_102] {strides = array<i32>} : memref<640xf32, #tpu.memory_space<vmem>>, vector<16xf32>,
    %swap3A_104 = vector.shape_cast %swap3A_103 : vector<16xf32> to vector<16xf32>
    %swap3A_105 = vector.shape_cast %broadcast_in_dim3A_101 : vector<16xf32> to vector<16xf32>
    tpu.vector_store %arg6[%swap3A_102], %swap3A_105 {strides = array<i32>} : memref<640xf32, #tpu.memory_space<vmem>>, vector<16xf32>,
    %broadcast_in_dim3A_106 = arith.constant 0.000000e+00 : f32
    %broadcast_in_dim3A_107 = vector.broadcast %broadcast_in_dim3A_106 : f32 to vector<16xf32>
    %swap3A_108 = arith.constant 288 : index
    %swap3A_109 = tpu.vector_load %arg6[%swap3A_108] {strides = array<i32>} : memref<640xf32, #tpu.memory_space<vmem>>, vector<16xf32>,
    %swap3A_110 = vector.shape_cast %swap3A_109 : vector<16xf32> to vector<16xf32>
    %swap3A_111 = vector.shape_cast %broadcast_in_dim3A_107 : vector<16xf32> to vector<16xf32>
    tpu.vector_store %arg6[%swap3A_108], %swap3A_111 {strides = array<i32>} : memref<640xf32, #tpu.memory_space<vmem>>, vector<16xf32>,
    %broadcast_in_dim3A_112 = arith.constant 0.000000e+00 : f32
    %broadcast_in_dim3A_113 = vector.broadcast %broadcast_in_dim3A_112 : f32 to vector<16xf32>
    %swap3A_114 = arith.constant 304 : index
    %swap3A_115 = tpu.vector_load %arg6[%swap3A_114] {strides = array<i32>} : memref<640xf32, #tpu.memory_space<vmem>>, vector<16xf32>,
    %swap3A_116 = vector.shape_cast %swap3A_115 : vector<16xf32> to vector<16xf32>
    %swap3A_117 = vector.shape_cast %broadcast_in_dim3A_113 : vector<16xf32> to vector<16xf32>
    tpu.vector_store %arg6[%swap3A_114], %swap3A_117 {strides = array<i32>} : memref<640xf32, #tpu.memory_space<vmem>>, vector<16xf32>,
    %broadcast_in_dim3A_118 = arith.constant 0.000000e+00 : f32
    %broadcast_in_dim3A_119 = vector.broadcast %broadcast_in_dim3A_118 : f32 to vector<16xf32>
    %swap3A_120 = arith.constant 320 : index
    %swap3A_121 = tpu.vector_load %arg6[%swap3A_120] {strides = array<i32>} : memref<640xf32, #tpu.memory_space<vmem>>, vector<16xf32>,
    %swap3A_122 = vector.shape_cast %swap3A_121 : vector<16xf32> to vector<16xf32>
    %swap3A_123 = vector.shape_cast %broadcast_in_dim3A_119 : vector<16xf32> to vector<16xf32>
    tpu.vector_store %arg6[%swap3A_120], %swap3A_123 {strides = array<i32>} : memref<640xf32, #tpu.memory_space<vmem>>, vector<16xf32>,
    %broadcast_in_dim3A_124 = arith.constant 0.000000e+00 : f32
    %broadcast_in_dim3A_125 = vector.broadcast %broadcast_in_dim3A_124 : f32 to vector<16xf32>
    %swap3A_126 = arith.constant 336 : index
    %swap3A_127 = tpu.vector_load %arg6[%swap3A_126] {strides = array<i32>} : memref<640xf32, #tpu.memory_space<vmem>>, vector<16xf32>,
    %swap3A_128 = vector.shape_cast %swap3A_127 : vector<16xf32> to vector<16xf32>
    %swap3A_129 = vector.shape_cast %broadcast_in_dim3A_125 : vector<16xf32> to vector<16xf32>
    tpu.vector_store %arg6[%swap3A_126], %swap3A_129 {strides = array<i32>} : memref<640xf32, #tpu.memory_space<vmem>>, vector<16xf32>,
    %broadcast_in_dim3A_130 = arith.constant 0.000000e+00 : f32
    %broadcast_in_dim3A_131 = vector.broadcast %broadcast_in_dim3A_130 : f32 to vector<16xf32>
    %swap3A_132 = arith.constant 352 : index
    %swap3A_133 = tpu.vector_load %arg6[%swap3A_132] {strides = array<i32>} : memref<640xf32, #tpu.memory_space<vmem>>, vector<16xf32>,
    %swap3A_134 = vector.shape_cast %swap3A_133 : vector<16xf32> to vector<16xf32>
    %swap3A_135 = vector.shape_cast %broadcast_in_dim3A_131 : vector<16xf32> to vector<16xf32>
    tpu.vector_store %arg6[%swap3A_132], %swap3A_135 {strides = array<i32>} : memref<640xf32, #tpu.memory_space<vmem>>, vector<16xf32>,
    %broadcast_in_dim3A_136 = arith.constant 0.000000e+00 : f32
    %broadcast_in_dim3A_137 = vector.broadcast %broadcast_in_dim3A_136 : f32 to vector<16xf32>
    %swap3A_138 = arith.constant 368 : index
    %swap3A_139 = tpu.vector_load %arg6[%swap3A_138] {strides = array<i32>} : memref<640xf32, #tpu.memory_space<vmem>>, vector<16xf32>,
    %swap3A_140 = vector.shape_cast %swap3A_139 : vector<16xf32> to vector<16xf32>
    %swap3A_141 = vector.shape_cast %broadcast_in_dim3A_137 : vector<16xf32> to vector<16xf32>
    tpu.vector_store %arg6[%swap3A_138], %swap3A_141 {strides = array<i32>} : memref<640xf32, #tpu.memory_space<vmem>>, vector<16xf32>,
    %broadcast_in_dim3A_142 = arith.constant 0.000000e+00 : f32
    %broadcast_in_dim3A_143 = vector.broadcast %broadcast_in_dim3A_142 : f32 to vector<16xf32>
    %swap3A_144 = arith.constant 384 : index
    %swap3A_145 = tpu.vector_load %arg6[%swap3A_144] {strides = array<i32>} : memref<640xf32, #tpu.memory_space<vmem>>, vector<16xf32>,
    %swap3A_146 = vector.shape_cast %swap3A_145 : vector<16xf32> to vector<16xf32>
    %swap3A_147 = vector.shape_cast %broadcast_in_dim3A_143 : vector<16xf32> to vector<16xf32>
    tpu.vector_store %arg6[%swap3A_144], %swap3A_147 {strides = array<i32>} : memref<640xf32, #tpu.memory_space<vmem>>, vector<16xf32>,
    %broadcast_in_dim3A_148 = arith.constant 0.000000e+00 : f32
    %broadcast_in_dim3A_149 = vector.broadcast %broadcast_in_dim3A_148 : f32 to vector<16xf32>
    %swap3A_150 = arith.constant 400 : index
    %swap3A_151 = tpu.vector_load %arg6[%swap3A_150] {strides = array<i32>} : memref<640xf32, #tpu.memory_space<vmem>>, vector<16xf32>,
    %swap3A_152 = vector.shape_cast %swap3A_151 : vector<16xf32> to vector<16xf32>
    %swap3A_153 = vector.shape_cast %broadcast_in_dim3A_149 : vector<16xf32> to vector<16xf32>
    tpu.vector_store %arg6[%swap3A_150], %swap3A_153 {strides = array<i32>} : memref<640xf32, #tpu.memory_space<vmem>>, vector<16xf32>,
    %broadcast_in_dim3A_154 = arith.constant 0.000000e+00 : f32
    %broadcast_in_dim3A_155 = vector.broadcast %broadcast_in_dim3A_154 : f32 to vector<16xf32>
    %swap3A_156 = arith.constant 416 : index
    %swap3A_157 = tpu.vector_load %arg6[%swap3A_156] {strides = array<i32>} : memref<640xf32, #tpu.memory_space<vmem>>, vector<16xf32>,
    %swap3A_158 = vector.shape_cast %swap3A_157 : vector<16xf32> to vector<16xf32>
    %swap3A_159 = vector.shape_cast %broadcast_in_dim3A_155 : vector<16xf32> to vector<16xf32>
    tpu.vector_store %arg6[%swap3A_156], %swap3A_159 {strides = array<i32>} : memref<640xf32, #tpu.memory_space<vmem>>, vector<16xf32>,
    %broadcast_in_dim3A_160 = arith.constant 0.000000e+00 : f32
    %broadcast_in_dim3A_161 = vector.broadcast %broadcast_in_dim3A_160 : f32 to vector<16xf32>
    %swap3A_162 = arith.constant 432 : index
    %swap3A_163 = tpu.vector_load %arg6[%swap3A_162] {strides = array<i32>} : memref<640xf32, #tpu.memory_space<vmem>>, vector<16xf32>,
    %swap3A_164 = vector.shape_cast %swap3A_163 : vector<16xf32> to vector<16xf32>
    %swap3A_165 = vector.shape_cast %broadcast_in_dim3A_161 : vector<16xf32> to vector<16xf32>
    tpu.vector_store %arg6[%swap3A_162], %swap3A_165 {strides = array<i32>} : memref<640xf32, #tpu.memory_space<vmem>>, vector<16xf32>,
    %broadcast_in_dim3A_166 = arith.constant 0.000000e+00 : f32
    %broadcast_in_dim3A_167 = vector.broadcast %broadcast_in_dim3A_166 : f32 to vector<16xf32>
    %swap3A_168 = arith.constant 448 : index
    %swap3A_169 = tpu.vector_load %arg6[%swap3A_168] {strides = array<i32>} : memref<640xf32, #tpu.memory_space<vmem>>, vector<16xf32>,
    %swap3A_170 = vector.shape_cast %swap3A_169 : vector<16xf32> to vector<16xf32>
    %swap3A_171 = vector.shape_cast %broadcast_in_dim3A_167 : vector<16xf32> to vector<16xf32>
    tpu.vector_store %arg6[%swap3A_168], %swap3A_171 {strides = array<i32>} : memref<640xf32, #tpu.memory_space<vmem>>, vector<16xf32>,
    %broadcast_in_dim3A_172 = arith.constant 0.000000e+00 : f32
    %broadcast_in_dim3A_173 = vector.broadcast %broadcast_in_dim3A_172 : f32 to vector<16xf32>
    %swap3A_174 = arith.constant 464 : index
    %swap3A_175 = tpu.vector_load %arg6[%swap3A_174] {strides = array<i32>} : memref<640xf32, #tpu.memory_space<vmem>>, vector<16xf32>,
    %swap3A_176 = vector.shape_cast %swap3A_175 : vector<16xf32> to vector<16xf32>
    %swap3A_177 = vector.shape_cast %broadcast_in_dim3A_173 : vector<16xf32> to vector<16xf32>
    tpu.vector_store %arg6[%swap3A_174], %swap3A_177 {strides = array<i32>} : memref<640xf32, #tpu.memory_space<vmem>>, vector<16xf32>,
    %broadcast_in_dim3A_178 = arith.constant 0.000000e+00 : f32
    %broadcast_in_dim3A_179 = vector.broadcast %broadcast_in_dim3A_178 : f32 to vector<16xf32>
    %swap3A_180 = arith.constant 480 : index
    %swap3A_181 = tpu.vector_load %arg6[%swap3A_180] {strides = array<i32>} : memref<640xf32, #tpu.memory_space<vmem>>, vector<16xf32>,
    %swap3A_182 = vector.shape_cast %swap3A_181 : vector<16xf32> to vector<16xf32>
    %swap3A_183 = vector.shape_cast %broadcast_in_dim3A_179 : vector<16xf32> to vector<16xf32>
    tpu.vector_store %arg6[%swap3A_180], %swap3A_183 {strides = array<i32>} : memref<640xf32, #tpu.memory_space<vmem>>, vector<16xf32>,
    %broadcast_in_dim3A_184 = arith.constant 0.000000e+00 : f32
    %broadcast_in_dim3A_185 = vector.broadcast %broadcast_in_dim3A_184 : f32 to vector<16xf32>
    %swap3A_186 = arith.constant 496 : index
    %swap3A_187 = tpu.vector_load %arg6[%swap3A_186] {strides = array<i32>} : memref<640xf32, #tpu.memory_space<vmem>>, vector<16xf32>,
    %swap3A_188 = vector.shape_cast %swap3A_187 : vector<16xf32> to vector<16xf32>
    %swap3A_189 = vector.shape_cast %broadcast_in_dim3A_185 : vector<16xf32> to vector<16xf32>
    tpu.vector_store %arg6[%swap3A_186], %swap3A_189 {strides = array<i32>} : memref<640xf32, #tpu.memory_space<vmem>>, vector<16xf32>,
    %broadcast_in_dim3A_190 = arith.constant 0.000000e+00 : f32
    %broadcast_in_dim3A_191 = vector.broadcast %broadcast_in_dim3A_190 : f32 to vector<16xf32>
    %swap3A_192 = arith.constant 512 : index
    %swap3A_193 = tpu.vector_load %arg6[%swap3A_192] {strides = array<i32>} : memref<640xf32, #tpu.memory_space<vmem>>, vector<16xf32>,
    %swap3A_194 = vector.shape_cast %swap3A_193 : vector<16xf32> to vector<16xf32>
    %swap3A_195 = vector.shape_cast %broadcast_in_dim3A_191 : vector<16xf32> to vector<16xf32>
    tpu.vector_store %arg6[%swap3A_192], %swap3A_195 {strides = array<i32>} : memref<640xf32, #tpu.memory_space<vmem>>, vector<16xf32>,
    %broadcast_in_dim3A_196 = arith.constant 0.000000e+00 : f32
    %broadcast_in_dim3A_197 = vector.broadcast %broadcast_in_dim3A_196 : f32 to vector<16xf32>
    %swap3A_198 = arith.constant 528 : index
    %swap3A_199 = tpu.vector_load %arg6[%swap3A_198] {strides = array<i32>} : memref<640xf32, #tpu.memory_space<vmem>>, vector<16xf32>,
    %swap3A_200 = vector.shape_cast %swap3A_199 : vector<16xf32> to vector<16xf32>
    %swap3A_201 = vector.shape_cast %broadcast_in_dim3A_197 : vector<16xf32> to vector<16xf32>
    tpu.vector_store %arg6[%swap3A_198], %swap3A_201 {strides = array<i32>} : memref<640xf32, #tpu.memory_space<vmem>>, vector<16xf32>,
    %broadcast_in_dim3A_202 = arith.constant 0.000000e+00 : f32
    %broadcast_in_dim3A_203 = vector.broadcast %broadcast_in_dim3A_202 : f32 to vector<16xf32>
    %swap3A_204 = arith.constant 544 : index
    %swap3A_205 = tpu.vector_load %arg6[%swap3A_204] {strides = array<i32>} : memref<640xf32, #tpu.memory_space<vmem>>, vector<16xf32>,
    %swap3A_206 = vector.shape_cast %swap3A_205 : vector<16xf32> to vector<16xf32>
    %swap3A_207 = vector.shape_cast %broadcast_in_dim3A_203 : vector<16xf32> to vector<16xf32>
    tpu.vector_store %arg6[%swap3A_204], %swap3A_207 {strides = array<i32>} : memref<640xf32, #tpu.memory_space<vmem>>, vector<16xf32>,
    %broadcast_in_dim3A_208 = arith.constant 0.000000e+00 : f32
    %broadcast_in_dim3A_209 = vector.broadcast %broadcast_in_dim3A_208 : f32 to vector<16xf32>
    %swap3A_210 = arith.constant 560 : index
    %swap3A_211 = tpu.vector_load %arg6[%swap3A_210] {strides = array<i32>} : memref<640xf32, #tpu.memory_space<vmem>>, vector<16xf32>,
    %swap3A_212 = vector.shape_cast %swap3A_211 : vector<16xf32> to vector<16xf32>
    %swap3A_213 = vector.shape_cast %broadcast_in_dim3A_209 : vector<16xf32> to vector<16xf32>
    tpu.vector_store %arg6[%swap3A_210], %swap3A_213 {strides = array<i32>} : memref<640xf32, #tpu.memory_space<vmem>>, vector<16xf32>,
    %broadcast_in_dim3A_214 = arith.constant 0.000000e+00 : f32
    %broadcast_in_dim3A_215 = vector.broadcast %broadcast_in_dim3A_214 : f32 to vector<16xf32>
    %swap3A_216 = arith.constant 576 : index
    %swap3A_217 = tpu.vector_load %arg6[%swap3A_216] {strides = array<i32>} : memref<640xf32, #tpu.memory_space<vmem>>, vector<16xf32>,
    %swap3A_218 = vector.shape_cast %swap3A_217 : vector<16xf32> to vector<16xf32>
    %swap3A_219 = vector.shape_cast %broadcast_in_dim3A_215 : vector<16xf32> to vector<16xf32>
    tpu.vector_store %arg6[%swap3A_216], %swap3A_219 {strides = array<i32>} : memref<640xf32, #tpu.memory_space<vmem>>, vector<16xf32>,
    %broadcast_in_dim3A_220 = arith.constant 0.000000e+00 : f32
    %broadcast_in_dim3A_221 = vector.broadcast %broadcast_in_dim3A_220 : f32 to vector<16xf32>
    %swap3A_222 = arith.constant 592 : index
    %swap3A_223 = tpu.vector_load %arg6[%swap3A_222] {strides = array<i32>} : memref<640xf32, #tpu.memory_space<vmem>>, vector<16xf32>,
    %swap3A_224 = vector.shape_cast %swap3A_223 : vector<16xf32> to vector<16xf32>
    %swap3A_225 = vector.shape_cast %broadcast_in_dim3A_221 : vector<16xf32> to vector<16xf32>
    tpu.vector_store %arg6[%swap3A_222], %swap3A_225 {strides = array<i32>} : memref<640xf32, #tpu.memory_space<vmem>>, vector<16xf32>,
    %broadcast_in_dim3A_226 = arith.constant 0.000000e+00 : f32
    %broadcast_in_dim3A_227 = vector.broadcast %broadcast_in_dim3A_226 : f32 to vector<16xf32>
    %swap3A_228 = arith.constant 608 : index
    %swap3A_229 = tpu.vector_load %arg6[%swap3A_228] {strides = array<i32>} : memref<640xf32, #tpu.memory_space<vmem>>, vector<16xf32>,
    %swap3A_230 = vector.shape_cast %swap3A_229 : vector<16xf32> to vector<16xf32>
    %swap3A_231 = vector.shape_cast %broadcast_in_dim3A_227 : vector<16xf32> to vector<16xf32>
    tpu.vector_store %arg6[%swap3A_228], %swap3A_231 {strides = array<i32>} : memref<640xf32, #tpu.memory_space<vmem>>, vector<16xf32>,
    %broadcast_in_dim3A_232 = arith.constant 0.000000e+00 : f32
    %broadcast_in_dim3A_233 = vector.broadcast %broadcast_in_dim3A_232 : f32 to vector<16xf32>
    %swap3A_234 = arith.constant 624 : index
    %swap3A_235 = tpu.vector_load %arg6[%swap3A_234] {strides = array<i32>} : memref<640xf32, #tpu.memory_space<vmem>>, vector<16xf32>,
    %swap3A_236 = vector.shape_cast %swap3A_235 : vector<16xf32> to vector<16xf32>
    %swap3A_237 = vector.shape_cast %broadcast_in_dim3A_233 : vector<16xf32> to vector<16xf32>
    tpu.vector_store %arg6[%swap3A_234], %swap3A_237 {strides = array<i32>} : memref<640xf32, #tpu.memory_space<vmem>>, vector<16xf32>,
    %broadcast_in_dim3A_238 = arith.constant 1.000000e+00 : f32
    %broadcast_in_dim3A_239 = vector.broadcast %broadcast_in_dim3A_238 : f32 to vector<16xf32>
    %swap3A_240 = arith.constant 0 : index
    %swap3A_241 = tpu.vector_load %arg5[%swap3A_240] {strides = array<i32>} : memref<80xf32, #tpu.memory_space<vmem>>, vector<16xf32>,
    %swap3A_242 = vector.shape_cast %swap3A_241 : vector<16xf32> to vector<16xf32>
    %swap3A_243 = vector.shape_cast %broadcast_in_dim3A_239 : vector<16xf32> to vector<16xf32>
    tpu.vector_store %arg5[%swap3A_240], %swap3A_243 {strides = array<i32>} : memref<80xf32, #tpu.memory_space<vmem>>, vector<16xf32>,
    %broadcast_in_dim3A_244 = arith.constant 1.000000e+00 : f32
    %broadcast_in_dim3A_245 = vector.broadcast %broadcast_in_dim3A_244 : f32 to vector<16xf32>
    %swap3A_246 = arith.constant 16 : index
    %swap3A_247 = tpu.vector_load %arg5[%swap3A_246] {strides = array<i32>} : memref<80xf32, #tpu.memory_space<vmem>>, vector<16xf32>,
    %swap3A_248 = vector.shape_cast %swap3A_247 : vector<16xf32> to vector<16xf32>
    %swap3A_249 = vector.shape_cast %broadcast_in_dim3A_245 : vector<16xf32> to vector<16xf32>
    tpu.vector_store %arg5[%swap3A_246], %swap3A_249 {strides = array<i32>} : memref<80xf32, #tpu.memory_space<vmem>>, vector<16xf32>,
    %broadcast_in_dim3A_250 = arith.constant 1.000000e+00 : f32
    %broadcast_in_dim3A_251 = vector.broadcast %broadcast_in_dim3A_250 : f32 to vector<16xf32>
    %swap3A_252 = arith.constant 32 : index
    %swap3A_253 = tpu.vector_load %arg5[%swap3A_252] {strides = array<i32>} : memref<80xf32, #tpu.memory_space<vmem>>, vector<16xf32>,
    %swap3A_254 = vector.shape_cast %swap3A_253 : vector<16xf32> to vector<16xf32>
    %swap3A_255 = vector.shape_cast %broadcast_in_dim3A_251 : vector<16xf32> to vector<16xf32>
    tpu.vector_store %arg5[%swap3A_252], %swap3A_255 {strides = array<i32>} : memref<80xf32, #tpu.memory_space<vmem>>, vector<16xf32>,
    %broadcast_in_dim3A_256 = arith.constant 1.000000e+00 : f32
    %broadcast_in_dim3A_257 = vector.broadcast %broadcast_in_dim3A_256 : f32 to vector<16xf32>
    %swap3A_258 = arith.constant 48 : index
    %swap3A_259 = tpu.vector_load %arg5[%swap3A_258] {strides = array<i32>} : memref<80xf32, #tpu.memory_space<vmem>>, vector<16xf32>,
    %swap3A_260 = vector.shape_cast %swap3A_259 : vector<16xf32> to vector<16xf32>
    %swap3A_261 = vector.shape_cast %broadcast_in_dim3A_257 : vector<16xf32> to vector<16xf32>
    tpu.vector_store %arg5[%swap3A_258], %swap3A_261 {strides = array<i32>} : memref<80xf32, #tpu.memory_space<vmem>>, vector<16xf32>,
    %broadcast_in_dim3A_262 = arith.constant 1.000000e+00 : f32
    %broadcast_in_dim3A_263 = vector.broadcast %broadcast_in_dim3A_262 : f32 to vector<16xf32>
    %swap3A_264 = arith.constant 64 : index
    %swap3A_265 = tpu.vector_load %arg5[%swap3A_264] {strides = array<i32>} : memref<80xf32, #tpu.memory_space<vmem>>, vector<16xf32>,
    %swap3A_266 = vector.shape_cast %swap3A_265 : vector<16xf32> to vector<16xf32>
    %swap3A_267 = vector.shape_cast %broadcast_in_dim3A_263 : vector<16xf32> to vector<16xf32>
    tpu.vector_store %arg5[%swap3A_264], %swap3A_267 {strides = array<i32>} : memref<80xf32, #tpu.memory_space<vmem>>, vector<16xf32>,
    %mul3A = arith.constant 640 : i32
    %mul3A_268 = arith.muli %arg1, %mul3A : i32
    "tpu.region"() ({
      %run_scoped3A = tpu.sem_alloc : memref<!tpu.dma_semaphore, #tpu.memory_space<semaphore_mem>>
      %dma_start3A = tpu.memref_slice %arg7[%mul3A_268] : memref<10240xf32, #tpu.memory_space<vmem_shared>> -> memref<640xf32, #tpu.memory_space<vmem_shared>>
      %dma_start3A_281 = tpu.memref_slice %arg7[%mul3A_268] : memref<10240xf32, #tpu.memory_space<vmem_shared>> -> memref<640xf32, #tpu.memory_space<vmem_shared>>
      tpu.enqueue_dma source(%arg6 : memref<640xf32, #tpu.memory_space<vmem>>) target(%dma_start3A_281 : memref<640xf32, #tpu.memory_space<vmem_shared>>) target_semaphore(%run_scoped3A : memref<!tpu.dma_semaphore, #tpu.memory_space<semaphore_mem>>)
      %dma_wait3A = tpu.memref_slice %arg7[%mul3A_268] : memref<10240xf32, #tpu.memory_space<vmem_shared>> -> memref<640xf32, #tpu.memory_space<vmem_shared>>
      %dma_wait3A_282 = tpu.memref_slice %arg7[%mul3A_268] : memref<10240xf32, #tpu.memory_space<vmem_shared>> -> memref<640xf32, #tpu.memory_space<vmem_shared>>
      tpu.wait_dma2 semaphore(%run_scoped3A : memref<!tpu.dma_semaphore, #tpu.memory_space<semaphore_mem>>) src(%arg6 : memref<640xf32, #tpu.memory_space<vmem>>) dst(%dma_wait3A_282 : memref<640xf32, #tpu.memory_space<vmem_shared>>)
      tpu.yield
    }) : () -> ()
    %barrier3A = arith.constant 0 : index
    tpu.barrier barrier_id(%barrier3A)
    %scan3A = arith.constant 0 : i32
    %scan3A_269 = arith.constant 0 : i32
    %scan3A_270 = arith.constant 5 : i32
    %scan3A_271 = arith.addi %scan3A_269, %scan3A_270 : i32
    %scan3A_272 = arith.constant 1 : i32
    scf.for %scan3A_281 = %scan3A_269 to %scan3A_271 step %scan3A_272  : i32 {
      "tpu.region"() ({
        %run_scoped3A = tpu.sem_alloc : memref<!tpu.dma_semaphore, #tpu.memory_space<semaphore_mem>>
        %dma_start3A = arith.constant 0 : i32
        %dma_start3A_288 = arith.constant 0 : i32
        %dma_start3A_289 = tpu.memref_slice %arg2[%arg0, %arg1, %scan3A_281, %dma_start3A, %dma_start3A_288] : memref<2x16x5x50x80xi32, #tpu.memory_space<hbm>> -> memref<1x1x1x50x80xi32, #tpu.memory_space<hbm>>
        %dma_start3A_290 = tpu.memref_squeeze %dma_start3A_289 : memref<1x1x1x50x80xi32, #tpu.memory_space<hbm>> -> memref<50x80xi32, #tpu.memory_space<hbm>>
        %dma_start3A_291 = arith.constant 0 : i32
        %dma_start3A_292 = arith.constant 0 : i32
        %dma_start3A_293 = tpu.memref_slice %arg2[%arg0, %arg1, %scan3A_281, %dma_start3A_291, %dma_start3A_292] : memref<2x16x5x50x80xi32, #tpu.memory_space<hbm>> -> memref<1x1x1x50x80xi32, #tpu.memory_space<hbm>>
        %dma_start3A_294 = tpu.memref_squeeze %dma_start3A_293 : memref<1x1x1x50x80xi32, #tpu.memory_space<hbm>> -> memref<50x80xi32, #tpu.memory_space<hbm>>
        tpu.enqueue_dma source(%dma_start3A_294 : memref<50x80xi32, #tpu.memory_space<hbm>>) target(%arg4 : memref<50x80xi32, #tpu.memory_space<vmem>>) target_semaphore(%run_scoped3A : memref<!tpu.dma_semaphore, #tpu.memory_space<semaphore_mem>>)
        %dma_wait3A = arith.constant 0 : i32
        %dma_wait3A_295 = arith.constant 0 : i32
        %dma_wait3A_296 = tpu.memref_slice %arg2[%arg0, %arg1, %scan3A_281, %dma_wait3A, %dma_wait3A_295] : memref<2x16x5x50x80xi32, #tpu.memory_space<hbm>> -> memref<1x1x1x50x80xi32, #tpu.memory_space<hbm>>
        %dma_wait3A_297 = tpu.memref_squeeze %dma_wait3A_296 : memref<1x1x1x50x80xi32, #tpu.memory_space<hbm>> -> memref<50x80xi32, #tpu.memory_space<hbm>>
        %dma_wait3A_298 = arith.constant 0 : i32
        %dma_wait3A_299 = arith.constant 0 : i32
        %dma_wait3A_300 = tpu.memref_slice %arg2[%arg0, %arg1, %scan3A_281, %dma_wait3A_298, %dma_wait3A_299] : memref<2x16x5x50x80xi32, #tpu.memory_space<hbm>> -> memref<1x1x1x50x80xi32, #tpu.memory_space<hbm>>
        %dma_wait3A_301 = tpu.memref_squeeze %dma_wait3A_300 : memref<1x1x1x50x80xi32, #tpu.memory_space<hbm>> -> memref<50x80xi32, #tpu.memory_space<hbm>>
        tpu.wait_dma2 semaphore(%run_scoped3A : memref<!tpu.dma_semaphore, #tpu.memory_space<semaphore_mem>>) src(%dma_wait3A_301 : memref<50x80xi32, #tpu.memory_space<hbm>>) dst(%arg4 : memref<50x80xi32, #tpu.memory_space<vmem>>)
        tpu.yield
      }) : () -> ()
      %scan3A_282 = arith.constant 0 : i32
      %scan3A_283 = arith.constant 0 : i32
      %scan3A_284 = arith.constant 50 : i32
      %scan3A_285 = arith.addi %scan3A_283, %scan3A_284 : i32
      %scan3A_286 = arith.constant 1 : i32
      scf.for %scan3A_288 = %scan3A_283 to %scan3A_285 step %scan3A_286  : i32 {
        "tpu.region"() ({
          %run_scoped3A = tpu.sem_alloc : memref<!tpu.dma_semaphore, #tpu.memory_space<semaphore_mem>>
          %dma_start3A = arith.constant 0 : i32
          %dma_start3A_289 = tpu.memref_slice %arg4[%scan3A_288, %dma_start3A] : memref<50x80xi32, #tpu.memory_space<vmem>> -> memref<1x80xi32, #tpu.memory_space<vmem>>
          %dma_start3A_290 = tpu.memref_squeeze %dma_start3A_289 : memref<1x80xi32, #tpu.memory_space<vmem>> -> memref<80xi32, #tpu.memory_space<vmem>>
          %dma_start3A_291 = arith.constant 0 : i32
          %dma_start3A_292 = tpu.memref_slice %arg7[%dma_start3A_291] : memref<10240xf32, #tpu.memory_space<vmem_shared>> -> memref<10240xf32, #tpu.memory_space<vmem_shared>>
          tpu.enqueue_indirect_dma source(%arg5 : memref<80xf32, #tpu.memory_space<vmem>>) target(%dma_start3A_292 : memref<10240xf32, #tpu.memory_space<vmem_shared>>) offsets(%dma_start3A_290 : memref<80xi32, #tpu.memory_space<vmem>>) semaphore(%run_scoped3A : memref<!tpu.dma_semaphore, #tpu.memory_space<semaphore_mem>>) {add = true}
          %dma_wait3A = arith.constant 0 : i32
          %dma_wait3A_293 = tpu.memref_slice %arg4[%scan3A_288, %dma_wait3A] : memref<50x80xi32, #tpu.memory_space<vmem>> -> memref<1x80xi32, #tpu.memory_space<vmem>>
          %dma_wait3A_294 = tpu.memref_squeeze %dma_wait3A_293 : memref<1x80xi32, #tpu.memory_space<vmem>> -> memref<80xi32, #tpu.memory_space<vmem>>
          %dma_wait3A_295 = arith.constant 0 : i32
          %dma_wait3A_296 = tpu.memref_slice %arg7[%dma_wait3A_295] : memref<10240xf32, #tpu.memory_space<vmem_shared>> -> memref<10240xf32, #tpu.memory_space<vmem_shared>>
          tpu.wait_indirect_dma semaphore(%run_scoped3A : memref<!tpu.dma_semaphore, #tpu.memory_space<semaphore_mem>>) src(%arg5 : memref<80xf32, #tpu.memory_space<vmem>>) dst(%dma_wait3A_296 : memref<10240xf32, #tpu.memory_space<vmem_shared>>)
          tpu.yield
        }) : () -> ()
      }
      %scan3A_287 = arith.constant 50 : i32
    }
    %scan3A_273 = arith.constant 5 : i32
    %barrier3A_274 = arith.constant 0 : index
    tpu.barrier barrier_id(%barrier3A_274)
    %mul3A_275 = arith.constant 640 : i32
    %mul3A_276 = arith.muli %arg1, %mul3A_275 : i32
    %mul3A_277 = arith.constant 10240 : i32
    %mul3A_278 = arith.muli %arg0, %mul3A_277 : i32
    %mul3A_279 = arith.constant 640 : i32
    %mul3A_280 = arith.muli %arg1, %mul3A_279 : i32
    %add3A = arith.addi %mul3A_278, %mul3A_280 : i32
    "tpu.region"() ({
      %run_scoped3A = tpu.sem_alloc : memref<!tpu.dma_semaphore, #tpu.memory_space<semaphore_mem>>
      %dma_start3A = tpu.memref_slice %arg3[%add3A] : memref<20480xf32, #tpu.memory_space<hbm>> -> memref<640xf32, #tpu.memory_space<hbm>>
      %dma_start3A_281 = tpu.memref_slice %arg7[%mul3A_276] : memref<10240xf32, #tpu.memory_space<vmem_shared>> -> memref<640xf32, #tpu.memory_space<vmem_shared>>
      tpu.enqueue_dma source(%dma_start3A_281 : memref<640xf32, #tpu.memory_space<vmem_shared>>) target(%dma_start3A : memref<640xf32, #tpu.memory_space<hbm>>) target_semaphore(%run_scoped3A : memref<!tpu.dma_semaphore, #tpu.memory_space<semaphore_mem>>)
      %dma_wait3A = tpu.memref_slice %arg3[%add3A] : memref<20480xf32, #tpu.memory_space<hbm>> -> memref<640xf32, #tpu.memory_space<hbm>>
      %dma_wait3A_282 = tpu.memref_slice %arg7[%mul3A_276] : memref<10240xf32, #tpu.memory_space<vmem_shared>> -> memref<640xf32, #tpu.memory_space<vmem_shared>>
      tpu.wait_dma2 semaphore(%run_scoped3A : memref<!tpu.dma_semaphore, #tpu.memory_space<semaphore_mem>>) src(%dma_wait3A_282 : memref<640xf32, #tpu.memory_space<vmem_shared>>) dst(%dma_wait3A : memref<640xf32, #tpu.memory_space<hbm>>)
      tpu.yield
    }) : () -> ()
    return
  }
}

#map = affine_map<(d0, d1) -> (0, 0)>
#map1 = affine_map<(d0, d1) -> (0, 0, 0, 0, 0)>
module attributes {stable_mosaic.version = 14 : i64} {
  func.func @_segsum_body(%arg0: i32, %arg1: i32, %arg2: memref<20480x128xf32, #tpu.memory_space<hbm>>, %arg3: memref<2x16x5x50x80xi32, #tpu.memory_space<hbm>>, %arg4: memref<2x16x5x50x80xi32, #tpu.memory_space<hbm>>, %arg5: memref<20480x128xf32, #tpu.memory_space<hbm>>, %arg6: memref<50x80xi32, #tpu.memory_space<vmem>>, %arg7: memref<50x80xi32, #tpu.memory_space<vmem>>, %arg8: memref<80x128xf32, #tpu.memory_space<vmem>>, %arg9: memref<64x128xf32, #tpu.memory_space<vmem>>, %arg10: memref<10240x128xf32, #tpu.memory_space<vmem_shared>>, %arg11: memref<!tpu.dma_semaphore, #tpu.memory_space<semaphore_mem>>) attributes {dimension_semantics = [#tpu.dimension_semantics<core_parallel>, #tpu.dimension_semantics<subcore_parallel>], iteration_bounds = array<i64: 2, 16>, scalar_prefetch = 0 : i64, scratch_operands = 6 : i64, tpu.core_type = #tpu.core_type<sc_vector_subcore>, window_params = [{transform_indices = #map}, {transform_indices = #map1}, {transform_indices = #map1}, {transform_indices = #map}]} {
    %scan3A = arith.constant 0 : i32
    %scan3A_0 = arith.constant 0 : i32
    %scan3A_1 = arith.constant 64 : i32
    %scan3A_2 = arith.addi %scan3A_0, %scan3A_1 : i32
    %scan3A_3 = arith.constant 1 : i32
    scf.for %scan3A_57 = %scan3A_0 to %scan3A_2 step %scan3A_3  : i32 {
      %broadcast_in_dim3A = arith.constant 0.000000e+00 : f32
      %broadcast_in_dim3A_58 = vector.broadcast %broadcast_in_dim3A : f32 to vector<16xf32>
      %swap3A = arith.index_cast %scan3A_57 : i32 to index
      %swap3A_59 = arith.constant 0 : index
      %swap3A_60 = tpu.vector_load %arg9[%swap3A, %swap3A_59] {strides = array<i32>} : memref<64x128xf32, #tpu.memory_space<vmem>>, vector<1x16xf32>,
      %swap3A_61 = vector.shape_cast %swap3A_60 : vector<1x16xf32> to vector<16xf32>
      %swap3A_62 = vector.shape_cast %broadcast_in_dim3A_58 : vector<16xf32> to vector<1x16xf32>
      tpu.vector_store %arg9[%swap3A, %swap3A_59], %swap3A_62 {strides = array<i32>} : memref<64x128xf32, #tpu.memory_space<vmem>>, vector<1x16xf32>,
      %broadcast_in_dim3A_63 = arith.constant 0.000000e+00 : f32
      %broadcast_in_dim3A_64 = vector.broadcast %broadcast_in_dim3A_63 : f32 to vector<16xf32>
      %swap3A_65 = arith.index_cast %scan3A_57 : i32 to index
      %swap3A_66 = arith.constant 16 : index
      %swap3A_67 = tpu.vector_load %arg9[%swap3A_65, %swap3A_66] {strides = array<i32>} : memref<64x128xf32, #tpu.memory_space<vmem>>, vector<1x16xf32>,
      %swap3A_68 = vector.shape_cast %swap3A_67 : vector<1x16xf32> to vector<16xf32>
      %swap3A_69 = vector.shape_cast %broadcast_in_dim3A_64 : vector<16xf32> to vector<1x16xf32>
      tpu.vector_store %arg9[%swap3A_65, %swap3A_66], %swap3A_69 {strides = array<i32>} : memref<64x128xf32, #tpu.memory_space<vmem>>, vector<1x16xf32>,
      %broadcast_in_dim3A_70 = arith.constant 0.000000e+00 : f32
      %broadcast_in_dim3A_71 = vector.broadcast %broadcast_in_dim3A_70 : f32 to vector<16xf32>
      %swap3A_72 = arith.index_cast %scan3A_57 : i32 to index
      %swap3A_73 = arith.constant 32 : index
      %swap3A_74 = tpu.vector_load %arg9[%swap3A_72, %swap3A_73] {strides = array<i32>} : memref<64x128xf32, #tpu.memory_space<vmem>>, vector<1x16xf32>,
      %swap3A_75 = vector.shape_cast %swap3A_74 : vector<1x16xf32> to vector<16xf32>
      %swap3A_76 = vector.shape_cast %broadcast_in_dim3A_71 : vector<16xf32> to vector<1x16xf32>
      tpu.vector_store %arg9[%swap3A_72, %swap3A_73], %swap3A_76 {strides = array<i32>} : memref<64x128xf32, #tpu.memory_space<vmem>>, vector<1x16xf32>,
      %broadcast_in_dim3A_77 = arith.constant 0.000000e+00 : f32
      %broadcast_in_dim3A_78 = vector.broadcast %broadcast_in_dim3A_77 : f32 to vector<16xf32>
      %swap3A_79 = arith.index_cast %scan3A_57 : i32 to index
      %swap3A_80 = arith.constant 48 : index
      %swap3A_81 = tpu.vector_load %arg9[%swap3A_79, %swap3A_80] {strides = array<i32>} : memref<64x128xf32, #tpu.memory_space<vmem>>, vector<1x16xf32>,
      %swap3A_82 = vector.shape_cast %swap3A_81 : vector<1x16xf32> to vector<16xf32>
      %swap3A_83 = vector.shape_cast %broadcast_in_dim3A_78 : vector<16xf32> to vector<1x16xf32>
      tpu.vector_store %arg9[%swap3A_79, %swap3A_80], %swap3A_83 {strides = array<i32>} : memref<64x128xf32, #tpu.memory_space<vmem>>, vector<1x16xf32>,
      %broadcast_in_dim3A_84 = arith.constant 0.000000e+00 : f32
      %broadcast_in_dim3A_85 = vector.broadcast %broadcast_in_dim3A_84 : f32 to vector<16xf32>
      %swap3A_86 = arith.index_cast %scan3A_57 : i32 to index
      %swap3A_87 = arith.constant 64 : index
      %swap3A_88 = tpu.vector_load %arg9[%swap3A_86, %swap3A_87] {strides = array<i32>} : memref<64x128xf32, #tpu.memory_space<vmem>>, vector<1x16xf32>,
      %swap3A_89 = vector.shape_cast %swap3A_88 : vector<1x16xf32> to vector<16xf32>
      %swap3A_90 = vector.shape_cast %broadcast_in_dim3A_85 : vector<16xf32> to vector<1x16xf32>
      tpu.vector_store %arg9[%swap3A_86, %swap3A_87], %swap3A_90 {strides = array<i32>} : memref<64x128xf32, #tpu.memory_space<vmem>>, vector<1x16xf32>,
      %broadcast_in_dim3A_91 = arith.constant 0.000000e+00 : f32
      %broadcast_in_dim3A_92 = vector.broadcast %broadcast_in_dim3A_91 : f32 to vector<16xf32>
      %swap3A_93 = arith.index_cast %scan3A_57 : i32 to index
      %swap3A_94 = arith.constant 80 : index
      %swap3A_95 = tpu.vector_load %arg9[%swap3A_93, %swap3A_94] {strides = array<i32>} : memref<64x128xf32, #tpu.memory_space<vmem>>, vector<1x16xf32>,
      %swap3A_96 = vector.shape_cast %swap3A_95 : vector<1x16xf32> to vector<16xf32>
      %swap3A_97 = vector.shape_cast %broadcast_in_dim3A_92 : vector<16xf32> to vector<1x16xf32>
      tpu.vector_store %arg9[%swap3A_93, %swap3A_94], %swap3A_97 {strides = array<i32>} : memref<64x128xf32, #tpu.memory_space<vmem>>, vector<1x16xf32>,
      %broadcast_in_dim3A_98 = arith.constant 0.000000e+00 : f32
      %broadcast_in_dim3A_99 = vector.broadcast %broadcast_in_dim3A_98 : f32 to vector<16xf32>
      %swap3A_100 = arith.index_cast %scan3A_57 : i32 to index
      %swap3A_101 = arith.constant 96 : index
      %swap3A_102 = tpu.vector_load %arg9[%swap3A_100, %swap3A_101] {strides = array<i32>} : memref<64x128xf32, #tpu.memory_space<vmem>>, vector<1x16xf32>,
      %swap3A_103 = vector.shape_cast %swap3A_102 : vector<1x16xf32> to vector<16xf32>
      %swap3A_104 = vector.shape_cast %broadcast_in_dim3A_99 : vector<16xf32> to vector<1x16xf32>
      tpu.vector_store %arg9[%swap3A_100, %swap3A_101], %swap3A_104 {strides = array<i32>} : memref<64x128xf32, #tpu.memory_space<vmem>>, vector<1x16xf32>,
      %broadcast_in_dim3A_105 = arith.constant 0.000000e+00 : f32
      %broadcast_in_dim3A_106 = vector.broadcast %broadcast_in_dim3A_105 : f32 to vector<16xf32>
      %swap3A_107 = arith.index_cast %scan3A_57 : i32 to index
      %swap3A_108 = arith.constant 112 : index
      %swap3A_109 = tpu.vector_load %arg9[%swap3A_107, %swap3A_108] {strides = array<i32>} : memref<64x128xf32, #tpu.memory_space<vmem>>, vector<1x16xf32>,
      %swap3A_110 = vector.shape_cast %swap3A_109 : vector<1x16xf32> to vector<16xf32>
      %swap3A_111 = vector.shape_cast %broadcast_in_dim3A_106 : vector<16xf32> to vector<1x16xf32>
      tpu.vector_store %arg9[%swap3A_107, %swap3A_108], %swap3A_111 {strides = array<i32>} : memref<64x128xf32, #tpu.memory_space<vmem>>, vector<1x16xf32>,
    }
    %scan3A_4 = arith.constant 64 : i32
    %mul3A = arith.constant 640 : i32
    %mul3A_5 = arith.muli %arg1, %mul3A : i32
    %add3A = arith.constant 0 : i32
    %add3A_6 = arith.addi %mul3A_5, %add3A : i32
    "tpu.region"() ({
      %run_scoped3A = tpu.sem_alloc : memref<!tpu.dma_semaphore, #tpu.memory_space<semaphore_mem>>
      %dma_start3A = arith.constant 0 : i32
      %dma_start3A_57 = tpu.memref_slice %arg10[%add3A_6, %dma_start3A] : memref<10240x128xf32, #tpu.memory_space<vmem_shared>> -> memref<64x128xf32, #tpu.memory_space<vmem_shared>>
      %dma_start3A_58 = arith.constant 0 : i32
      %dma_start3A_59 = tpu.memref_slice %arg10[%add3A_6, %dma_start3A_58] : memref<10240x128xf32, #tpu.memory_space<vmem_shared>> -> memref<64x128xf32, #tpu.memory_space<vmem_shared>>
      tpu.enqueue_dma source(%arg9 : memref<64x128xf32, #tpu.memory_space<vmem>>) target(%dma_start3A_59 : memref<64x128xf32, #tpu.memory_space<vmem_shared>>) target_semaphore(%run_scoped3A : memref<!tpu.dma_semaphore, #tpu.memory_space<semaphore_mem>>)
      %dma_wait3A = arith.constant 0 : i32
      %dma_wait3A_60 = tpu.memref_slice %arg10[%add3A_6, %dma_wait3A] : memref<10240x128xf32, #tpu.memory_space<vmem_shared>> -> memref<64x128xf32, #tpu.memory_space<vmem_shared>>
      %dma_wait3A_61 = arith.constant 0 : i32
      %dma_wait3A_62 = tpu.memref_slice %arg10[%add3A_6, %dma_wait3A_61] : memref<10240x128xf32, #tpu.memory_space<vmem_shared>> -> memref<64x128xf32, #tpu.memory_space<vmem_shared>>
      tpu.wait_dma2 semaphore(%run_scoped3A : memref<!tpu.dma_semaphore, #tpu.memory_space<semaphore_mem>>) src(%arg9 : memref<64x128xf32, #tpu.memory_space<vmem>>) dst(%dma_wait3A_62 : memref<64x128xf32, #tpu.memory_space<vmem_shared>>)
      tpu.yield
    }) : () -> ()
    %mul3A_7 = arith.constant 640 : i32
    %mul3A_8 = arith.muli %arg1, %mul3A_7 : i32
    %add3A_9 = arith.constant 64 : i32
    %add3A_10 = arith.addi %mul3A_8, %add3A_9 : i32
    "tpu.region"() ({
      %run_scoped3A = tpu.sem_alloc : memref<!tpu.dma_semaphore, #tpu.memory_space<semaphore_mem>>
      %dma_start3A = arith.constant 0 : i32
      %dma_start3A_57 = tpu.memref_slice %arg10[%add3A_10, %dma_start3A] : memref<10240x128xf32, #tpu.memory_space<vmem_shared>> -> memref<64x128xf32, #tpu.memory_space<vmem_shared>>
      %dma_start3A_58 = arith.constant 0 : i32
      %dma_start3A_59 = tpu.memref_slice %arg10[%add3A_10, %dma_start3A_58] : memref<10240x128xf32, #tpu.memory_space<vmem_shared>> -> memref<64x128xf32, #tpu.memory_space<vmem_shared>>
      tpu.enqueue_dma source(%arg9 : memref<64x128xf32, #tpu.memory_space<vmem>>) target(%dma_start3A_59 : memref<64x128xf32, #tpu.memory_space<vmem_shared>>) target_semaphore(%run_scoped3A : memref<!tpu.dma_semaphore, #tpu.memory_space<semaphore_mem>>)
      %dma_wait3A = arith.constant 0 : i32
      %dma_wait3A_60 = tpu.memref_slice %arg10[%add3A_10, %dma_wait3A] : memref<10240x128xf32, #tpu.memory_space<vmem_shared>> -> memref<64x128xf32, #tpu.memory_space<vmem_shared>>
      %dma_wait3A_61 = arith.constant 0 : i32
      %dma_wait3A_62 = tpu.memref_slice %arg10[%add3A_10, %dma_wait3A_61] : memref<10240x128xf32, #tpu.memory_space<vmem_shared>> -> memref<64x128xf32, #tpu.memory_space<vmem_shared>>
      tpu.wait_dma2 semaphore(%run_scoped3A : memref<!tpu.dma_semaphore, #tpu.memory_space<semaphore_mem>>) src(%arg9 : memref<64x128xf32, #tpu.memory_space<vmem>>) dst(%dma_wait3A_62 : memref<64x128xf32, #tpu.memory_space<vmem_shared>>)
      tpu.yield
    }) : () -> ()
    %mul3A_11 = arith.constant 640 : i32
    %mul3A_12 = arith.muli %arg1, %mul3A_11 : i32
    %add3A_13 = arith.constant 128 : i32
    %add3A_14 = arith.addi %mul3A_12, %add3A_13 : i32
    "tpu.region"() ({
      %run_scoped3A = tpu.sem_alloc : memref<!tpu.dma_semaphore, #tpu.memory_space<semaphore_mem>>
      %dma_start3A = arith.constant 0 : i32
      %dma_start3A_57 = tpu.memref_slice %arg10[%add3A_14, %dma_start3A] : memref<10240x128xf32, #tpu.memory_space<vmem_shared>> -> memref<64x128xf32, #tpu.memory_space<vmem_shared>>
      %dma_start3A_58 = arith.constant 0 : i32
      %dma_start3A_59 = tpu.memref_slice %arg10[%add3A_14, %dma_start3A_58] : memref<10240x128xf32, #tpu.memory_space<vmem_shared>> -> memref<64x128xf32, #tpu.memory_space<vmem_shared>>
      tpu.enqueue_dma source(%arg9 : memref<64x128xf32, #tpu.memory_space<vmem>>) target(%dma_start3A_59 : memref<64x128xf32, #tpu.memory_space<vmem_shared>>) target_semaphore(%run_scoped3A : memref<!tpu.dma_semaphore, #tpu.memory_space<semaphore_mem>>)
      %dma_wait3A = arith.constant 0 : i32
      %dma_wait3A_60 = tpu.memref_slice %arg10[%add3A_14, %dma_wait3A] : memref<10240x128xf32, #tpu.memory_space<vmem_shared>> -> memref<64x128xf32, #tpu.memory_space<vmem_shared>>
      %dma_wait3A_61 = arith.constant 0 : i32
      %dma_wait3A_62 = tpu.memref_slice %arg10[%add3A_14, %dma_wait3A_61] : memref<10240x128xf32, #tpu.memory_space<vmem_shared>> -> memref<64x128xf32, #tpu.memory_space<vmem_shared>>
      tpu.wait_dma2 semaphore(%run_scoped3A : memref<!tpu.dma_semaphore, #tpu.memory_space<semaphore_mem>>) src(%arg9 : memref<64x128xf32, #tpu.memory_space<vmem>>) dst(%dma_wait3A_62 : memref<64x128xf32, #tpu.memory_space<vmem_shared>>)
      tpu.yield
    }) : () -> ()
    %mul3A_15 = arith.constant 640 : i32
    %mul3A_16 = arith.muli %arg1, %mul3A_15 : i32
    %add3A_17 = arith.constant 192 : i32
    %add3A_18 = arith.addi %mul3A_16, %add3A_17 : i32
    "tpu.region"() ({
      %run_scoped3A = tpu.sem_alloc : memref<!tpu.dma_semaphore, #tpu.memory_space<semaphore_mem>>
      %dma_start3A = arith.constant 0 : i32
      %dma_start3A_57 = tpu.memref_slice %arg10[%add3A_18, %dma_start3A] : memref<10240x128xf32, #tpu.memory_space<vmem_shared>> -> memref<64x128xf32, #tpu.memory_space<vmem_shared>>
      %dma_start3A_58 = arith.constant 0 : i32
      %dma_start3A_59 = tpu.memref_slice %arg10[%add3A_18, %dma_start3A_58] : memref<10240x128xf32, #tpu.memory_space<vmem_shared>> -> memref<64x128xf32, #tpu.memory_space<vmem_shared>>
      tpu.enqueue_dma source(%arg9 : memref<64x128xf32, #tpu.memory_space<vmem>>) target(%dma_start3A_59 : memref<64x128xf32, #tpu.memory_space<vmem_shared>>) target_semaphore(%run_scoped3A : memref<!tpu.dma_semaphore, #tpu.memory_space<semaphore_mem>>)
      %dma_wait3A = arith.constant 0 : i32
      %dma_wait3A_60 = tpu.memref_slice %arg10[%add3A_18, %dma_wait3A] : memref<10240x128xf32, #tpu.memory_space<vmem_shared>> -> memref<64x128xf32, #tpu.memory_space<vmem_shared>>
      %dma_wait3A_61 = arith.constant 0 : i32
      %dma_wait3A_62 = tpu.memref_slice %arg10[%add3A_18, %dma_wait3A_61] : memref<10240x128xf32, #tpu.memory_space<vmem_shared>> -> memref<64x128xf32, #tpu.memory_space<vmem_shared>>
      tpu.wait_dma2 semaphore(%run_scoped3A : memref<!tpu.dma_semaphore, #tpu.memory_space<semaphore_mem>>) src(%arg9 : memref<64x128xf32, #tpu.memory_space<vmem>>) dst(%dma_wait3A_62 : memref<64x128xf32, #tpu.memory_space<vmem_shared>>)
      tpu.yield
    }) : () -> ()
    %mul3A_19 = arith.constant 640 : i32
    %mul3A_20 = arith.muli %arg1, %mul3A_19 : i32
    %add3A_21 = arith.constant 256 : i32
    %add3A_22 = arith.addi %mul3A_20, %add3A_21 : i32
    "tpu.region"() ({
      %run_scoped3A = tpu.sem_alloc : memref<!tpu.dma_semaphore, #tpu.memory_space<semaphore_mem>>
      %dma_start3A = arith.constant 0 : i32
      %dma_start3A_57 = tpu.memref_slice %arg10[%add3A_22, %dma_start3A] : memref<10240x128xf32, #tpu.memory_space<vmem_shared>> -> memref<64x128xf32, #tpu.memory_space<vmem_shared>>
      %dma_start3A_58 = arith.constant 0 : i32
      %dma_start3A_59 = tpu.memref_slice %arg10[%add3A_22, %dma_start3A_58] : memref<10240x128xf32, #tpu.memory_space<vmem_shared>> -> memref<64x128xf32, #tpu.memory_space<vmem_shared>>
      tpu.enqueue_dma source(%arg9 : memref<64x128xf32, #tpu.memory_space<vmem>>) target(%dma_start3A_59 : memref<64x128xf32, #tpu.memory_space<vmem_shared>>) target_semaphore(%run_scoped3A : memref<!tpu.dma_semaphore, #tpu.memory_space<semaphore_mem>>)
      %dma_wait3A = arith.constant 0 : i32
      %dma_wait3A_60 = tpu.memref_slice %arg10[%add3A_22, %dma_wait3A] : memref<10240x128xf32, #tpu.memory_space<vmem_shared>> -> memref<64x128xf32, #tpu.memory_space<vmem_shared>>
      %dma_wait3A_61 = arith.constant 0 : i32
      %dma_wait3A_62 = tpu.memref_slice %arg10[%add3A_22, %dma_wait3A_61] : memref<10240x128xf32, #tpu.memory_space<vmem_shared>> -> memref<64x128xf32, #tpu.memory_space<vmem_shared>>
      tpu.wait_dma2 semaphore(%run_scoped3A : memref<!tpu.dma_semaphore, #tpu.memory_space<semaphore_mem>>) src(%arg9 : memref<64x128xf32, #tpu.memory_space<vmem>>) dst(%dma_wait3A_62 : memref<64x128xf32, #tpu.memory_space<vmem_shared>>)
      tpu.yield
    }) : () -> ()
    %mul3A_23 = arith.constant 640 : i32
    %mul3A_24 = arith.muli %arg1, %mul3A_23 : i32
    %add3A_25 = arith.constant 320 : i32
    %add3A_26 = arith.addi %mul3A_24, %add3A_25 : i32
    "tpu.region"() ({
      %run_scoped3A = tpu.sem_alloc : memref<!tpu.dma_semaphore, #tpu.memory_space<semaphore_mem>>
      %dma_start3A = arith.constant 0 : i32
      %dma_start3A_57 = tpu.memref_slice %arg10[%add3A_26, %dma_start3A] : memref<10240x128xf32, #tpu.memory_space<vmem_shared>> -> memref<64x128xf32, #tpu.memory_space<vmem_shared>>
      %dma_start3A_58 = arith.constant 0 : i32
      %dma_start3A_59 = tpu.memref_slice %arg10[%add3A_26, %dma_start3A_58] : memref<10240x128xf32, #tpu.memory_space<vmem_shared>> -> memref<64x128xf32, #tpu.memory_space<vmem_shared>>
      tpu.enqueue_dma source(%arg9 : memref<64x128xf32, #tpu.memory_space<vmem>>) target(%dma_start3A_59 : memref<64x128xf32, #tpu.memory_space<vmem_shared>>) target_semaphore(%run_scoped3A : memref<!tpu.dma_semaphore, #tpu.memory_space<semaphore_mem>>)
      %dma_wait3A = arith.constant 0 : i32
      %dma_wait3A_60 = tpu.memref_slice %arg10[%add3A_26, %dma_wait3A] : memref<10240x128xf32, #tpu.memory_space<vmem_shared>> -> memref<64x128xf32, #tpu.memory_space<vmem_shared>>
      %dma_wait3A_61 = arith.constant 0 : i32
      %dma_wait3A_62 = tpu.memref_slice %arg10[%add3A_26, %dma_wait3A_61] : memref<10240x128xf32, #tpu.memory_space<vmem_shared>> -> memref<64x128xf32, #tpu.memory_space<vmem_shared>>
      tpu.wait_dma2 semaphore(%run_scoped3A : memref<!tpu.dma_semaphore, #tpu.memory_space<semaphore_mem>>) src(%arg9 : memref<64x128xf32, #tpu.memory_space<vmem>>) dst(%dma_wait3A_62 : memref<64x128xf32, #tpu.memory_space<vmem_shared>>)
      tpu.yield
    }) : () -> ()
    %mul3A_27 = arith.constant 640 : i32
    %mul3A_28 = arith.muli %arg1, %mul3A_27 : i32
    %add3A_29 = arith.constant 384 : i32
    %add3A_30 = arith.addi %mul3A_28, %add3A_29 : i32
    "tpu.region"() ({
      %run_scoped3A = tpu.sem_alloc : memref<!tpu.dma_semaphore, #tpu.memory_space<semaphore_mem>>
      %dma_start3A = arith.constant 0 : i32
      %dma_start3A_57 = tpu.memref_slice %arg10[%add3A_30, %dma_start3A] : memref<10240x128xf32, #tpu.memory_space<vmem_shared>> -> memref<64x128xf32, #tpu.memory_space<vmem_shared>>
      %dma_start3A_58 = arith.constant 0 : i32
      %dma_start3A_59 = tpu.memref_slice %arg10[%add3A_30, %dma_start3A_58] : memref<10240x128xf32, #tpu.memory_space<vmem_shared>> -> memref<64x128xf32, #tpu.memory_space<vmem_shared>>
      tpu.enqueue_dma source(%arg9 : memref<64x128xf32, #tpu.memory_space<vmem>>) target(%dma_start3A_59 : memref<64x128xf32, #tpu.memory_space<vmem_shared>>) target_semaphore(%run_scoped3A : memref<!tpu.dma_semaphore, #tpu.memory_space<semaphore_mem>>)
      %dma_wait3A = arith.constant 0 : i32
      %dma_wait3A_60 = tpu.memref_slice %arg10[%add3A_30, %dma_wait3A] : memref<10240x128xf32, #tpu.memory_space<vmem_shared>> -> memref<64x128xf32, #tpu.memory_space<vmem_shared>>
      %dma_wait3A_61 = arith.constant 0 : i32
      %dma_wait3A_62 = tpu.memref_slice %arg10[%add3A_30, %dma_wait3A_61] : memref<10240x128xf32, #tpu.memory_space<vmem_shared>> -> memref<64x128xf32, #tpu.memory_space<vmem_shared>>
      tpu.wait_dma2 semaphore(%run_scoped3A : memref<!tpu.dma_semaphore, #tpu.memory_space<semaphore_mem>>) src(%arg9 : memref<64x128xf32, #tpu.memory_space<vmem>>) dst(%dma_wait3A_62 : memref<64x128xf32, #tpu.memory_space<vmem_shared>>)
      tpu.yield
    }) : () -> ()
    %mul3A_31 = arith.constant 640 : i32
    %mul3A_32 = arith.muli %arg1, %mul3A_31 : i32
    %add3A_33 = arith.constant 448 : i32
    %add3A_34 = arith.addi %mul3A_32, %add3A_33 : i32
    "tpu.region"() ({
      %run_scoped3A = tpu.sem_alloc : memref<!tpu.dma_semaphore, #tpu.memory_space<semaphore_mem>>
      %dma_start3A = arith.constant 0 : i32
      %dma_start3A_57 = tpu.memref_slice %arg10[%add3A_34, %dma_start3A] : memref<10240x128xf32, #tpu.memory_space<vmem_shared>> -> memref<64x128xf32, #tpu.memory_space<vmem_shared>>
      %dma_start3A_58 = arith.constant 0 : i32
      %dma_start3A_59 = tpu.memref_slice %arg10[%add3A_34, %dma_start3A_58] : memref<10240x128xf32, #tpu.memory_space<vmem_shared>> -> memref<64x128xf32, #tpu.memory_space<vmem_shared>>
      tpu.enqueue_dma source(%arg9 : memref<64x128xf32, #tpu.memory_space<vmem>>) target(%dma_start3A_59 : memref<64x128xf32, #tpu.memory_space<vmem_shared>>) target_semaphore(%run_scoped3A : memref<!tpu.dma_semaphore, #tpu.memory_space<semaphore_mem>>)
      %dma_wait3A = arith.constant 0 : i32
      %dma_wait3A_60 = tpu.memref_slice %arg10[%add3A_34, %dma_wait3A] : memref<10240x128xf32, #tpu.memory_space<vmem_shared>> -> memref<64x128xf32, #tpu.memory_space<vmem_shared>>
      %dma_wait3A_61 = arith.constant 0 : i32
      %dma_wait3A_62 = tpu.memref_slice %arg10[%add3A_34, %dma_wait3A_61] : memref<10240x128xf32, #tpu.memory_space<vmem_shared>> -> memref<64x128xf32, #tpu.memory_space<vmem_shared>>
      tpu.wait_dma2 semaphore(%run_scoped3A : memref<!tpu.dma_semaphore, #tpu.memory_space<semaphore_mem>>) src(%arg9 : memref<64x128xf32, #tpu.memory_space<vmem>>) dst(%dma_wait3A_62 : memref<64x128xf32, #tpu.memory_space<vmem_shared>>)
      tpu.yield
    }) : () -> ()
    %mul3A_35 = arith.constant 640 : i32
    %mul3A_36 = arith.muli %arg1, %mul3A_35 : i32
    %add3A_37 = arith.constant 512 : i32
    %add3A_38 = arith.addi %mul3A_36, %add3A_37 : i32
    "tpu.region"() ({
      %run_scoped3A = tpu.sem_alloc : memref<!tpu.dma_semaphore, #tpu.memory_space<semaphore_mem>>
      %dma_start3A = arith.constant 0 : i32
      %dma_start3A_57 = tpu.memref_slice %arg10[%add3A_38, %dma_start3A] : memref<10240x128xf32, #tpu.memory_space<vmem_shared>> -> memref<64x128xf32, #tpu.memory_space<vmem_shared>>
      %dma_start3A_58 = arith.constant 0 : i32
      %dma_start3A_59 = tpu.memref_slice %arg10[%add3A_38, %dma_start3A_58] : memref<10240x128xf32, #tpu.memory_space<vmem_shared>> -> memref<64x128xf32, #tpu.memory_space<vmem_shared>>
      tpu.enqueue_dma source(%arg9 : memref<64x128xf32, #tpu.memory_space<vmem>>) target(%dma_start3A_59 : memref<64x128xf32, #tpu.memory_space<vmem_shared>>) target_semaphore(%run_scoped3A : memref<!tpu.dma_semaphore, #tpu.memory_space<semaphore_mem>>)
      %dma_wait3A = arith.constant 0 : i32
      %dma_wait3A_60 = tpu.memref_slice %arg10[%add3A_38, %dma_wait3A] : memref<10240x128xf32, #tpu.memory_space<vmem_shared>> -> memref<64x128xf32, #tpu.memory_space<vmem_shared>>
      %dma_wait3A_61 = arith.constant 0 : i32
      %dma_wait3A_62 = tpu.memref_slice %arg10[%add3A_38, %dma_wait3A_61] : memref<10240x128xf32, #tpu.memory_space<vmem_shared>> -> memref<64x128xf32, #tpu.memory_space<vmem_shared>>
      tpu.wait_dma2 semaphore(%run_scoped3A : memref<!tpu.dma_semaphore, #tpu.memory_space<semaphore_mem>>) src(%arg9 : memref<64x128xf32, #tpu.memory_space<vmem>>) dst(%dma_wait3A_62 : memref<64x128xf32, #tpu.memory_space<vmem_shared>>)
      tpu.yield
    }) : () -> ()
    %mul3A_39 = arith.constant 640 : i32
    %mul3A_40 = arith.muli %arg1, %mul3A_39 : i32
    %add3A_41 = arith.constant 576 : i32
    %add3A_42 = arith.addi %mul3A_40, %add3A_41 : i32
    "tpu.region"() ({
      %run_scoped3A = tpu.sem_alloc : memref<!tpu.dma_semaphore, #tpu.memory_space<semaphore_mem>>
      %dma_start3A = arith.constant 0 : i32
      %dma_start3A_57 = tpu.memref_slice %arg10[%add3A_42, %dma_start3A] : memref<10240x128xf32, #tpu.memory_space<vmem_shared>> -> memref<64x128xf32, #tpu.memory_space<vmem_shared>>
      %dma_start3A_58 = arith.constant 0 : i32
      %dma_start3A_59 = tpu.memref_slice %arg10[%add3A_42, %dma_start3A_58] : memref<10240x128xf32, #tpu.memory_space<vmem_shared>> -> memref<64x128xf32, #tpu.memory_space<vmem_shared>>
      tpu.enqueue_dma source(%arg9 : memref<64x128xf32, #tpu.memory_space<vmem>>) target(%dma_start3A_59 : memref<64x128xf32, #tpu.memory_space<vmem_shared>>) target_semaphore(%run_scoped3A : memref<!tpu.dma_semaphore, #tpu.memory_space<semaphore_mem>>)
      %dma_wait3A = arith.constant 0 : i32
      %dma_wait3A_60 = tpu.memref_slice %arg10[%add3A_42, %dma_wait3A] : memref<10240x128xf32, #tpu.memory_space<vmem_shared>> -> memref<64x128xf32, #tpu.memory_space<vmem_shared>>
      %dma_wait3A_61 = arith.constant 0 : i32
      %dma_wait3A_62 = tpu.memref_slice %arg10[%add3A_42, %dma_wait3A_61] : memref<10240x128xf32, #tpu.memory_space<vmem_shared>> -> memref<64x128xf32, #tpu.memory_space<vmem_shared>>
      tpu.wait_dma2 semaphore(%run_scoped3A : memref<!tpu.dma_semaphore, #tpu.memory_space<semaphore_mem>>) src(%arg9 : memref<64x128xf32, #tpu.memory_space<vmem>>) dst(%dma_wait3A_62 : memref<64x128xf32, #tpu.memory_space<vmem_shared>>)
      tpu.yield
    }) : () -> ()
    %barrier3A = arith.constant 0 : index
    tpu.barrier barrier_id(%barrier3A)
    %scan3A_43 = arith.constant 0 : i32
    %scan3A_44 = arith.constant 0 : i32
    %scan3A_45 = arith.constant 5 : i32
    %scan3A_46 = arith.addi %scan3A_44, %scan3A_45 : i32
    %scan3A_47 = arith.constant 1 : i32
    scf.for %scan3A_57 = %scan3A_44 to %scan3A_46 step %scan3A_47  : i32 {
      "tpu.region"() ({
        %run_scoped3A = tpu.sem_alloc : memref<!tpu.dma_semaphore, #tpu.memory_space<semaphore_mem>>
        %dma_start3A = arith.constant 0 : i32
        %dma_start3A_64 = arith.constant 0 : i32
        %dma_start3A_65 = tpu.memref_slice %arg3[%arg0, %arg1, %scan3A_57, %dma_start3A, %dma_start3A_64] : memref<2x16x5x50x80xi32, #tpu.memory_space<hbm>> -> memref<1x1x1x50x80xi32, #tpu.memory_space<hbm>>
        %dma_start3A_66 = tpu.memref_squeeze %dma_start3A_65 : memref<1x1x1x50x80xi32, #tpu.memory_space<hbm>> -> memref<50x80xi32, #tpu.memory_space<hbm>>
        %dma_start3A_67 = arith.constant 0 : i32
        %dma_start3A_68 = arith.constant 0 : i32
        %dma_start3A_69 = tpu.memref_slice %arg3[%arg0, %arg1, %scan3A_57, %dma_start3A_67, %dma_start3A_68] : memref<2x16x5x50x80xi32, #tpu.memory_space<hbm>> -> memref<1x1x1x50x80xi32, #tpu.memory_space<hbm>>
        %dma_start3A_70 = tpu.memref_squeeze %dma_start3A_69 : memref<1x1x1x50x80xi32, #tpu.memory_space<hbm>> -> memref<50x80xi32, #tpu.memory_space<hbm>>
        tpu.enqueue_dma source(%dma_start3A_70 : memref<50x80xi32, #tpu.memory_space<hbm>>) target(%arg6 : memref<50x80xi32, #tpu.memory_space<vmem>>) target_semaphore(%run_scoped3A : memref<!tpu.dma_semaphore, #tpu.memory_space<semaphore_mem>>)
        %dma_wait3A = arith.constant 0 : i32
        %dma_wait3A_71 = arith.constant 0 : i32
        %dma_wait3A_72 = tpu.memref_slice %arg3[%arg0, %arg1, %scan3A_57, %dma_wait3A, %dma_wait3A_71] : memref<2x16x5x50x80xi32, #tpu.memory_space<hbm>> -> memref<1x1x1x50x80xi32, #tpu.memory_space<hbm>>
        %dma_wait3A_73 = tpu.memref_squeeze %dma_wait3A_72 : memref<1x1x1x50x80xi32, #tpu.memory_space<hbm>> -> memref<50x80xi32, #tpu.memory_space<hbm>>
        %dma_wait3A_74 = arith.constant 0 : i32
        %dma_wait3A_75 = arith.constant 0 : i32
        %dma_wait3A_76 = tpu.memref_slice %arg3[%arg0, %arg1, %scan3A_57, %dma_wait3A_74, %dma_wait3A_75] : memref<2x16x5x50x80xi32, #tpu.memory_space<hbm>> -> memref<1x1x1x50x80xi32, #tpu.memory_space<hbm>>
        %dma_wait3A_77 = tpu.memref_squeeze %dma_wait3A_76 : memref<1x1x1x50x80xi32, #tpu.memory_space<hbm>> -> memref<50x80xi32, #tpu.memory_space<hbm>>
        tpu.wait_dma2 semaphore(%run_scoped3A : memref<!tpu.dma_semaphore, #tpu.memory_space<semaphore_mem>>) src(%dma_wait3A_77 : memref<50x80xi32, #tpu.memory_space<hbm>>) dst(%arg6 : memref<50x80xi32, #tpu.memory_space<vmem>>)
        tpu.yield
      }) : () -> ()
      "tpu.region"() ({
        %run_scoped3A = tpu.sem_alloc : memref<!tpu.dma_semaphore, #tpu.memory_space<semaphore_mem>>
        %dma_start3A = arith.constant 0 : i32
        %dma_start3A_64 = arith.constant 0 : i32
        %dma_start3A_65 = tpu.memref_slice %arg4[%arg0, %arg1, %scan3A_57, %dma_start3A, %dma_start3A_64] : memref<2x16x5x50x80xi32, #tpu.memory_space<hbm>> -> memref<1x1x1x50x80xi32, #tpu.memory_space<hbm>>
        %dma_start3A_66 = tpu.memref_squeeze %dma_start3A_65 : memref<1x1x1x50x80xi32, #tpu.memory_space<hbm>> -> memref<50x80xi32, #tpu.memory_space<hbm>>
        %dma_start3A_67 = arith.constant 0 : i32
        %dma_start3A_68 = arith.constant 0 : i32
        %dma_start3A_69 = tpu.memref_slice %arg4[%arg0, %arg1, %scan3A_57, %dma_start3A_67, %dma_start3A_68] : memref<2x16x5x50x80xi32, #tpu.memory_space<hbm>> -> memref<1x1x1x50x80xi32, #tpu.memory_space<hbm>>
        %dma_start3A_70 = tpu.memref_squeeze %dma_start3A_69 : memref<1x1x1x50x80xi32, #tpu.memory_space<hbm>> -> memref<50x80xi32, #tpu.memory_space<hbm>>
        tpu.enqueue_dma source(%dma_start3A_70 : memref<50x80xi32, #tpu.memory_space<hbm>>) target(%arg7 : memref<50x80xi32, #tpu.memory_space<vmem>>) target_semaphore(%run_scoped3A : memref<!tpu.dma_semaphore, #tpu.memory_space<semaphore_mem>>)
        %dma_wait3A = arith.constant 0 : i32
        %dma_wait3A_71 = arith.constant 0 : i32
        %dma_wait3A_72 = tpu.memref_slice %arg4[%arg0, %arg1, %scan3A_57, %dma_wait3A, %dma_wait3A_71] : memref<2x16x5x50x80xi32, #tpu.memory_space<hbm>> -> memref<1x1x1x50x80xi32, #tpu.memory_space<hbm>>
        %dma_wait3A_73 = tpu.memref_squeeze %dma_wait3A_72 : memref<1x1x1x50x80xi32, #tpu.memory_space<hbm>> -> memref<50x80xi32, #tpu.memory_space<hbm>>
        %dma_wait3A_74 = arith.constant 0 : i32
        %dma_wait3A_75 = arith.constant 0 : i32
        %dma_wait3A_76 = tpu.memref_slice %arg4[%arg0, %arg1, %scan3A_57, %dma_wait3A_74, %dma_wait3A_75] : memref<2x16x5x50x80xi32, #tpu.memory_space<hbm>> -> memref<1x1x1x50x80xi32, #tpu.memory_space<hbm>>
        %dma_wait3A_77 = tpu.memref_squeeze %dma_wait3A_76 : memref<1x1x1x50x80xi32, #tpu.memory_space<hbm>> -> memref<50x80xi32, #tpu.memory_space<hbm>>
        tpu.wait_dma2 semaphore(%run_scoped3A : memref<!tpu.dma_semaphore, #tpu.memory_space<semaphore_mem>>) src(%dma_wait3A_77 : memref<50x80xi32, #tpu.memory_space<hbm>>) dst(%arg7 : memref<50x80xi32, #tpu.memory_space<vmem>>)
        tpu.yield
      }) : () -> ()
      %scan3A_58 = arith.constant 0 : i32
      %scan3A_59 = arith.constant 0 : i32
      %scan3A_60 = arith.constant 50 : i32
      %scan3A_61 = arith.addi %scan3A_59, %scan3A_60 : i32
      %scan3A_62 = arith.constant 1 : i32
      scf.for %scan3A_64 = %scan3A_59 to %scan3A_61 step %scan3A_62  : i32 {
        %dma_start3A = arith.constant 0 : i32
        %dma_start3A_65 = tpu.memref_slice %arg6[%scan3A_64, %dma_start3A] : memref<50x80xi32, #tpu.memory_space<vmem>> -> memref<1x80xi32, #tpu.memory_space<vmem>>
        %dma_start3A_66 = tpu.memref_squeeze %dma_start3A_65 : memref<1x80xi32, #tpu.memory_space<vmem>> -> memref<80xi32, #tpu.memory_space<vmem>>
        %dma_start3A_67 = arith.constant 0 : i32
        %dma_start3A_68 = arith.constant 0 : i32
        %dma_start3A_69 = tpu.memref_slice %arg2[%dma_start3A_67, %dma_start3A_68] : memref<20480x128xf32, #tpu.memory_space<hbm>> -> memref<20480x128xf32, #tpu.memory_space<hbm>>
        tpu.enqueue_indirect_dma source(%dma_start3A_69 : memref<20480x128xf32, #tpu.memory_space<hbm>>) target(%arg8 : memref<80x128xf32, #tpu.memory_space<vmem>>) offsets(%dma_start3A_66 : memref<80xi32, #tpu.memory_space<vmem>>) semaphore(%arg11 : memref<!tpu.dma_semaphore, #tpu.memory_space<semaphore_mem>>)
        %dma_wait3A = arith.constant 0 : i32
        %dma_wait3A_70 = tpu.memref_slice %arg6[%scan3A_64, %dma_wait3A] : memref<50x80xi32, #tpu.memory_space<vmem>> -> memref<1x80xi32, #tpu.memory_space<vmem>>
        %dma_wait3A_71 = tpu.memref_squeeze %dma_wait3A_70 : memref<1x80xi32, #tpu.memory_space<vmem>> -> memref<80xi32, #tpu.memory_space<vmem>>
        %dma_wait3A_72 = arith.constant 0 : i32
        %dma_wait3A_73 = arith.constant 0 : i32
        %dma_wait3A_74 = tpu.memref_slice %arg2[%dma_wait3A_72, %dma_wait3A_73] : memref<20480x128xf32, #tpu.memory_space<hbm>> -> memref<20480x128xf32, #tpu.memory_space<hbm>>
        tpu.wait_indirect_dma semaphore(%arg11 : memref<!tpu.dma_semaphore, #tpu.memory_space<semaphore_mem>>) src(%dma_wait3A_74 : memref<20480x128xf32, #tpu.memory_space<hbm>>) dst(%arg8 : memref<80x128xf32, #tpu.memory_space<vmem>>)
        "tpu.region"() ({
          %run_scoped3A = tpu.sem_alloc : memref<!tpu.dma_semaphore, #tpu.memory_space<semaphore_mem>>
          %dma_start3A_75 = arith.constant 0 : i32
          %dma_start3A_76 = tpu.memref_slice %arg7[%scan3A_64, %dma_start3A_75] : memref<50x80xi32, #tpu.memory_space<vmem>> -> memref<1x80xi32, #tpu.memory_space<vmem>>
          %dma_start3A_77 = tpu.memref_squeeze %dma_start3A_76 : memref<1x80xi32, #tpu.memory_space<vmem>> -> memref<80xi32, #tpu.memory_space<vmem>>
          %dma_start3A_78 = arith.constant 0 : i32
          %dma_start3A_79 = arith.constant 0 : i32
          %dma_start3A_80 = tpu.memref_slice %arg10[%dma_start3A_78, %dma_start3A_79] : memref<10240x128xf32, #tpu.memory_space<vmem_shared>> -> memref<10240x128xf32, #tpu.memory_space<vmem_shared>>
          tpu.enqueue_indirect_dma source(%arg8 : memref<80x128xf32, #tpu.memory_space<vmem>>) target(%dma_start3A_80 : memref<10240x128xf32, #tpu.memory_space<vmem_shared>>) offsets(%dma_start3A_77 : memref<80xi32, #tpu.memory_space<vmem>>) semaphore(%run_scoped3A : memref<!tpu.dma_semaphore, #tpu.memory_space<semaphore_mem>>) {add = true}
          %dma_wait3A_81 = arith.constant 0 : i32
          %dma_wait3A_82 = tpu.memref_slice %arg7[%scan3A_64, %dma_wait3A_81] : memref<50x80xi32, #tpu.memory_space<vmem>> -> memref<1x80xi32, #tpu.memory_space<vmem>>
          %dma_wait3A_83 = tpu.memref_squeeze %dma_wait3A_82 : memref<1x80xi32, #tpu.memory_space<vmem>> -> memref<80xi32, #tpu.memory_space<vmem>>
          %dma_wait3A_84 = arith.constant 0 : i32
          %dma_wait3A_85 = arith.constant 0 : i32
          %dma_wait3A_86 = tpu.memref_slice %arg10[%dma_wait3A_84, %dma_wait3A_85] : memref<10240x128xf32, #tpu.memory_space<vmem_shared>> -> memref<10240x128xf32, #tpu.memory_space<vmem_shared>>
          tpu.wait_indirect_dma semaphore(%run_scoped3A : memref<!tpu.dma_semaphore, #tpu.memory_space<semaphore_mem>>) src(%arg8 : memref<80x128xf32, #tpu.memory_space<vmem>>) dst(%dma_wait3A_86 : memref<10240x128xf32, #tpu.memory_space<vmem_shared>>)
          tpu.yield
        }) : () -> ()
      }
      %scan3A_63 = arith.constant 50 : i32
    }
    %scan3A_48 = arith.constant 5 : i32
    %barrier3A_49 = arith.constant 0 : index
    tpu.barrier barrier_id(%barrier3A_49)
    %mul3A_50 = arith.constant 640 : i32
    %mul3A_51 = arith.muli %arg1, %mul3A_50 : i32
    %mul3A_52 = arith.constant 10240 : i32
    %mul3A_53 = arith.muli %arg0, %mul3A_52 : i32
    %mul3A_54 = arith.constant 640 : i32
    %mul3A_55 = arith.muli %arg1, %mul3A_54 : i32
    %add3A_56 = arith.addi %mul3A_53, %mul3A_55 : i32
    "tpu.region"() ({
      %run_scoped3A = tpu.sem_alloc : memref<!tpu.dma_semaphore, #tpu.memory_space<semaphore_mem>>
      %dma_start3A = arith.constant 0 : i32
      %dma_start3A_57 = tpu.memref_slice %arg5[%add3A_56, %dma_start3A] : memref<20480x128xf32, #tpu.memory_space<hbm>> -> memref<640x128xf32, #tpu.memory_space<hbm>>
      %dma_start3A_58 = arith.constant 0 : i32
      %dma_start3A_59 = tpu.memref_slice %arg10[%mul3A_51, %dma_start3A_58] : memref<10240x128xf32, #tpu.memory_space<vmem_shared>> -> memref<640x128xf32, #tpu.memory_space<vmem_shared>>
      tpu.enqueue_dma source(%dma_start3A_59 : memref<640x128xf32, #tpu.memory_space<vmem_shared>>) target(%dma_start3A_57 : memref<640x128xf32, #tpu.memory_space<hbm>>) target_semaphore(%run_scoped3A : memref<!tpu.dma_semaphore, #tpu.memory_space<semaphore_mem>>)
      %dma_wait3A = arith.constant 0 : i32
      %dma_wait3A_60 = tpu.memref_slice %arg5[%add3A_56, %dma_wait3A] : memref<20480x128xf32, #tpu.memory_space<hbm>> -> memref<640x128xf32, #tpu.memory_space<hbm>>
      %dma_wait3A_61 = arith.constant 0 : i32
      %dma_wait3A_62 = tpu.memref_slice %arg10[%mul3A_51, %dma_wait3A_61] : memref<10240x128xf32, #tpu.memory_space<vmem_shared>> -> memref<640x128xf32, #tpu.memory_space<vmem_shared>>
      tpu.wait_dma2 semaphore(%run_scoped3A : memref<!tpu.dma_semaphore, #tpu.memory_space<semaphore_mem>>) src(%dma_wait3A_62 : memref<640x128xf32, #tpu.memory_space<vmem_shared>>) dst(%dma_wait3A_60 : memref<640x128xf32, #tpu.memory_space<hbm>>)
      tpu.yield
    }) : () -> ()
    return
  }
}

#map = affine_map<(d0, d1) -> (0, 0)>
#map1 = affine_map<(d0, d1) -> (0, 0, 0, 0, 0)>
module attributes {stable_mosaic.version = 14 : i64} {
  func.func @_segsum_body(%arg0: i32, %arg1: i32, %arg2: memref<20480x128xf32, #tpu.memory_space<hbm>>, %arg3: memref<2x16x5x50x80xi32, #tpu.memory_space<hbm>>, %arg4: memref<2x16x5x50x80xi32, #tpu.memory_space<hbm>>, %arg5: memref<20480x128xf32, #tpu.memory_space<hbm>>, %arg6: memref<50x80xi32, #tpu.memory_space<vmem>>, %arg7: memref<50x80xi32, #tpu.memory_space<vmem>>, %arg8: memref<80x128xf32, #tpu.memory_space<vmem>>, %arg9: memref<64x128xf32, #tpu.memory_space<vmem>>, %arg10: memref<10240x128xf32, #tpu.memory_space<vmem_shared>>, %arg11: memref<!tpu.dma_semaphore, #tpu.memory_space<semaphore_mem>>) attributes {dimension_semantics = [#tpu.dimension_semantics<core_parallel>, #tpu.dimension_semantics<subcore_parallel>], iteration_bounds = array<i64: 2, 16>, scalar_prefetch = 0 : i64, scratch_operands = 6 : i64, tpu.core_type = #tpu.core_type<sc_vector_subcore>, window_params = [{transform_indices = #map}, {transform_indices = #map1}, {transform_indices = #map1}, {transform_indices = #map}]} {
    %scan3A = arith.constant 0 : i32
    %scan3A_0 = arith.constant 0 : i32
    %scan3A_1 = arith.constant 64 : i32
    %scan3A_2 = arith.addi %scan3A_0, %scan3A_1 : i32
    %scan3A_3 = arith.constant 1 : i32
    scf.for %scan3A_57 = %scan3A_0 to %scan3A_2 step %scan3A_3  : i32 {
      %broadcast_in_dim3A = arith.constant 0.000000e+00 : f32
      %broadcast_in_dim3A_58 = vector.broadcast %broadcast_in_dim3A : f32 to vector<16xf32>
      %swap3A = arith.index_cast %scan3A_57 : i32 to index
      %swap3A_59 = arith.constant 0 : index
      %swap3A_60 = tpu.vector_load %arg9[%swap3A, %swap3A_59] {strides = array<i32>} : memref<64x128xf32, #tpu.memory_space<vmem>>, vector<1x16xf32>,
      %swap3A_61 = vector.shape_cast %swap3A_60 : vector<1x16xf32> to vector<16xf32>
      %swap3A_62 = vector.shape_cast %broadcast_in_dim3A_58 : vector<16xf32> to vector<1x16xf32>
      tpu.vector_store %arg9[%swap3A, %swap3A_59], %swap3A_62 {strides = array<i32>} : memref<64x128xf32, #tpu.memory_space<vmem>>, vector<1x16xf32>,
      %broadcast_in_dim3A_63 = arith.constant 0.000000e+00 : f32
      %broadcast_in_dim3A_64 = vector.broadcast %broadcast_in_dim3A_63 : f32 to vector<16xf32>
      %swap3A_65 = arith.index_cast %scan3A_57 : i32 to index
      %swap3A_66 = arith.constant 16 : index
      %swap3A_67 = tpu.vector_load %arg9[%swap3A_65, %swap3A_66] {strides = array<i32>} : memref<64x128xf32, #tpu.memory_space<vmem>>, vector<1x16xf32>,
      %swap3A_68 = vector.shape_cast %swap3A_67 : vector<1x16xf32> to vector<16xf32>
      %swap3A_69 = vector.shape_cast %broadcast_in_dim3A_64 : vector<16xf32> to vector<1x16xf32>
      tpu.vector_store %arg9[%swap3A_65, %swap3A_66], %swap3A_69 {strides = array<i32>} : memref<64x128xf32, #tpu.memory_space<vmem>>, vector<1x16xf32>,
      %broadcast_in_dim3A_70 = arith.constant 0.000000e+00 : f32
      %broadcast_in_dim3A_71 = vector.broadcast %broadcast_in_dim3A_70 : f32 to vector<16xf32>
      %swap3A_72 = arith.index_cast %scan3A_57 : i32 to index
      %swap3A_73 = arith.constant 32 : index
      %swap3A_74 = tpu.vector_load %arg9[%swap3A_72, %swap3A_73] {strides = array<i32>} : memref<64x128xf32, #tpu.memory_space<vmem>>, vector<1x16xf32>,
      %swap3A_75 = vector.shape_cast %swap3A_74 : vector<1x16xf32> to vector<16xf32>
      %swap3A_76 = vector.shape_cast %broadcast_in_dim3A_71 : vector<16xf32> to vector<1x16xf32>
      tpu.vector_store %arg9[%swap3A_72, %swap3A_73], %swap3A_76 {strides = array<i32>} : memref<64x128xf32, #tpu.memory_space<vmem>>, vector<1x16xf32>,
      %broadcast_in_dim3A_77 = arith.constant 0.000000e+00 : f32
      %broadcast_in_dim3A_78 = vector.broadcast %broadcast_in_dim3A_77 : f32 to vector<16xf32>
      %swap3A_79 = arith.index_cast %scan3A_57 : i32 to index
      %swap3A_80 = arith.constant 48 : index
      %swap3A_81 = tpu.vector_load %arg9[%swap3A_79, %swap3A_80] {strides = array<i32>} : memref<64x128xf32, #tpu.memory_space<vmem>>, vector<1x16xf32>,
      %swap3A_82 = vector.shape_cast %swap3A_81 : vector<1x16xf32> to vector<16xf32>
      %swap3A_83 = vector.shape_cast %broadcast_in_dim3A_78 : vector<16xf32> to vector<1x16xf32>
      tpu.vector_store %arg9[%swap3A_79, %swap3A_80], %swap3A_83 {strides = array<i32>} : memref<64x128xf32, #tpu.memory_space<vmem>>, vector<1x16xf32>,
      %broadcast_in_dim3A_84 = arith.constant 0.000000e+00 : f32
      %broadcast_in_dim3A_85 = vector.broadcast %broadcast_in_dim3A_84 : f32 to vector<16xf32>
      %swap3A_86 = arith.index_cast %scan3A_57 : i32 to index
      %swap3A_87 = arith.constant 64 : index
      %swap3A_88 = tpu.vector_load %arg9[%swap3A_86, %swap3A_87] {strides = array<i32>} : memref<64x128xf32, #tpu.memory_space<vmem>>, vector<1x16xf32>,
      %swap3A_89 = vector.shape_cast %swap3A_88 : vector<1x16xf32> to vector<16xf32>
      %swap3A_90 = vector.shape_cast %broadcast_in_dim3A_85 : vector<16xf32> to vector<1x16xf32>
      tpu.vector_store %arg9[%swap3A_86, %swap3A_87], %swap3A_90 {strides = array<i32>} : memref<64x128xf32, #tpu.memory_space<vmem>>, vector<1x16xf32>,
      %broadcast_in_dim3A_91 = arith.constant 0.000000e+00 : f32
      %broadcast_in_dim3A_92 = vector.broadcast %broadcast_in_dim3A_91 : f32 to vector<16xf32>
      %swap3A_93 = arith.index_cast %scan3A_57 : i32 to index
      %swap3A_94 = arith.constant 80 : index
      %swap3A_95 = tpu.vector_load %arg9[%swap3A_93, %swap3A_94] {strides = array<i32>} : memref<64x128xf32, #tpu.memory_space<vmem>>, vector<1x16xf32>,
      %swap3A_96 = vector.shape_cast %swap3A_95 : vector<1x16xf32> to vector<16xf32>
      %swap3A_97 = vector.shape_cast %broadcast_in_dim3A_92 : vector<16xf32> to vector<1x16xf32>
      tpu.vector_store %arg9[%swap3A_93, %swap3A_94], %swap3A_97 {strides = array<i32>} : memref<64x128xf32, #tpu.memory_space<vmem>>, vector<1x16xf32>,
      %broadcast_in_dim3A_98 = arith.constant 0.000000e+00 : f32
      %broadcast_in_dim3A_99 = vector.broadcast %broadcast_in_dim3A_98 : f32 to vector<16xf32>
      %swap3A_100 = arith.index_cast %scan3A_57 : i32 to index
      %swap3A_101 = arith.constant 96 : index
      %swap3A_102 = tpu.vector_load %arg9[%swap3A_100, %swap3A_101] {strides = array<i32>} : memref<64x128xf32, #tpu.memory_space<vmem>>, vector<1x16xf32>,
      %swap3A_103 = vector.shape_cast %swap3A_102 : vector<1x16xf32> to vector<16xf32>
      %swap3A_104 = vector.shape_cast %broadcast_in_dim3A_99 : vector<16xf32> to vector<1x16xf32>
      tpu.vector_store %arg9[%swap3A_100, %swap3A_101], %swap3A_104 {strides = array<i32>} : memref<64x128xf32, #tpu.memory_space<vmem>>, vector<1x16xf32>,
      %broadcast_in_dim3A_105 = arith.constant 0.000000e+00 : f32
      %broadcast_in_dim3A_106 = vector.broadcast %broadcast_in_dim3A_105 : f32 to vector<16xf32>
      %swap3A_107 = arith.index_cast %scan3A_57 : i32 to index
      %swap3A_108 = arith.constant 112 : index
      %swap3A_109 = tpu.vector_load %arg9[%swap3A_107, %swap3A_108] {strides = array<i32>} : memref<64x128xf32, #tpu.memory_space<vmem>>, vector<1x16xf32>,
      %swap3A_110 = vector.shape_cast %swap3A_109 : vector<1x16xf32> to vector<16xf32>
      %swap3A_111 = vector.shape_cast %broadcast_in_dim3A_106 : vector<16xf32> to vector<1x16xf32>
      tpu.vector_store %arg9[%swap3A_107, %swap3A_108], %swap3A_111 {strides = array<i32>} : memref<64x128xf32, #tpu.memory_space<vmem>>, vector<1x16xf32>,
    }
    %scan3A_4 = arith.constant 64 : i32
    %mul3A = arith.constant 640 : i32
    %mul3A_5 = arith.muli %arg1, %mul3A : i32
    %add3A = arith.constant 0 : i32
    %add3A_6 = arith.addi %mul3A_5, %add3A : i32
    "tpu.region"() ({
      %run_scoped3A = tpu.sem_alloc : memref<!tpu.dma_semaphore, #tpu.memory_space<semaphore_mem>>
      %dma_start3A = arith.constant 0 : i32
      %dma_start3A_57 = tpu.memref_slice %arg10[%add3A_6, %dma_start3A] : memref<10240x128xf32, #tpu.memory_space<vmem_shared>> -> memref<64x128xf32, #tpu.memory_space<vmem_shared>>
      %dma_start3A_58 = arith.constant 0 : i32
      %dma_start3A_59 = tpu.memref_slice %arg10[%add3A_6, %dma_start3A_58] : memref<10240x128xf32, #tpu.memory_space<vmem_shared>> -> memref<64x128xf32, #tpu.memory_space<vmem_shared>>
      tpu.enqueue_dma source(%arg9 : memref<64x128xf32, #tpu.memory_space<vmem>>) target(%dma_start3A_59 : memref<64x128xf32, #tpu.memory_space<vmem_shared>>) target_semaphore(%run_scoped3A : memref<!tpu.dma_semaphore, #tpu.memory_space<semaphore_mem>>)
      %dma_wait3A = arith.constant 0 : i32
      %dma_wait3A_60 = tpu.memref_slice %arg10[%add3A_6, %dma_wait3A] : memref<10240x128xf32, #tpu.memory_space<vmem_shared>> -> memref<64x128xf32, #tpu.memory_space<vmem_shared>>
      %dma_wait3A_61 = arith.constant 0 : i32
      %dma_wait3A_62 = tpu.memref_slice %arg10[%add3A_6, %dma_wait3A_61] : memref<10240x128xf32, #tpu.memory_space<vmem_shared>> -> memref<64x128xf32, #tpu.memory_space<vmem_shared>>
      tpu.wait_dma2 semaphore(%run_scoped3A : memref<!tpu.dma_semaphore, #tpu.memory_space<semaphore_mem>>) src(%arg9 : memref<64x128xf32, #tpu.memory_space<vmem>>) dst(%dma_wait3A_62 : memref<64x128xf32, #tpu.memory_space<vmem_shared>>)
      tpu.yield
    }) : () -> ()
    %mul3A_7 = arith.constant 640 : i32
    %mul3A_8 = arith.muli %arg1, %mul3A_7 : i32
    %add3A_9 = arith.constant 64 : i32
    %add3A_10 = arith.addi %mul3A_8, %add3A_9 : i32
    "tpu.region"() ({
      %run_scoped3A = tpu.sem_alloc : memref<!tpu.dma_semaphore, #tpu.memory_space<semaphore_mem>>
      %dma_start3A = arith.constant 0 : i32
      %dma_start3A_57 = tpu.memref_slice %arg10[%add3A_10, %dma_start3A] : memref<10240x128xf32, #tpu.memory_space<vmem_shared>> -> memref<64x128xf32, #tpu.memory_space<vmem_shared>>
      %dma_start3A_58 = arith.constant 0 : i32
      %dma_start3A_59 = tpu.memref_slice %arg10[%add3A_10, %dma_start3A_58] : memref<10240x128xf32, #tpu.memory_space<vmem_shared>> -> memref<64x128xf32, #tpu.memory_space<vmem_shared>>
      tpu.enqueue_dma source(%arg9 : memref<64x128xf32, #tpu.memory_space<vmem>>) target(%dma_start3A_59 : memref<64x128xf32, #tpu.memory_space<vmem_shared>>) target_semaphore(%run_scoped3A : memref<!tpu.dma_semaphore, #tpu.memory_space<semaphore_mem>>)
      %dma_wait3A = arith.constant 0 : i32
      %dma_wait3A_60 = tpu.memref_slice %arg10[%add3A_10, %dma_wait3A] : memref<10240x128xf32, #tpu.memory_space<vmem_shared>> -> memref<64x128xf32, #tpu.memory_space<vmem_shared>>
      %dma_wait3A_61 = arith.constant 0 : i32
      %dma_wait3A_62 = tpu.memref_slice %arg10[%add3A_10, %dma_wait3A_61] : memref<10240x128xf32, #tpu.memory_space<vmem_shared>> -> memref<64x128xf32, #tpu.memory_space<vmem_shared>>
      tpu.wait_dma2 semaphore(%run_scoped3A : memref<!tpu.dma_semaphore, #tpu.memory_space<semaphore_mem>>) src(%arg9 : memref<64x128xf32, #tpu.memory_space<vmem>>) dst(%dma_wait3A_62 : memref<64x128xf32, #tpu.memory_space<vmem_shared>>)
      tpu.yield
    }) : () -> ()
    %mul3A_11 = arith.constant 640 : i32
    %mul3A_12 = arith.muli %arg1, %mul3A_11 : i32
    %add3A_13 = arith.constant 128 : i32
    %add3A_14 = arith.addi %mul3A_12, %add3A_13 : i32
    "tpu.region"() ({
      %run_scoped3A = tpu.sem_alloc : memref<!tpu.dma_semaphore, #tpu.memory_space<semaphore_mem>>
      %dma_start3A = arith.constant 0 : i32
      %dma_start3A_57 = tpu.memref_slice %arg10[%add3A_14, %dma_start3A] : memref<10240x128xf32, #tpu.memory_space<vmem_shared>> -> memref<64x128xf32, #tpu.memory_space<vmem_shared>>
      %dma_start3A_58 = arith.constant 0 : i32
      %dma_start3A_59 = tpu.memref_slice %arg10[%add3A_14, %dma_start3A_58] : memref<10240x128xf32, #tpu.memory_space<vmem_shared>> -> memref<64x128xf32, #tpu.memory_space<vmem_shared>>
      tpu.enqueue_dma source(%arg9 : memref<64x128xf32, #tpu.memory_space<vmem>>) target(%dma_start3A_59 : memref<64x128xf32, #tpu.memory_space<vmem_shared>>) target_semaphore(%run_scoped3A : memref<!tpu.dma_semaphore, #tpu.memory_space<semaphore_mem>>)
      %dma_wait3A = arith.constant 0 : i32
      %dma_wait3A_60 = tpu.memref_slice %arg10[%add3A_14, %dma_wait3A] : memref<10240x128xf32, #tpu.memory_space<vmem_shared>> -> memref<64x128xf32, #tpu.memory_space<vmem_shared>>
      %dma_wait3A_61 = arith.constant 0 : i32
      %dma_wait3A_62 = tpu.memref_slice %arg10[%add3A_14, %dma_wait3A_61] : memref<10240x128xf32, #tpu.memory_space<vmem_shared>> -> memref<64x128xf32, #tpu.memory_space<vmem_shared>>
      tpu.wait_dma2 semaphore(%run_scoped3A : memref<!tpu.dma_semaphore, #tpu.memory_space<semaphore_mem>>) src(%arg9 : memref<64x128xf32, #tpu.memory_space<vmem>>) dst(%dma_wait3A_62 : memref<64x128xf32, #tpu.memory_space<vmem_shared>>)
      tpu.yield
    }) : () -> ()
    %mul3A_15 = arith.constant 640 : i32
    %mul3A_16 = arith.muli %arg1, %mul3A_15 : i32
    %add3A_17 = arith.constant 192 : i32
    %add3A_18 = arith.addi %mul3A_16, %add3A_17 : i32
    "tpu.region"() ({
      %run_scoped3A = tpu.sem_alloc : memref<!tpu.dma_semaphore, #tpu.memory_space<semaphore_mem>>
      %dma_start3A = arith.constant 0 : i32
      %dma_start3A_57 = tpu.memref_slice %arg10[%add3A_18, %dma_start3A] : memref<10240x128xf32, #tpu.memory_space<vmem_shared>> -> memref<64x128xf32, #tpu.memory_space<vmem_shared>>
      %dma_start3A_58 = arith.constant 0 : i32
      %dma_start3A_59 = tpu.memref_slice %arg10[%add3A_18, %dma_start3A_58] : memref<10240x128xf32, #tpu.memory_space<vmem_shared>> -> memref<64x128xf32, #tpu.memory_space<vmem_shared>>
      tpu.enqueue_dma source(%arg9 : memref<64x128xf32, #tpu.memory_space<vmem>>) target(%dma_start3A_59 : memref<64x128xf32, #tpu.memory_space<vmem_shared>>) target_semaphore(%run_scoped3A : memref<!tpu.dma_semaphore, #tpu.memory_space<semaphore_mem>>)
      %dma_wait3A = arith.constant 0 : i32
      %dma_wait3A_60 = tpu.memref_slice %arg10[%add3A_18, %dma_wait3A] : memref<10240x128xf32, #tpu.memory_space<vmem_shared>> -> memref<64x128xf32, #tpu.memory_space<vmem_shared>>
      %dma_wait3A_61 = arith.constant 0 : i32
      %dma_wait3A_62 = tpu.memref_slice %arg10[%add3A_18, %dma_wait3A_61] : memref<10240x128xf32, #tpu.memory_space<vmem_shared>> -> memref<64x128xf32, #tpu.memory_space<vmem_shared>>
      tpu.wait_dma2 semaphore(%run_scoped3A : memref<!tpu.dma_semaphore, #tpu.memory_space<semaphore_mem>>) src(%arg9 : memref<64x128xf32, #tpu.memory_space<vmem>>) dst(%dma_wait3A_62 : memref<64x128xf32, #tpu.memory_space<vmem_shared>>)
      tpu.yield
    }) : () -> ()
    %mul3A_19 = arith.constant 640 : i32
    %mul3A_20 = arith.muli %arg1, %mul3A_19 : i32
    %add3A_21 = arith.constant 256 : i32
    %add3A_22 = arith.addi %mul3A_20, %add3A_21 : i32
    "tpu.region"() ({
      %run_scoped3A = tpu.sem_alloc : memref<!tpu.dma_semaphore, #tpu.memory_space<semaphore_mem>>
      %dma_start3A = arith.constant 0 : i32
      %dma_start3A_57 = tpu.memref_slice %arg10[%add3A_22, %dma_start3A] : memref<10240x128xf32, #tpu.memory_space<vmem_shared>> -> memref<64x128xf32, #tpu.memory_space<vmem_shared>>
      %dma_start3A_58 = arith.constant 0 : i32
      %dma_start3A_59 = tpu.memref_slice %arg10[%add3A_22, %dma_start3A_58] : memref<10240x128xf32, #tpu.memory_space<vmem_shared>> -> memref<64x128xf32, #tpu.memory_space<vmem_shared>>
      tpu.enqueue_dma source(%arg9 : memref<64x128xf32, #tpu.memory_space<vmem>>) target(%dma_start3A_59 : memref<64x128xf32, #tpu.memory_space<vmem_shared>>) target_semaphore(%run_scoped3A : memref<!tpu.dma_semaphore, #tpu.memory_space<semaphore_mem>>)
      %dma_wait3A = arith.constant 0 : i32
      %dma_wait3A_60 = tpu.memref_slice %arg10[%add3A_22, %dma_wait3A] : memref<10240x128xf32, #tpu.memory_space<vmem_shared>> -> memref<64x128xf32, #tpu.memory_space<vmem_shared>>
      %dma_wait3A_61 = arith.constant 0 : i32
      %dma_wait3A_62 = tpu.memref_slice %arg10[%add3A_22, %dma_wait3A_61] : memref<10240x128xf32, #tpu.memory_space<vmem_shared>> -> memref<64x128xf32, #tpu.memory_space<vmem_shared>>
      tpu.wait_dma2 semaphore(%run_scoped3A : memref<!tpu.dma_semaphore, #tpu.memory_space<semaphore_mem>>) src(%arg9 : memref<64x128xf32, #tpu.memory_space<vmem>>) dst(%dma_wait3A_62 : memref<64x128xf32, #tpu.memory_space<vmem_shared>>)
      tpu.yield
    }) : () -> ()
    %mul3A_23 = arith.constant 640 : i32
    %mul3A_24 = arith.muli %arg1, %mul3A_23 : i32
    %add3A_25 = arith.constant 320 : i32
    %add3A_26 = arith.addi %mul3A_24, %add3A_25 : i32
    "tpu.region"() ({
      %run_scoped3A = tpu.sem_alloc : memref<!tpu.dma_semaphore, #tpu.memory_space<semaphore_mem>>
      %dma_start3A = arith.constant 0 : i32
      %dma_start3A_57 = tpu.memref_slice %arg10[%add3A_26, %dma_start3A] : memref<10240x128xf32, #tpu.memory_space<vmem_shared>> -> memref<64x128xf32, #tpu.memory_space<vmem_shared>>
      %dma_start3A_58 = arith.constant 0 : i32
      %dma_start3A_59 = tpu.memref_slice %arg10[%add3A_26, %dma_start3A_58] : memref<10240x128xf32, #tpu.memory_space<vmem_shared>> -> memref<64x128xf32, #tpu.memory_space<vmem_shared>>
      tpu.enqueue_dma source(%arg9 : memref<64x128xf32, #tpu.memory_space<vmem>>) target(%dma_start3A_59 : memref<64x128xf32, #tpu.memory_space<vmem_shared>>) target_semaphore(%run_scoped3A : memref<!tpu.dma_semaphore, #tpu.memory_space<semaphore_mem>>)
      %dma_wait3A = arith.constant 0 : i32
      %dma_wait3A_60 = tpu.memref_slice %arg10[%add3A_26, %dma_wait3A] : memref<10240x128xf32, #tpu.memory_space<vmem_shared>> -> memref<64x128xf32, #tpu.memory_space<vmem_shared>>
      %dma_wait3A_61 = arith.constant 0 : i32
      %dma_wait3A_62 = tpu.memref_slice %arg10[%add3A_26, %dma_wait3A_61] : memref<10240x128xf32, #tpu.memory_space<vmem_shared>> -> memref<64x128xf32, #tpu.memory_space<vmem_shared>>
      tpu.wait_dma2 semaphore(%run_scoped3A : memref<!tpu.dma_semaphore, #tpu.memory_space<semaphore_mem>>) src(%arg9 : memref<64x128xf32, #tpu.memory_space<vmem>>) dst(%dma_wait3A_62 : memref<64x128xf32, #tpu.memory_space<vmem_shared>>)
      tpu.yield
    }) : () -> ()
    %mul3A_27 = arith.constant 640 : i32
    %mul3A_28 = arith.muli %arg1, %mul3A_27 : i32
    %add3A_29 = arith.constant 384 : i32
    %add3A_30 = arith.addi %mul3A_28, %add3A_29 : i32
    "tpu.region"() ({
      %run_scoped3A = tpu.sem_alloc : memref<!tpu.dma_semaphore, #tpu.memory_space<semaphore_mem>>
      %dma_start3A = arith.constant 0 : i32
      %dma_start3A_57 = tpu.memref_slice %arg10[%add3A_30, %dma_start3A] : memref<10240x128xf32, #tpu.memory_space<vmem_shared>> -> memref<64x128xf32, #tpu.memory_space<vmem_shared>>
      %dma_start3A_58 = arith.constant 0 : i32
      %dma_start3A_59 = tpu.memref_slice %arg10[%add3A_30, %dma_start3A_58] : memref<10240x128xf32, #tpu.memory_space<vmem_shared>> -> memref<64x128xf32, #tpu.memory_space<vmem_shared>>
      tpu.enqueue_dma source(%arg9 : memref<64x128xf32, #tpu.memory_space<vmem>>) target(%dma_start3A_59 : memref<64x128xf32, #tpu.memory_space<vmem_shared>>) target_semaphore(%run_scoped3A : memref<!tpu.dma_semaphore, #tpu.memory_space<semaphore_mem>>)
      %dma_wait3A = arith.constant 0 : i32
      %dma_wait3A_60 = tpu.memref_slice %arg10[%add3A_30, %dma_wait3A] : memref<10240x128xf32, #tpu.memory_space<vmem_shared>> -> memref<64x128xf32, #tpu.memory_space<vmem_shared>>
      %dma_wait3A_61 = arith.constant 0 : i32
      %dma_wait3A_62 = tpu.memref_slice %arg10[%add3A_30, %dma_wait3A_61] : memref<10240x128xf32, #tpu.memory_space<vmem_shared>> -> memref<64x128xf32, #tpu.memory_space<vmem_shared>>
      tpu.wait_dma2 semaphore(%run_scoped3A : memref<!tpu.dma_semaphore, #tpu.memory_space<semaphore_mem>>) src(%arg9 : memref<64x128xf32, #tpu.memory_space<vmem>>) dst(%dma_wait3A_62 : memref<64x128xf32, #tpu.memory_space<vmem_shared>>)
      tpu.yield
    }) : () -> ()
    %mul3A_31 = arith.constant 640 : i32
    %mul3A_32 = arith.muli %arg1, %mul3A_31 : i32
    %add3A_33 = arith.constant 448 : i32
    %add3A_34 = arith.addi %mul3A_32, %add3A_33 : i32
    "tpu.region"() ({
      %run_scoped3A = tpu.sem_alloc : memref<!tpu.dma_semaphore, #tpu.memory_space<semaphore_mem>>
      %dma_start3A = arith.constant 0 : i32
      %dma_start3A_57 = tpu.memref_slice %arg10[%add3A_34, %dma_start3A] : memref<10240x128xf32, #tpu.memory_space<vmem_shared>> -> memref<64x128xf32, #tpu.memory_space<vmem_shared>>
      %dma_start3A_58 = arith.constant 0 : i32
      %dma_start3A_59 = tpu.memref_slice %arg10[%add3A_34, %dma_start3A_58] : memref<10240x128xf32, #tpu.memory_space<vmem_shared>> -> memref<64x128xf32, #tpu.memory_space<vmem_shared>>
      tpu.enqueue_dma source(%arg9 : memref<64x128xf32, #tpu.memory_space<vmem>>) target(%dma_start3A_59 : memref<64x128xf32, #tpu.memory_space<vmem_shared>>) target_semaphore(%run_scoped3A : memref<!tpu.dma_semaphore, #tpu.memory_space<semaphore_mem>>)
      %dma_wait3A = arith.constant 0 : i32
      %dma_wait3A_60 = tpu.memref_slice %arg10[%add3A_34, %dma_wait3A] : memref<10240x128xf32, #tpu.memory_space<vmem_shared>> -> memref<64x128xf32, #tpu.memory_space<vmem_shared>>
      %dma_wait3A_61 = arith.constant 0 : i32
      %dma_wait3A_62 = tpu.memref_slice %arg10[%add3A_34, %dma_wait3A_61] : memref<10240x128xf32, #tpu.memory_space<vmem_shared>> -> memref<64x128xf32, #tpu.memory_space<vmem_shared>>
      tpu.wait_dma2 semaphore(%run_scoped3A : memref<!tpu.dma_semaphore, #tpu.memory_space<semaphore_mem>>) src(%arg9 : memref<64x128xf32, #tpu.memory_space<vmem>>) dst(%dma_wait3A_62 : memref<64x128xf32, #tpu.memory_space<vmem_shared>>)
      tpu.yield
    }) : () -> ()
    %mul3A_35 = arith.constant 640 : i32
    %mul3A_36 = arith.muli %arg1, %mul3A_35 : i32
    %add3A_37 = arith.constant 512 : i32
    %add3A_38 = arith.addi %mul3A_36, %add3A_37 : i32
    "tpu.region"() ({
      %run_scoped3A = tpu.sem_alloc : memref<!tpu.dma_semaphore, #tpu.memory_space<semaphore_mem>>
      %dma_start3A = arith.constant 0 : i32
      %dma_start3A_57 = tpu.memref_slice %arg10[%add3A_38, %dma_start3A] : memref<10240x128xf32, #tpu.memory_space<vmem_shared>> -> memref<64x128xf32, #tpu.memory_space<vmem_shared>>
      %dma_start3A_58 = arith.constant 0 : i32
      %dma_start3A_59 = tpu.memref_slice %arg10[%add3A_38, %dma_start3A_58] : memref<10240x128xf32, #tpu.memory_space<vmem_shared>> -> memref<64x128xf32, #tpu.memory_space<vmem_shared>>
      tpu.enqueue_dma source(%arg9 : memref<64x128xf32, #tpu.memory_space<vmem>>) target(%dma_start3A_59 : memref<64x128xf32, #tpu.memory_space<vmem_shared>>) target_semaphore(%run_scoped3A : memref<!tpu.dma_semaphore, #tpu.memory_space<semaphore_mem>>)
      %dma_wait3A = arith.constant 0 : i32
      %dma_wait3A_60 = tpu.memref_slice %arg10[%add3A_38, %dma_wait3A] : memref<10240x128xf32, #tpu.memory_space<vmem_shared>> -> memref<64x128xf32, #tpu.memory_space<vmem_shared>>
      %dma_wait3A_61 = arith.constant 0 : i32
      %dma_wait3A_62 = tpu.memref_slice %arg10[%add3A_38, %dma_wait3A_61] : memref<10240x128xf32, #tpu.memory_space<vmem_shared>> -> memref<64x128xf32, #tpu.memory_space<vmem_shared>>
      tpu.wait_dma2 semaphore(%run_scoped3A : memref<!tpu.dma_semaphore, #tpu.memory_space<semaphore_mem>>) src(%arg9 : memref<64x128xf32, #tpu.memory_space<vmem>>) dst(%dma_wait3A_62 : memref<64x128xf32, #tpu.memory_space<vmem_shared>>)
      tpu.yield
    }) : () -> ()
    %mul3A_39 = arith.constant 640 : i32
    %mul3A_40 = arith.muli %arg1, %mul3A_39 : i32
    %add3A_41 = arith.constant 576 : i32
    %add3A_42 = arith.addi %mul3A_40, %add3A_41 : i32
    "tpu.region"() ({
      %run_scoped3A = tpu.sem_alloc : memref<!tpu.dma_semaphore, #tpu.memory_space<semaphore_mem>>
      %dma_start3A = arith.constant 0 : i32
      %dma_start3A_57 = tpu.memref_slice %arg10[%add3A_42, %dma_start3A] : memref<10240x128xf32, #tpu.memory_space<vmem_shared>> -> memref<64x128xf32, #tpu.memory_space<vmem_shared>>
      %dma_start3A_58 = arith.constant 0 : i32
      %dma_start3A_59 = tpu.memref_slice %arg10[%add3A_42, %dma_start3A_58] : memref<10240x128xf32, #tpu.memory_space<vmem_shared>> -> memref<64x128xf32, #tpu.memory_space<vmem_shared>>
      tpu.enqueue_dma source(%arg9 : memref<64x128xf32, #tpu.memory_space<vmem>>) target(%dma_start3A_59 : memref<64x128xf32, #tpu.memory_space<vmem_shared>>) target_semaphore(%run_scoped3A : memref<!tpu.dma_semaphore, #tpu.memory_space<semaphore_mem>>)
      %dma_wait3A = arith.constant 0 : i32
      %dma_wait3A_60 = tpu.memref_slice %arg10[%add3A_42, %dma_wait3A] : memref<10240x128xf32, #tpu.memory_space<vmem_shared>> -> memref<64x128xf32, #tpu.memory_space<vmem_shared>>
      %dma_wait3A_61 = arith.constant 0 : i32
      %dma_wait3A_62 = tpu.memref_slice %arg10[%add3A_42, %dma_wait3A_61] : memref<10240x128xf32, #tpu.memory_space<vmem_shared>> -> memref<64x128xf32, #tpu.memory_space<vmem_shared>>
      tpu.wait_dma2 semaphore(%run_scoped3A : memref<!tpu.dma_semaphore, #tpu.memory_space<semaphore_mem>>) src(%arg9 : memref<64x128xf32, #tpu.memory_space<vmem>>) dst(%dma_wait3A_62 : memref<64x128xf32, #tpu.memory_space<vmem_shared>>)
      tpu.yield
    }) : () -> ()
    %barrier3A = arith.constant 0 : index
    tpu.barrier barrier_id(%barrier3A)
    %scan3A_43 = arith.constant 0 : i32
    %scan3A_44 = arith.constant 0 : i32
    %scan3A_45 = arith.constant 5 : i32
    %scan3A_46 = arith.addi %scan3A_44, %scan3A_45 : i32
    %scan3A_47 = arith.constant 1 : i32
    scf.for %scan3A_57 = %scan3A_44 to %scan3A_46 step %scan3A_47  : i32 {
      "tpu.region"() ({
        %run_scoped3A = tpu.sem_alloc : memref<!tpu.dma_semaphore, #tpu.memory_space<semaphore_mem>>
        %dma_start3A = arith.constant 0 : i32
        %dma_start3A_64 = arith.constant 0 : i32
        %dma_start3A_65 = tpu.memref_slice %arg3[%arg0, %arg1, %scan3A_57, %dma_start3A, %dma_start3A_64] : memref<2x16x5x50x80xi32, #tpu.memory_space<hbm>> -> memref<1x1x1x50x80xi32, #tpu.memory_space<hbm>>
        %dma_start3A_66 = tpu.memref_squeeze %dma_start3A_65 : memref<1x1x1x50x80xi32, #tpu.memory_space<hbm>> -> memref<50x80xi32, #tpu.memory_space<hbm>>
        %dma_start3A_67 = arith.constant 0 : i32
        %dma_start3A_68 = arith.constant 0 : i32
        %dma_start3A_69 = tpu.memref_slice %arg3[%arg0, %arg1, %scan3A_57, %dma_start3A_67, %dma_start3A_68] : memref<2x16x5x50x80xi32, #tpu.memory_space<hbm>> -> memref<1x1x1x50x80xi32, #tpu.memory_space<hbm>>
        %dma_start3A_70 = tpu.memref_squeeze %dma_start3A_69 : memref<1x1x1x50x80xi32, #tpu.memory_space<hbm>> -> memref<50x80xi32, #tpu.memory_space<hbm>>
        tpu.enqueue_dma source(%dma_start3A_70 : memref<50x80xi32, #tpu.memory_space<hbm>>) target(%arg6 : memref<50x80xi32, #tpu.memory_space<vmem>>) target_semaphore(%run_scoped3A : memref<!tpu.dma_semaphore, #tpu.memory_space<semaphore_mem>>)
        %dma_wait3A = arith.constant 0 : i32
        %dma_wait3A_71 = arith.constant 0 : i32
        %dma_wait3A_72 = tpu.memref_slice %arg3[%arg0, %arg1, %scan3A_57, %dma_wait3A, %dma_wait3A_71] : memref<2x16x5x50x80xi32, #tpu.memory_space<hbm>> -> memref<1x1x1x50x80xi32, #tpu.memory_space<hbm>>
        %dma_wait3A_73 = tpu.memref_squeeze %dma_wait3A_72 : memref<1x1x1x50x80xi32, #tpu.memory_space<hbm>> -> memref<50x80xi32, #tpu.memory_space<hbm>>
        %dma_wait3A_74 = arith.constant 0 : i32
        %dma_wait3A_75 = arith.constant 0 : i32
        %dma_wait3A_76 = tpu.memref_slice %arg3[%arg0, %arg1, %scan3A_57, %dma_wait3A_74, %dma_wait3A_75] : memref<2x16x5x50x80xi32, #tpu.memory_space<hbm>> -> memref<1x1x1x50x80xi32, #tpu.memory_space<hbm>>
        %dma_wait3A_77 = tpu.memref_squeeze %dma_wait3A_76 : memref<1x1x1x50x80xi32, #tpu.memory_space<hbm>> -> memref<50x80xi32, #tpu.memory_space<hbm>>
        tpu.wait_dma2 semaphore(%run_scoped3A : memref<!tpu.dma_semaphore, #tpu.memory_space<semaphore_mem>>) src(%dma_wait3A_77 : memref<50x80xi32, #tpu.memory_space<hbm>>) dst(%arg6 : memref<50x80xi32, #tpu.memory_space<vmem>>)
        tpu.yield
      }) : () -> ()
      "tpu.region"() ({
        %run_scoped3A = tpu.sem_alloc : memref<!tpu.dma_semaphore, #tpu.memory_space<semaphore_mem>>
        %dma_start3A = arith.constant 0 : i32
        %dma_start3A_64 = arith.constant 0 : i32
        %dma_start3A_65 = tpu.memref_slice %arg4[%arg0, %arg1, %scan3A_57, %dma_start3A, %dma_start3A_64] : memref<2x16x5x50x80xi32, #tpu.memory_space<hbm>> -> memref<1x1x1x50x80xi32, #tpu.memory_space<hbm>>
        %dma_start3A_66 = tpu.memref_squeeze %dma_start3A_65 : memref<1x1x1x50x80xi32, #tpu.memory_space<hbm>> -> memref<50x80xi32, #tpu.memory_space<hbm>>
        %dma_start3A_67 = arith.constant 0 : i32
        %dma_start3A_68 = arith.constant 0 : i32
        %dma_start3A_69 = tpu.memref_slice %arg4[%arg0, %arg1, %scan3A_57, %dma_start3A_67, %dma_start3A_68] : memref<2x16x5x50x80xi32, #tpu.memory_space<hbm>> -> memref<1x1x1x50x80xi32, #tpu.memory_space<hbm>>
        %dma_start3A_70 = tpu.memref_squeeze %dma_start3A_69 : memref<1x1x1x50x80xi32, #tpu.memory_space<hbm>> -> memref<50x80xi32, #tpu.memory_space<hbm>>
        tpu.enqueue_dma source(%dma_start3A_70 : memref<50x80xi32, #tpu.memory_space<hbm>>) target(%arg7 : memref<50x80xi32, #tpu.memory_space<vmem>>) target_semaphore(%run_scoped3A : memref<!tpu.dma_semaphore, #tpu.memory_space<semaphore_mem>>)
        %dma_wait3A = arith.constant 0 : i32
        %dma_wait3A_71 = arith.constant 0 : i32
        %dma_wait3A_72 = tpu.memref_slice %arg4[%arg0, %arg1, %scan3A_57, %dma_wait3A, %dma_wait3A_71] : memref<2x16x5x50x80xi32, #tpu.memory_space<hbm>> -> memref<1x1x1x50x80xi32, #tpu.memory_space<hbm>>
        %dma_wait3A_73 = tpu.memref_squeeze %dma_wait3A_72 : memref<1x1x1x50x80xi32, #tpu.memory_space<hbm>> -> memref<50x80xi32, #tpu.memory_space<hbm>>
        %dma_wait3A_74 = arith.constant 0 : i32
        %dma_wait3A_75 = arith.constant 0 : i32
        %dma_wait3A_76 = tpu.memref_slice %arg4[%arg0, %arg1, %scan3A_57, %dma_wait3A_74, %dma_wait3A_75] : memref<2x16x5x50x80xi32, #tpu.memory_space<hbm>> -> memref<1x1x1x50x80xi32, #tpu.memory_space<hbm>>
        %dma_wait3A_77 = tpu.memref_squeeze %dma_wait3A_76 : memref<1x1x1x50x80xi32, #tpu.memory_space<hbm>> -> memref<50x80xi32, #tpu.memory_space<hbm>>
        tpu.wait_dma2 semaphore(%run_scoped3A : memref<!tpu.dma_semaphore, #tpu.memory_space<semaphore_mem>>) src(%dma_wait3A_77 : memref<50x80xi32, #tpu.memory_space<hbm>>) dst(%arg7 : memref<50x80xi32, #tpu.memory_space<vmem>>)
        tpu.yield
      }) : () -> ()
      %scan3A_58 = arith.constant 0 : i32
      %scan3A_59 = arith.constant 0 : i32
      %scan3A_60 = arith.constant 50 : i32
      %scan3A_61 = arith.addi %scan3A_59, %scan3A_60 : i32
      %scan3A_62 = arith.constant 1 : i32
      scf.for %scan3A_64 = %scan3A_59 to %scan3A_61 step %scan3A_62  : i32 {
        %dma_start3A = arith.constant 0 : i32
        %dma_start3A_65 = tpu.memref_slice %arg6[%scan3A_64, %dma_start3A] : memref<50x80xi32, #tpu.memory_space<vmem>> -> memref<1x80xi32, #tpu.memory_space<vmem>>
        %dma_start3A_66 = tpu.memref_squeeze %dma_start3A_65 : memref<1x80xi32, #tpu.memory_space<vmem>> -> memref<80xi32, #tpu.memory_space<vmem>>
        %dma_start3A_67 = arith.constant 0 : i32
        %dma_start3A_68 = arith.constant 0 : i32
        %dma_start3A_69 = tpu.memref_slice %arg2[%dma_start3A_67, %dma_start3A_68] : memref<20480x128xf32, #tpu.memory_space<hbm>> -> memref<20480x128xf32, #tpu.memory_space<hbm>>
        tpu.enqueue_indirect_dma source(%dma_start3A_69 : memref<20480x128xf32, #tpu.memory_space<hbm>>) target(%arg8 : memref<80x128xf32, #tpu.memory_space<vmem>>) offsets(%dma_start3A_66 : memref<80xi32, #tpu.memory_space<vmem>>) semaphore(%arg11 : memref<!tpu.dma_semaphore, #tpu.memory_space<semaphore_mem>>)
        %dma_wait3A = arith.constant 0 : i32
        %dma_wait3A_70 = tpu.memref_slice %arg6[%scan3A_64, %dma_wait3A] : memref<50x80xi32, #tpu.memory_space<vmem>> -> memref<1x80xi32, #tpu.memory_space<vmem>>
        %dma_wait3A_71 = tpu.memref_squeeze %dma_wait3A_70 : memref<1x80xi32, #tpu.memory_space<vmem>> -> memref<80xi32, #tpu.memory_space<vmem>>
        %dma_wait3A_72 = arith.constant 0 : i32
        %dma_wait3A_73 = arith.constant 0 : i32
        %dma_wait3A_74 = tpu.memref_slice %arg2[%dma_wait3A_72, %dma_wait3A_73] : memref<20480x128xf32, #tpu.memory_space<hbm>> -> memref<20480x128xf32, #tpu.memory_space<hbm>>
        tpu.wait_indirect_dma semaphore(%arg11 : memref<!tpu.dma_semaphore, #tpu.memory_space<semaphore_mem>>) src(%dma_wait3A_74 : memref<20480x128xf32, #tpu.memory_space<hbm>>) dst(%arg8 : memref<80x128xf32, #tpu.memory_space<vmem>>)
        "tpu.region"() ({
          %run_scoped3A = tpu.sem_alloc : memref<!tpu.dma_semaphore, #tpu.memory_space<semaphore_mem>>
          %dma_start3A_75 = arith.constant 0 : i32
          %dma_start3A_76 = tpu.memref_slice %arg7[%scan3A_64, %dma_start3A_75] : memref<50x80xi32, #tpu.memory_space<vmem>> -> memref<1x80xi32, #tpu.memory_space<vmem>>
          %dma_start3A_77 = tpu.memref_squeeze %dma_start3A_76 : memref<1x80xi32, #tpu.memory_space<vmem>> -> memref<80xi32, #tpu.memory_space<vmem>>
          %dma_start3A_78 = arith.constant 0 : i32
          %dma_start3A_79 = arith.constant 0 : i32
          %dma_start3A_80 = tpu.memref_slice %arg10[%dma_start3A_78, %dma_start3A_79] : memref<10240x128xf32, #tpu.memory_space<vmem_shared>> -> memref<10240x128xf32, #tpu.memory_space<vmem_shared>>
          tpu.enqueue_indirect_dma source(%arg8 : memref<80x128xf32, #tpu.memory_space<vmem>>) target(%dma_start3A_80 : memref<10240x128xf32, #tpu.memory_space<vmem_shared>>) offsets(%dma_start3A_77 : memref<80xi32, #tpu.memory_space<vmem>>) semaphore(%run_scoped3A : memref<!tpu.dma_semaphore, #tpu.memory_space<semaphore_mem>>) {add = true}
          %dma_wait3A_81 = arith.constant 0 : i32
          %dma_wait3A_82 = tpu.memref_slice %arg7[%scan3A_64, %dma_wait3A_81] : memref<50x80xi32, #tpu.memory_space<vmem>> -> memref<1x80xi32, #tpu.memory_space<vmem>>
          %dma_wait3A_83 = tpu.memref_squeeze %dma_wait3A_82 : memref<1x80xi32, #tpu.memory_space<vmem>> -> memref<80xi32, #tpu.memory_space<vmem>>
          %dma_wait3A_84 = arith.constant 0 : i32
          %dma_wait3A_85 = arith.constant 0 : i32
          %dma_wait3A_86 = tpu.memref_slice %arg10[%dma_wait3A_84, %dma_wait3A_85] : memref<10240x128xf32, #tpu.memory_space<vmem_shared>> -> memref<10240x128xf32, #tpu.memory_space<vmem_shared>>
          tpu.wait_indirect_dma semaphore(%run_scoped3A : memref<!tpu.dma_semaphore, #tpu.memory_space<semaphore_mem>>) src(%arg8 : memref<80x128xf32, #tpu.memory_space<vmem>>) dst(%dma_wait3A_86 : memref<10240x128xf32, #tpu.memory_space<vmem_shared>>)
          tpu.yield
        }) : () -> ()
      }
      %scan3A_63 = arith.constant 50 : i32
    }
    %scan3A_48 = arith.constant 5 : i32
    %barrier3A_49 = arith.constant 0 : index
    tpu.barrier barrier_id(%barrier3A_49)
    %mul3A_50 = arith.constant 640 : i32
    %mul3A_51 = arith.muli %arg1, %mul3A_50 : i32
    %mul3A_52 = arith.constant 10240 : i32
    %mul3A_53 = arith.muli %arg0, %mul3A_52 : i32
    %mul3A_54 = arith.constant 640 : i32
    %mul3A_55 = arith.muli %arg1, %mul3A_54 : i32
    %add3A_56 = arith.addi %mul3A_53, %mul3A_55 : i32
    "tpu.region"() ({
      %run_scoped3A = tpu.sem_alloc : memref<!tpu.dma_semaphore, #tpu.memory_space<semaphore_mem>>
      %dma_start3A = arith.constant 0 : i32
      %dma_start3A_57 = tpu.memref_slice %arg5[%add3A_56, %dma_start3A] : memref<20480x128xf32, #tpu.memory_space<hbm>> -> memref<640x128xf32, #tpu.memory_space<hbm>>
      %dma_start3A_58 = arith.constant 0 : i32
      %dma_start3A_59 = tpu.memref_slice %arg10[%mul3A_51, %dma_start3A_58] : memref<10240x128xf32, #tpu.memory_space<vmem_shared>> -> memref<640x128xf32, #tpu.memory_space<vmem_shared>>
      tpu.enqueue_dma source(%dma_start3A_59 : memref<640x128xf32, #tpu.memory_space<vmem_shared>>) target(%dma_start3A_57 : memref<640x128xf32, #tpu.memory_space<hbm>>) target_semaphore(%run_scoped3A : memref<!tpu.dma_semaphore, #tpu.memory_space<semaphore_mem>>)
      %dma_wait3A = arith.constant 0 : i32
      %dma_wait3A_60 = tpu.memref_slice %arg5[%add3A_56, %dma_wait3A] : memref<20480x128xf32, #tpu.memory_space<hbm>> -> memref<640x128xf32, #tpu.memory_space<hbm>>
      %dma_wait3A_61 = arith.constant 0 : i32
      %dma_wait3A_62 = tpu.memref_slice %arg10[%mul3A_51, %dma_wait3A_61] : memref<10240x128xf32, #tpu.memory_space<vmem_shared>> -> memref<640x128xf32, #tpu.memory_space<vmem_shared>>
      tpu.wait_dma2 semaphore(%run_scoped3A : memref<!tpu.dma_semaphore, #tpu.memory_space<semaphore_mem>>) src(%dma_wait3A_62 : memref<640x128xf32, #tpu.memory_space<vmem_shared>>) dst(%dma_wait3A_60 : memref<640x128xf32, #tpu.memory_space<hbm>>)
      tpu.yield
    }) : () -> ()
    return
  }
}

module attributes {stable_mosaic.version = 14 : i64} {
  func.func @_dense_body(%arg0: i32, %arg1: i32, %arg2: memref<1x640x128xf32, #tpu.memory_space<vmem>>, %arg3: memref<1x1x1x640xf32, #tpu.memory_space<vmem>>, %arg4: memref<1x640x128xf32, #tpu.memory_space<vmem>>, %arg5: memref<1x128x128xf32, #tpu.memory_space<vmem>>, %arg6: memref<1x1x128xf32, #tpu.memory_space<vmem>>, %arg7: memref<1x128x128xf32, #tpu.memory_space<vmem>>, %arg8: memref<1x640x128xf32, #tpu.memory_space<vmem>>) attributes {dimension_semantics = [#tpu.dimension_semantics<arbitrary>, #tpu.dimension_semantics<arbitrary>], iteration_bounds = array<i64: 2, 16>, scalar_prefetch = 0 : i64, scratch_operands = 0 : i64, tpu.core_type = #tpu.core_type<tc>, window_params = [{transform_indices = @transform_0, window_bounds = array<i64: 1, 640, 128>}, {transform_indices = @transform_1, window_bounds = array<i64: 1, 1, 1, 640>}, {transform_indices = @transform_2, window_bounds = array<i64: 1, 640, 128>}, {transform_indices = @transform_3, window_bounds = array<i64: 1, 128, 128>}, {transform_indices = @transform_4, window_bounds = array<i64: 1, 1, 128>}, {transform_indices = @transform_5, window_bounds = array<i64: 1, 128, 128>}, {transform_indices = @transform_6, window_bounds = array<i64: 1, 640, 128>}]} {
    %get3A = arith.constant 0 : index
    %get3A_0 = arith.constant 0 : index
    %get3A_1 = arith.constant 0 : index
    %get3A_2 = vector.load %arg2[%get3A, %get3A_0, %get3A_1] : memref<1x640x128xf32, #tpu.memory_space<vmem>>, vector<1x640x128xf32>
    %get3A_3 = vector.shape_cast %get3A_2 : vector<1x640x128xf32> to vector<640x128xf32>
    %get3A_4 = arith.constant 0 : index
    %get3A_5 = arith.constant 0 : index
    %get3A_6 = arith.constant 0 : index
    %get3A_7 = arith.constant 0 : index
    %get3A_8 = vector.load %arg3[%get3A_4, %get3A_5, %get3A_6, %get3A_7] : memref<1x1x1x640xf32, #tpu.memory_space<vmem>>, vector<1x1x1x640xf32>
    %get3A_9 = vector.shape_cast %get3A_8 : vector<1x1x1x640xf32> to vector<640xf32>
    %max3A = arith.constant 1.000000e+00 : f32
    %max3A_10 = vector.broadcast %max3A : f32 to vector<640xf32>
    %max3A_11 = arith.maximumf %get3A_9, %max3A_10 : vector<640xf32>
    %broadcast_in_dim3A = vector.shape_cast %max3A_11 : vector<640xf32> to vector<640x1xf32>
    %div3A = vector.broadcast %broadcast_in_dim3A : vector<640x1xf32> to vector<640x128xf32>
    %div3A_12 = arith.divf %get3A_3, %div3A : vector<640x128xf32>
    %get3A_13 = arith.constant 0 : index
    %get3A_14 = arith.constant 0 : index
    %get3A_15 = arith.constant 0 : index
    %get3A_16 = vector.load %arg5[%get3A_13, %get3A_14, %get3A_15] : memref<1x128x128xf32, #tpu.memory_space<vmem>>, vector<1x128x128xf32>
    %get3A_17 = vector.shape_cast %get3A_16 : vector<1x128x128xf32> to vector<128x128xf32>
    %dot_general3A = arith.constant dense<0.000000e+00> : vector<640x128xf32>
    %dot_general3A_18 = tpu.matmul %div3A_12, %get3A_17, %dot_general3A {dimension_numbers = #tpu.dot_dimension_numbers<[1], [0], [0], [1], [0, 0, 1, 1], [], []>, transpose_lhs_hint = false} : vector<640x128xf32>, vector<128x128xf32>, vector<640x128xf32> -> vector<640x128xf32>
    %get3A_19 = arith.constant 0 : index
    %get3A_20 = arith.constant 0 : index
    %get3A_21 = arith.constant 0 : index
    %get3A_22 = vector.load %arg6[%get3A_19, %get3A_20, %get3A_21] : memref<1x1x128xf32, #tpu.memory_space<vmem>>, vector<1x1x128xf32>
    %get3A_23 = vector.shape_cast %get3A_22 : vector<1x1x128xf32> to vector<128xf32>
    %broadcast_in_dim3A_24 = vector.shape_cast %get3A_23 : vector<128xf32> to vector<1x128xf32>
    %add3A = vector.broadcast %broadcast_in_dim3A_24 : vector<1x128xf32> to vector<640x128xf32>
    %add3A_25 = arith.addf %dot_general3A_18, %add3A : vector<640x128xf32>
    %get3A_26 = arith.constant 0 : index
    %get3A_27 = arith.constant 0 : index
    %get3A_28 = arith.constant 0 : index
    %get3A_29 = vector.load %arg4[%get3A_26, %get3A_27, %get3A_28] : memref<1x640x128xf32, #tpu.memory_space<vmem>>, vector<1x640x128xf32>
    %get3A_30 = vector.shape_cast %get3A_29 : vector<1x640x128xf32> to vector<640x128xf32>
    %get3A_31 = arith.constant 0 : index
    %get3A_32 = arith.constant 0 : index
    %get3A_33 = arith.constant 0 : index
    %get3A_34 = vector.load %arg7[%get3A_31, %get3A_32, %get3A_33] : memref<1x128x128xf32, #tpu.memory_space<vmem>>, vector<1x128x128xf32>
    %get3A_35 = vector.shape_cast %get3A_34 : vector<1x128x128xf32> to vector<128x128xf32>
    %dot_general3A_36 = arith.constant dense<0.000000e+00> : vector<640x128xf32>
    %dot_general3A_37 = tpu.matmul %get3A_30, %get3A_35, %dot_general3A_36 {dimension_numbers = #tpu.dot_dimension_numbers<[1], [0], [0], [1], [0, 0, 1, 1], [], []>, transpose_lhs_hint = false} : vector<640x128xf32>, vector<128x128xf32>, vector<640x128xf32> -> vector<640x128xf32>
    %add3A_38 = arith.addf %add3A_25, %dot_general3A_37 : vector<640x128xf32>
    %swap3A = arith.constant 0 : index
    %swap3A_39 = arith.constant 0 : index
    %swap3A_40 = arith.constant 0 : index
    %swap3A_41 = vector.load %arg8[%swap3A, %swap3A_39, %swap3A_40] : memref<1x640x128xf32, #tpu.memory_space<vmem>>, vector<1x640x128xf32>
    %swap3A_42 = vector.shape_cast %swap3A_41 : vector<1x640x128xf32> to vector<640x128xf32>
    %swap3A_43 = vector.shape_cast %add3A_38 : vector<640x128xf32> to vector<1x640x128xf32>
    tpu.vector_store %arg8[%swap3A, %swap3A_39, %swap3A_40], %swap3A_43 {strides = array<i32>} : memref<1x640x128xf32, #tpu.memory_space<vmem>>, vector<1x640x128xf32>,
    return
  }
  func.func @transform_0(%arg0: i32, %arg1: i32) -> (i32, i32, i32) {
    %c0_i32 = arith.constant 0 : i32
    %c0_i32_0 = arith.constant 0 : i32
    return %arg0, %arg1, %c0_i32 : i32, i32, i32
  }
  func.func @transform_1(%arg0: i32, %arg1: i32) -> (i32, i32, i32, i32) {
    %c0_i32 = arith.constant 0 : i32
    %c0_i32_0 = arith.constant 0 : i32
    %c0_i32_1 = arith.constant 0 : i32
    return %arg0, %arg1, %c0_i32, %c0_i32_0 : i32, i32, i32, i32
  }
  func.func @transform_2(%arg0: i32, %arg1: i32) -> (i32, i32, i32) {
    %c0_i32 = arith.constant 0 : i32
    %c0_i32_0 = arith.constant 0 : i32
    return %arg0, %arg1, %c0_i32 : i32, i32, i32
  }
  func.func @transform_3(%arg0: i32, %arg1: i32) -> (i32, i32, i32) {
    %c0_i32 = arith.constant 0 : i32
    %c0_i32_0 = arith.constant 0 : i32
    %c0_i32_1 = arith.constant 0 : i32
    return %arg0, %c0_i32, %c0_i32_0 : i32, i32, i32
  }
  func.func @transform_4(%arg0: i32, %arg1: i32) -> (i32, i32, i32) {
    %c0_i32 = arith.constant 0 : i32
    %c0_i32_0 = arith.constant 0 : i32
    %c0_i32_1 = arith.constant 0 : i32
    return %arg0, %c0_i32, %c0_i32_0 : i32, i32, i32
  }
  func.func @transform_5(%arg0: i32, %arg1: i32) -> (i32, i32, i32) {
    %c0_i32 = arith.constant 0 : i32
    %c0_i32_0 = arith.constant 0 : i32
    %c0_i32_1 = arith.constant 0 : i32
    return %arg0, %c0_i32, %c0_i32_0 : i32, i32, i32
  }
  func.func @transform_6(%arg0: i32, %arg1: i32) -> (i32, i32, i32) {
    %c0_i32 = arith.constant 0 : i32
    %c0_i32_0 = arith.constant 0 : i32
    return %arg0, %arg1, %c0_i32 : i32, i32, i32
  }
}

module attributes {stable_mosaic.version = 14 : i64} {
  func.func @_final_body(%arg0: i32, %arg1: i32, %arg2: memref<1x640x128xf32, #tpu.memory_space<vmem>>, %arg3: memref<1x1x1x640xf32, #tpu.memory_space<vmem>>, %arg4: memref<1x640x128xf32, #tpu.memory_space<vmem>>, %arg5: memref<1x128x128xf32, #tpu.memory_space<vmem>>, %arg6: memref<1x1x128xf32, #tpu.memory_space<vmem>>, %arg7: memref<1x128x128xf32, #tpu.memory_space<vmem>>, %arg8: memref<1x1x1x640xi32, #tpu.memory_space<vmem>>, %arg9: memref<128x128xf32, #tpu.memory_space<vmem>>, %arg10: memref<1x128xf32, #tpu.memory_space<vmem>>, %arg11: memref<128x128xf32, #tpu.memory_space<vmem>>, %arg12: memref<1x128xf32, #tpu.memory_space<vmem>>, %arg13: memref<8x128xf32, #tpu.memory_space<vmem>>, %arg14: memref<8x128xf32, #tpu.memory_space<vmem>>) attributes {dimension_semantics = [#tpu.dimension_semantics<arbitrary>, #tpu.dimension_semantics<arbitrary>], iteration_bounds = array<i64: 2, 16>, scalar_prefetch = 0 : i64, scratch_operands = 1 : i64, tpu.core_type = #tpu.core_type<tc>, window_params = [{transform_indices = @transform_0, window_bounds = array<i64: 1, 640, 128>}, {transform_indices = @transform_1, window_bounds = array<i64: 1, 1, 1, 640>}, {transform_indices = @transform_2, window_bounds = array<i64: 1, 640, 128>}, {transform_indices = @transform_3, window_bounds = array<i64: 1, 128, 128>}, {transform_indices = @transform_4, window_bounds = array<i64: 1, 1, 128>}, {transform_indices = @transform_5, window_bounds = array<i64: 1, 128, 128>}, {transform_indices = @transform_6, window_bounds = array<i64: 1, 1, 1, 640>}, {pipeline_mode = #tpu.pipeline_mode<synchronous>, transform_indices = @transform_7, window_bounds = array<i64: 128, 128>}, {pipeline_mode = #tpu.pipeline_mode<synchronous>, transform_indices = @transform_8, window_bounds = array<i64: 1, 128>}, {pipeline_mode = #tpu.pipeline_mode<synchronous>, transform_indices = @transform_9, window_bounds = array<i64: 128, 128>}, {pipeline_mode = #tpu.pipeline_mode<synchronous>, transform_indices = @transform_10, window_bounds = array<i64: 1, 128>}, {pipeline_mode = #tpu.pipeline_mode<synchronous>, transform_indices = @transform_11, window_bounds = array<i64: 8, 128>}]} {
    %eq3A = arith.constant 0 : i32
    %eq3A_0 = arith.cmpi eq, %arg0, %eq3A : i32
    %eq3A_1 = arith.constant 0 : i32
    %eq3A_2 = arith.cmpi eq, %arg1, %eq3A_1 : i32
    %and3A = arith.andi %eq3A_0, %eq3A_2 : i1
    %convert_element_type3A = arith.extui %and3A : i1 to i32
    %cond3A = arith.constant 0 : i32
    %cond3A_3 = arith.cmpi ne, %convert_element_type3A, %cond3A : i32
    scf.if %cond3A_3 {
      %broadcast_in_dim3A_70 = arith.constant 0.000000e+00 : f32
      %broadcast_in_dim3A_71 = vector.broadcast %broadcast_in_dim3A_70 : f32 to vector<8x128xf32>
      %swap3A_72 = arith.constant 0 : index
      %swap3A_73 = arith.constant 0 : index
      %swap3A_74 = vector.load %arg14[%swap3A_72, %swap3A_73] : memref<8x128xf32, #tpu.memory_space<vmem>>, vector<8x128xf32>
      tpu.vector_store %arg14[%swap3A_72, %swap3A_73], %broadcast_in_dim3A_71 {strides = array<i32>} : memref<8x128xf32, #tpu.memory_space<vmem>>, vector<8x128xf32>,
    } else {
    }
    %get3A = arith.constant 0 : index
    %get3A_4 = arith.constant 0 : index
    %get3A_5 = arith.constant 0 : index
    %get3A_6 = vector.load %arg2[%get3A, %get3A_4, %get3A_5] : memref<1x640x128xf32, #tpu.memory_space<vmem>>, vector<1x640x128xf32>
    %get3A_7 = vector.shape_cast %get3A_6 : vector<1x640x128xf32> to vector<640x128xf32>
    %get3A_8 = arith.constant 0 : index
    %get3A_9 = arith.constant 0 : index
    %get3A_10 = arith.constant 0 : index
    %get3A_11 = arith.constant 0 : index
    %get3A_12 = vector.load %arg3[%get3A_8, %get3A_9, %get3A_10, %get3A_11] : memref<1x1x1x640xf32, #tpu.memory_space<vmem>>, vector<1x1x1x640xf32>
    %get3A_13 = vector.shape_cast %get3A_12 : vector<1x1x1x640xf32> to vector<640xf32>
    %max3A = arith.constant 1.000000e+00 : f32
    %max3A_14 = vector.broadcast %max3A : f32 to vector<640xf32>
    %max3A_15 = arith.maximumf %get3A_13, %max3A_14 : vector<640xf32>
    %broadcast_in_dim3A = vector.shape_cast %max3A_15 : vector<640xf32> to vector<640x1xf32>
    %div3A = vector.broadcast %broadcast_in_dim3A : vector<640x1xf32> to vector<640x128xf32>
    %div3A_16 = arith.divf %get3A_7, %div3A : vector<640x128xf32>
    %get3A_17 = arith.constant 0 : index
    %get3A_18 = arith.constant 0 : index
    %get3A_19 = arith.constant 0 : index
    %get3A_20 = vector.load %arg5[%get3A_17, %get3A_18, %get3A_19] : memref<1x128x128xf32, #tpu.memory_space<vmem>>, vector<1x128x128xf32>
    %get3A_21 = vector.shape_cast %get3A_20 : vector<1x128x128xf32> to vector<128x128xf32>
    %dot_general3A = arith.constant dense<0.000000e+00> : vector<640x128xf32>
    %dot_general3A_22 = tpu.matmul %div3A_16, %get3A_21, %dot_general3A {dimension_numbers = #tpu.dot_dimension_numbers<[1], [0], [0], [1], [0, 0, 1, 1], [], []>, transpose_lhs_hint = false} : vector<640x128xf32>, vector<128x128xf32>, vector<640x128xf32> -> vector<640x128xf32>
    %get3A_23 = arith.constant 0 : index
    %get3A_24 = arith.constant 0 : index
    %get3A_25 = arith.constant 0 : index
    %get3A_26 = vector.load %arg6[%get3A_23, %get3A_24, %get3A_25] : memref<1x1x128xf32, #tpu.memory_space<vmem>>, vector<1x1x128xf32>
    %get3A_27 = vector.shape_cast %get3A_26 : vector<1x1x128xf32> to vector<128xf32>
    %broadcast_in_dim3A_28 = vector.shape_cast %get3A_27 : vector<128xf32> to vector<1x128xf32>
    %add3A = vector.broadcast %broadcast_in_dim3A_28 : vector<1x128xf32> to vector<640x128xf32>
    %add3A_29 = arith.addf %dot_general3A_22, %add3A : vector<640x128xf32>
    %get3A_30 = arith.constant 0 : index
    %get3A_31 = arith.constant 0 : index
    %get3A_32 = arith.constant 0 : index
    %get3A_33 = vector.load %arg4[%get3A_30, %get3A_31, %get3A_32] : memref<1x640x128xf32, #tpu.memory_space<vmem>>, vector<1x640x128xf32>
    %get3A_34 = vector.shape_cast %get3A_33 : vector<1x640x128xf32> to vector<640x128xf32>
    %get3A_35 = arith.constant 0 : index
    %get3A_36 = arith.constant 0 : index
    %get3A_37 = arith.constant 0 : index
    %get3A_38 = vector.load %arg7[%get3A_35, %get3A_36, %get3A_37] : memref<1x128x128xf32, #tpu.memory_space<vmem>>, vector<1x128x128xf32>
    %get3A_39 = vector.shape_cast %get3A_38 : vector<1x128x128xf32> to vector<128x128xf32>
    %dot_general3A_40 = arith.constant dense<0.000000e+00> : vector<640x128xf32>
    %dot_general3A_41 = tpu.matmul %get3A_34, %get3A_39, %dot_general3A_40 {dimension_numbers = #tpu.dot_dimension_numbers<[1], [0], [0], [1], [0, 0, 1, 1], [], []>, transpose_lhs_hint = false} : vector<640x128xf32>, vector<128x128xf32>, vector<640x128xf32> -> vector<640x128xf32>
    %add3A_42 = arith.addf %add3A_29, %dot_general3A_41 : vector<640x128xf32>
    %get3A_43 = arith.constant 0 : index
    %get3A_44 = arith.constant 0 : index
    %get3A_45 = arith.constant 0 : index
    %get3A_46 = arith.constant 0 : index
    %get3A_47 = vector.load %arg8[%get3A_43, %get3A_44, %get3A_45, %get3A_46] : memref<1x1x1x640xi32, #tpu.memory_space<vmem>>, vector<1x1x1x640xi32>
    %get3A_48 = vector.shape_cast %get3A_47 : vector<1x1x1x640xi32> to vector<640xi32>
    %broadcast_in_dim3A_49 = vector.shape_cast %get3A_48 : vector<640xi32> to vector<1x640xi32>
    %iota3A = tpu.iota {dimensions = array<i32: 0>} : vector<8x640xi32>
    %eq3A_50 = vector.broadcast %broadcast_in_dim3A_49 : vector<1x640xi32> to vector<8x640xi32>
    %eq3A_51 = arith.cmpi eq, %eq3A_50, %iota3A : vector<8x640xi32>
    %convert_element_type3A_52 = arith.extui %eq3A_51 : vector<8x640xi1> to vector<8x640xi32>
    %convert_element_type3A_53 = arith.sitofp %convert_element_type3A_52 : vector<8x640xi32> to vector<8x640xf32>
    %get3A_54 = arith.constant 0 : index
    %get3A_55 = arith.constant 0 : index
    %get3A_56 = vector.load %arg14[%get3A_54, %get3A_55] : memref<8x128xf32, #tpu.memory_space<vmem>>, vector<8x128xf32>
    %dot_general3A_57 = arith.constant dense<0.000000e+00> : vector<8x128xf32>
    %dot_general3A_58 = tpu.matmul %convert_element_type3A_53, %add3A_42, %dot_general3A_57 {dimension_numbers = #tpu.dot_dimension_numbers<[1], [0], [0], [1], [0, 0, 1, 1], [], []>, transpose_lhs_hint = false} : vector<8x640xf32>, vector<640x128xf32>, vector<8x128xf32> -> vector<8x128xf32>
    %add3A_59 = arith.addf %get3A_56, %dot_general3A_58 : vector<8x128xf32>
    %swap3A = arith.constant 0 : index
    %swap3A_60 = arith.constant 0 : index
    %swap3A_61 = vector.load %arg14[%swap3A, %swap3A_60] : memref<8x128xf32, #tpu.memory_space<vmem>>, vector<8x128xf32>
    tpu.vector_store %arg14[%swap3A, %swap3A_60], %add3A_59 {strides = array<i32>} : memref<8x128xf32, #tpu.memory_space<vmem>>, vector<8x128xf32>,
    %eq3A_62 = arith.constant 1 : i32
    %eq3A_63 = arith.cmpi eq, %arg0, %eq3A_62 : i32
    %eq3A_64 = arith.constant 15 : i32
    %eq3A_65 = arith.cmpi eq, %arg1, %eq3A_64 : i32
    %and3A_66 = arith.andi %eq3A_63, %eq3A_65 : i1
    %convert_element_type3A_67 = arith.extui %and3A_66 : i1 to i32
    %cond3A_68 = arith.constant 0 : i32
    %cond3A_69 = arith.cmpi ne, %convert_element_type3A_67, %cond3A_68 : i32
    scf.if %cond3A_69 {
      %get3A_70 = arith.constant 0 : index
      %get3A_71 = arith.constant 0 : index
      %get3A_72 = vector.load %arg14[%get3A_70, %get3A_71] : memref<8x128xf32, #tpu.memory_space<vmem>>, vector<8x128xf32>
      %get3A_73 = arith.constant 0 : index
      %get3A_74 = arith.constant 0 : index
      %get3A_75 = vector.load %arg9[%get3A_73, %get3A_74] : memref<128x128xf32, #tpu.memory_space<vmem>>, vector<128x128xf32>
      %dot_general3A_76 = arith.constant dense<0.000000e+00> : vector<8x128xf32>
      %dot_general3A_77 = tpu.matmul %get3A_72, %get3A_75, %dot_general3A_76 {dimension_numbers = #tpu.dot_dimension_numbers<[1], [0], [0], [1], [0, 0, 1, 1], [], []>, transpose_lhs_hint = false} : vector<8x128xf32>, vector<128x128xf32>, vector<8x128xf32> -> vector<8x128xf32>
      %get3A_78 = arith.constant 0 : index
      %get3A_79 = arith.constant 0 : index
      %get3A_80 = vector.load %arg10[%get3A_78, %get3A_79] : memref<1x128xf32, #tpu.memory_space<vmem>>, vector<1x128xf32>
      %get3A_81 = vector.shape_cast %get3A_80 : vector<1x128xf32> to vector<128xf32>
      %broadcast_in_dim3A_82 = vector.shape_cast %get3A_81 : vector<128xf32> to vector<1x128xf32>
      %add3A_83 = vector.broadcast %broadcast_in_dim3A_82 : vector<1x128xf32> to vector<8x128xf32>
      %add3A_84 = arith.addf %dot_general3A_77, %add3A_83 : vector<8x128xf32>
      %max3A_85 = arith.constant 0.000000e+00 : f32
      %max3A_86 = vector.broadcast %max3A_85 : f32 to vector<8x128xf32>
      %max3A_87 = arith.maximumf %add3A_84, %max3A_86 : vector<8x128xf32>
      %get3A_88 = arith.constant 0 : index
      %get3A_89 = arith.constant 0 : index
      %get3A_90 = vector.load %arg11[%get3A_88, %get3A_89] : memref<128x128xf32, #tpu.memory_space<vmem>>, vector<128x128xf32>
      %dot_general3A_91 = arith.constant dense<0.000000e+00> : vector<8x128xf32>
      %dot_general3A_92 = tpu.matmul %max3A_87, %get3A_90, %dot_general3A_91 {dimension_numbers = #tpu.dot_dimension_numbers<[1], [0], [0], [1], [0, 0, 1, 1], [], []>, transpose_lhs_hint = false} : vector<8x128xf32>, vector<128x128xf32>, vector<8x128xf32> -> vector<8x128xf32>
      %get3A_93 = arith.constant 0 : index
      %get3A_94 = arith.constant 0 : index
      %get3A_95 = vector.load %arg12[%get3A_93, %get3A_94] : memref<1x128xf32, #tpu.memory_space<vmem>>, vector<1x128xf32>
      %get3A_96 = vector.shape_cast %get3A_95 : vector<1x128xf32> to vector<128xf32>
      %broadcast_in_dim3A_97 = vector.shape_cast %get3A_96 : vector<128xf32> to vector<1x128xf32>
      %add3A_98 = vector.broadcast %broadcast_in_dim3A_97 : vector<1x128xf32> to vector<8x128xf32>
      %add3A_99 = arith.addf %dot_general3A_92, %add3A_98 : vector<8x128xf32>
      %swap3A_100 = arith.constant 0 : index
      %swap3A_101 = arith.constant 0 : index
      %swap3A_102 = vector.load %arg13[%swap3A_100, %swap3A_101] : memref<8x128xf32, #tpu.memory_space<vmem>>, vector<8x128xf32>
      tpu.vector_store %arg13[%swap3A_100, %swap3A_101], %add3A_99 {strides = array<i32>} : memref<8x128xf32, #tpu.memory_space<vmem>>, vector<8x128xf32>,
    } else {
    }
    return
  }
  func.func @transform_0(%arg0: i32, %arg1: i32) -> (i32, i32, i32) {
    %c0_i32 = arith.constant 0 : i32
    %c0_i32_0 = arith.constant 0 : i32
    return %arg0, %arg1, %c0_i32 : i32, i32, i32
  }
  func.func @transform_1(%arg0: i32, %arg1: i32) -> (i32, i32, i32, i32) {
    %c0_i32 = arith.constant 0 : i32
    %c0_i32_0 = arith.constant 0 : i32
    %c0_i32_1 = arith.constant 0 : i32
    return %arg0, %arg1, %c0_i32, %c0_i32_0 : i32, i32, i32, i32
  }
  func.func @transform_2(%arg0: i32, %arg1: i32) -> (i32, i32, i32) {
    %c0_i32 = arith.constant 0 : i32
    %c0_i32_0 = arith.constant 0 : i32
    return %arg0, %arg1, %c0_i32 : i32, i32, i32
  }
  func.func @transform_3(%arg0: i32, %arg1: i32) -> (i32, i32, i32) {
    %c0_i32 = arith.constant 0 : i32
    %c0_i32_0 = arith.constant 0 : i32
    %c0_i32_1 = arith.constant 0 : i32
    return %arg0, %c0_i32, %c0_i32_0 : i32, i32, i32
  }
  func.func @transform_4(%arg0: i32, %arg1: i32) -> (i32, i32, i32) {
    %c0_i32 = arith.constant 0 : i32
    %c0_i32_0 = arith.constant 0 : i32
    %c0_i32_1 = arith.constant 0 : i32
    return %arg0, %c0_i32, %c0_i32_0 : i32, i32, i32
  }
  func.func @transform_5(%arg0: i32, %arg1: i32) -> (i32, i32, i32) {
    %c0_i32 = arith.constant 0 : i32
    %c0_i32_0 = arith.constant 0 : i32
    %c0_i32_1 = arith.constant 0 : i32
    return %arg0, %c0_i32, %c0_i32_0 : i32, i32, i32
  }
  func.func @transform_6(%arg0: i32, %arg1: i32) -> (i32, i32, i32, i32) {
    %c0_i32 = arith.constant 0 : i32
    %c0_i32_0 = arith.constant 0 : i32
    %c0_i32_1 = arith.constant 0 : i32
    return %arg0, %arg1, %c0_i32, %c0_i32_0 : i32, i32, i32, i32
  }
  func.func @transform_7(%arg0: i32, %arg1: i32) -> (i32, i32) {
    %c0_i32 = arith.constant 0 : i32
    %c0_i32_0 = arith.constant 0 : i32
    %c0_i32_1 = arith.constant 0 : i32
    return %c0_i32, %c0_i32_0 : i32, i32
  }
  func.func @transform_8(%arg0: i32, %arg1: i32) -> (i32, i32) {
    %c0_i32 = arith.constant 0 : i32
    %c0_i32_0 = arith.constant 0 : i32
    %c0_i32_1 = arith.constant 0 : i32
    return %c0_i32, %c0_i32_0 : i32, i32
  }
  func.func @transform_9(%arg0: i32, %arg1: i32) -> (i32, i32) {
    %c0_i32 = arith.constant 0 : i32
    %c0_i32_0 = arith.constant 0 : i32
    %c0_i32_1 = arith.constant 0 : i32
    return %c0_i32, %c0_i32_0 : i32, i32
  }
  func.func @transform_10(%arg0: i32, %arg1: i32) -> (i32, i32) {
    %c0_i32 = arith.constant 0 : i32
    %c0_i32_0 = arith.constant 0 : i32
    %c0_i32_1 = arith.constant 0 : i32
    return %c0_i32, %c0_i32_0 : i32, i32
  }
  func.func @transform_11(%arg0: i32, %arg1: i32) -> (i32, i32) {
    %c0_i32 = arith.constant 0 : i32
    %c0_i32_0 = arith.constant 0 : i32
    %c0_i32_1 = arith.constant 0 : i32
    return %c0_i32, %c0_i32_0 : i32, i32
  }
}

</mosaic_0001>

<sc_bundles>
// kernel: kernel.11.cloned.1.call-start
scs
__scs_entry_jumppad:
0x0: {  	(pc) =	sbr.rel $0x88, $3  }
0x1: {  	(tag) =	ssettag $0x0;
	lr =	simm.s32 $0x1  }
0x2: {  	[smem:$0x3F89] =	sst lr;
	_ =	strace $0xD0000000  }
0x3: {  	_ = 	snop  }
0x4: {  	_ = 	snop  }
0x5: {  	_ = 	snop  }
0x6: {  	_ = 	snop  }
0x7: {  	_ = 	snop  }
__scs_overlays_trampoline_lowered:
0x8: {  	[smem:$0x3F98] =	sst s0  }
0x9: {  	[smem:$0x3F99] =	sst s1  }
0xa: {  	[smem:$0x3F9A] =	sst s2  }
0xb: {  	[smem:$0x3F9B] =	sst s3  }
0xc: {  	[smem:$0x3F9C] =	sst s4  }
0xd: {  	[smem:$0x3F9D] =	sst s5  }
0xe: {  	[smem:$0x3F9E] =	sst s6  }
0xf: {  	[smem:$0x3F9F] =	sst s7  }
0x10: {  	[smem:$0x3FA0] =	sst s8  }
0x11: {  	[smem:$0x3FA1] =	sst s9;
	s0 =	simm.s32 @!p0 $0x0  }
0x12: {  	s1 =	sld [smem:$0x3F87];
	s0 =	simm.s32 @p0 $0x1  }
0x13: {  	[smem:$0x3FA2] =	sst s0;
	s0 =	simm.s32 @!p1 $0x0  }
0x14: {  	s2 =	sld [smem:$0x3F86];
	s0 =	simm.s32 @p1 $0x1  }
0x15: {  	[smem:$0x3FA3] =	sst s0;
	s0 =	simm.s32 @!p2 $0x0  }
0x16: {  	s3 =	sld [smem:$0x3FDB];
	s0 =	simm.s32 @p2 $0x1  }
0x17: {  	s4 =	simm.s32 $0x1BF5;
	[smem:$0x3FA5] =	sst s0  }
0x18: {  	s0 =	sld [smem:$0x3F88];
	_ =	swait.ge [sflag:s4], $0x0  }
0x19: {  	s7 =	sld [smem:$0x3F89]  }
0x1a: {  	s8 =	sadd.s32 $0xFFFFE003, lr  }
0x1b: {  	s9 =	sadd.s32 $0xFFFFFEF7, lr;
	s5 =	simm.s32 $0xFFFFFFFF;
	p2 =	slt.u32 s8, $0xFFFFF086  }
0x1c: {  	p1 =	slt.u32 s9, $0xF7A;
	s5 =	simm.s32 @!p2 $0x0  }
0x1d: {  	s5 =	simm.s32 @p1 $0x1;
	p0 =	seq.s32 s7, s2  }
0x1e: {  	s7 =	smul.u32 @!p0 $0xF7A, s2;
	p2 =	seq.s32 @!p0 s5, $0x0  }
0x1f: {  	s9 =	smul.u32 $0xF7A, s1;
	s8 =	simm.s32 @!p0 $0x1BF5;
	p2 =	por !p2, p0  }
0x20: {  	[sflag:s8] =	ssyncset.s32 @!p0 $0xFFFFF086;
	s6 =	sadd.s32 @!p0 s3, s7;
	s7 =	simm.s32 @!p0 $0x108  }
0x21: {  	s3 =	sadd.s32 s3, s9;
	s6 =	sadd.s32 @!p0 $0x88, s6;
	s7 =	simm.s32 @p2 $0x1082  }
0x22: {  	[simem:s7], [sflag:s8] =	dma.local @!p0 [hbm:s6], $0xF7A  }
0x23: {  	s9 =	sor.u32 $0xD0000000, s2;
	s6 =	simm.s32 $0x108;
	_ =	swait.ge @!p0 [sflag:s8], $0x0  }
0x24: {  	s3 =	sadd.s32 $0x88, s3;
	s6 =	simm.s32 @!p1 $0x1082;
	[sflag:s4] =	ssyncset.s32 $0xFFFFF086  }
0x25: {  	[simem:s6], [sflag:s4] =	dma.local [hbm:s3], $0xF7A  }
0x26: {  	[smem:$0x3F89] =	sst s1;
	(tag) =	ssettag s2;
	_ =	strace s9  }
0x27: {  	s1 =	sld [smem:$0x3F99]  }
0x28: {  	s2 =	sld [smem:$0x3F9A]  }
0x29: {  	s4 =	sld [smem:$0x3F9C]  }
0x2a: {  	p0 =	seq.s32 s5, $0x0;
	s5 =	sld [smem:$0x3F9D]  }
0x2b: {  	s6 =	sld [smem:$0x3F9E]  }
0x2c: {  	s7 =	sld [smem:$0x3F9F]  }
0x2d: {  	s3 =	simm.s32 $0x108;
	s8 =	sld [smem:$0x3FA0]  }
0x2e: {  	s3 =	simm.s32 @!p0 $0x1082;
	s9 =	sld [smem:$0x3FA1]  }
0x2f: {  	lr =	sadd.s32 s0, s3;
	s0 =	sld [smem:$0x3F98]  }
0x30: {  	s3 =	sld [smem:$0x3F9B]  }
0x31: {  	[smem:$0x3FA4] =	sst s10  }
0x32: {  	s10 =	sld [smem:$0x3FA2];
	_ =	sdelay $0x3  }
0x33: {  	p0 =	seq.s32 s10, $0x1;
	s10 =	sld [smem:$0x3FA4];
	_ =	sdelay $0x3  }
0x34: {  	[smem:$0x3FA4] =	sst s10  }
0x35: {  	s10 =	sld [smem:$0x3FA3];
	_ =	sdelay $0x3  }
0x36: {  	p1 =	seq.s32 s10, $0x1;
	s10 =	sld [smem:$0x3FA4];
	_ =	sdelay $0x3  }
0x37: {  	[smem:$0x3FA4] =	sst s10  }
0x38: {  	s10 =	sld [smem:$0x3FA5]  }
0x39: {  	_ = 	snop;
	(pc) =	sbr.ind lr, $3  }
0x3a: {  	_ = 	snop  }
0x3b: {  	_ = 	snop  }
0x3c: {  	p2 =	seq.s32 s10, $0x1;
	s10 =	sld [smem:$0x3FA4]  }
0x3d: {  	_ =	shalt  }
0x3e: {  	_ =	shalt  }
0x3f: {  	_ =	shalt  }
0x40: {  	_ =	shalt  }
0x41: {  	_ =	shalt  }
0x42: {  	_ =	shalt  }
0x43: {  	_ =	shalt  }
0x44: {  	_ =	shalt  }
0x45: {  	_ =	shalt  }
0x46: {  	_ =	shalt  }
0x47: {  	_ =	shalt  }
0x48: {  	_ =	shalt  }
0x49: {  	_ =	shalt  }
0x4a: {  	_ =	shalt  }
0x4b: {  	_ =	shalt  }
0x4c: {  	_ =	shalt  }
0x4d: {  	_ =	shalt  }
0x4e: {  	_ =	shalt  }
0x4f: {  	_ =	shalt  }
0x50: {  	_ =	shalt  }
0x51: {  	_ =	shalt  }
0x52: {  	_ =	shalt  }
0x53: {  	_ =	shalt  }
0x54: {  	_ =	shalt  }
0x55: {  	_ =	shalt  }
0x56: {  	_ =	shalt  }
0x57: {  	_ =	shalt  }
0x58: {  	_ =	shalt  }
0x59: {  	_ =	shalt  }
0x5a: {  	_ =	shalt  }
0x5b: {  	_ =	shalt  }
0x5c: {  	_ =	shalt  }
0x5d: {  	_ =	shalt  }
0x5e: {  	_ =	shalt  }
0x5f: {  	_ =	shalt  }
0x60: {  	_ =	shalt  }
0x61: {  	_ =	shalt  }
0x62: {  	_ =	shalt  }
0x63: {  	_ =	shalt  }
0x64: {  	_ =	shalt  }
0x65: {  	_ =	shalt  }
0x66: {  	_ =	shalt  }
0x67: {  	_ =	shalt  }
0x68: {  	_ =	shalt  }
0x69: {  	_ =	shalt  }
0x6a: {  	_ =	shalt  }
0x6b: {  	_ =	shalt  }
0x6c: {  	_ =	shalt  }
0x6d: {  	_ =	shalt  }
0x6e: {  	_ =	shalt  }
0x6f: {  	_ =	shalt  }
0x70: {  	_ =	shalt  }
0x71: {  	_ =	shalt  }
0x72: {  	_ =	shalt  }
0x73: {  	_ =	shalt  }
0x74: {  	_ =	shalt  }
0x75: {  	_ =	shalt  }
0x76: {  	_ =	shalt  }
0x77: {  	_ =	shalt  }
0x78: {  	_ =	shalt  }
0x79: {  	_ =	shalt  }
0x7a: {  	_ =	shalt  }
0x7b: {  	_ =	shalt  }
0x7c: {  	_ =	shalt  }
0x7d: {  	_ =	shalt  }
0x7e: {  	_ =	shalt  }
0x7f: {  	_ =	shalt  }
0x80: {  	_ =	shalt  }
0x81: {  	_ =	shalt  }
0x82: {  	_ =	shalt  }
0x83: {  	_ =	shalt  }
0x84: {  	_ =	shalt  }
0x85: {  	_ =	shalt  }
0x86: {  	_ =	shalt  }
0x87: {  	_ =	shalt  }
.Lfunc_end0:
.L_simem_size_0:
called_computation.1_lowered:
.L_overlay_start_0:
0x88: {  	s2 =	sld [smem:$0x3FD9]  }
0x89: {  	s3 =	sld [smem:$0x3FFE];
	_ =	sdelay $0x1  }
0x8a: {  	s1 =	srdreg.scid  }
0x8b: {  	s0 =	sand.u32 $0x1, s1  }
0x8c: {  	s17 =	sshll.u32 s0, $0xA;
	s2 =	sadd.s32 s3, s2  }
0x8d: {  	s2 =	sadd.s32 s2, s17  }
0x8e: {  	[smem:$0x3FB0] =	sst s2  }
0x8f: {  	_ = 	snop  }
0x90: {  	(tm) =	ssettm $0x1  }
0x91: {  	s18 =	sld [smem:$0x3FFB];
	_ =	sdelay $0x3  }
0x92: {  	_ =	strace s18  }
0x93: {  	s2 =	sld [smem:$0x3FFC];
	_ =	sdelay $0x3  }
0x94: {  	_ =	strace s2  }
0x95: {  	s2 =	sld [smem:$0x3FFD];
	_ =	sdelay $0x3  }
0x96: {  	_ =	strace s2  }
0x97: {  	_ =	strace $0x8FFFFFFF  }
0x98: {  	s19 =	sld [smem:$0x3FDB];
	_ =	sdelay $0x1  }
0x99: {  	s20 =	simm.s32 $_scs_section_size  }
0x9a: {  	s4 =	simm.s32 $_size__tile_overlayer_lowered;
	s5 =	simm.s32 $_tile_overlayer_lowered  }
0x9b: {  	s6 =	simm.s32 $0x1BFF;
	s21 =	sshll.u32 s5, $0x1;
	s3 =	sadd.s32 s20, s19  }
0x9c: {  	s22 =	simm.s32 $0x0;
	s4 =	sshll.u32 s4, $0x1;
	s5 =	sadd.s32 s21, s3  }
0x9d: {  	[timem:s22], [sflag:s6] =	dma.local [hbm:s5], s4  }
0x9e: {  	_ =	swait.ge [sflag:s6], s4  }
0x9f: {  	s4 =	ssub.s32 $0x0, s4;
	[sflag:s6] =	ssyncset.done $0x0  }
0xa0: {  	[sflag:s6] =	ssyncadd.s32 s4;
	_ =	sdelay $0x1  }
0xa1: {  	s23 =	simm.s32 $0x1B8B  }
0xa2: {  	_ =	swait.ge [sflag:s23], $0x1  }
0xa3: {  	[sflag:s23] =	ssyncset.done $0x0  }
0xa4: {  	[sflag:s23] =	ssyncadd.s32 $0xFFFFFFFF  }
0xa5: {  	s4 =	sld [smem:$0x0]  }
0xa6: {  	s5 =	sand.u32 $0xFFFFFFFE, s1  }
0xa7: {  	p0 =	sne.s32 s1, s5  }
0xa8: {  	s5 =	sshll.u32 @p0 s5, $0xE  }
0xa9: {  	s5 =	sadd.s32 @p0 $0x11B8D, s5;
	s6 =	sshll.u32 @p0 s4, $0x11  }
0xaa: {  	s5 =	sor.u32 @p0 s6, s5  }
0xab: {  	[sflag:s5] =	ssyncadd.remote.s32 @p0 $0x1;
	_ =	sdelay $0x1  }
0xac: {  	s5 =	simm.s32 @p0 $0x1B8D  }
0xad: {  	_ =	swait.eq @p0 [sflag:s5], $0x1  }
0xae: {  	[sflag:s5] =	ssyncadd.s32 @p0 $0xFFFFFFFF  }
0xaf: {  	s6 =	sshll.u32 @!p0 s1, $0xE  }
0xb0: {  	s6 =	sor.u32 @!p0 $0x4000, s6;
	s5 =	simm.s32 @!p0 $0x1B8D  }
0xb1: {  	s4 =	sshll.u32 @!p0 s4, $0x11;
	s6 =	sadd.s32 @!p0 $0x11B8D, s6;
	_ =	swait.eq @!p0 [sflag:s5], $0x1  }
0xb2: {  	s4 =	sor.u32 @!p0 s4, s6;
	[sflag:s5] =	ssyncadd.s32 @!p0 $0xFFFFFFFF  }
0xb3: {  	s25 =	simm.s32 $0x1B8E;
	s24 =	sld [smem:$0x3FFE];
	[sflag:s4] =	ssyncadd.remote.s32 @!p0 $0x1  }
0xb4: {  	s26 =	simm.s32 $execute0_lowered;
	[smem:$0x3FD2] =	sst s25  }
0xb5: {  	s5 =	sshll.u32 s26, $0x1;
	_ =	strace $0x80000049;
	[dreg:$0x1] =	wrdreg $0xFFFFFFFF  }
0xb6: {  	s28 =	simm.s32 $_size_execute0_lowered;
	s3 =	sadd.s32 s3, s5;
	[dreg:$0x0] =	wrdreg $0x0  }
0xb7: {  	s5 =	sshll.u32 s28, $0x1;
	[dreg:$0x2] =	wrdreg s3  }
0xb8: {  	[dreg:$0x3] =	wrdreg s5  }
0xb9: {  	[dreg:$0x4] =	wrdreg $0xC0  }
0xba: {  	_ =	task [dreg:s22], $0x5FFFF  }
0xbb: {  	[dreg:$0x1] =	wrdreg $0xFFFFFFFF  }
0xbc: {  	[dreg:$0x0] =	wrdreg $0x60  }
0xbd: {  	[dreg:$0x2] =	wrdreg s24  }
0xbe: {  	[dreg:$0x3] =	wrdreg $0x1F000  }
0xbf: {  	[dreg:$0x4] =	wrdreg $0x9  }
0xc0: {  	_ =	task.clear_ibuf [dreg:s22], $0x5FFFF;
	_ =	strace $0x90000049  }
0xc1: {  	s29 =	simm.s32 $0x9;
	_ =	strace $0x8000004B  }
0xc2: {  	_ =	swait.ge [sflag:s29], $0x1  }
0xc3: {  	[sflag:s29] =	ssyncadd.s32 $0xFFFFFFFF  }
0xc4: {  	_ =	strace $0x9000004B  }
0xc5: {  	_ =	sfence  }
0xc6: {  	s30 =	sld [smem:$0x0];
	_ =	sdelay $0x2  }
0xc7: {  	s31 =	sshll.u32 s1, $0xD;
	s1 =	sshrl.u32 s1, $0x2  }
0xc8: {  	s4 =	sand.u32 $0x4000, s31;
	s1 =	sadd.s32 s1, s30  }
0xc9: {  	s0 =	sor.u32 s4, s0;
	s1 =	sshll.u32 s1, $0x11  }
0xca: {  	s0 =	sor.u32 s1, s0  }
0xcb: {  	s0 =	sadd.s32 $0x8F2B, s0  }
0xcc: {  	[sflag:s0] =	ssyncadd.remote.s32 $0x1  }
0xcd: {  	_ =	sfence.sel $0xFFFF  }
0xce: {  	[dreg:$0x0] =	wrdreg $0xFFFFFFFF;
	(pc) =	sbr.abs _section_cstart, $3  }
0xcf: {  	[dreg:$0x1] =	wrdreg $0xFFFFFFFF  }
0xd0: {  	_ =	task.clear_ibuf [dreg:s22], $0x2FFFF;
	_ =	strace $0x9FFFFFFF  }
0xd1: {  	(tm) =	ssettm $0x7FFFFFFF  }
tec
execute0_lowered:
.L_overlay_start_1:
0x0: {  	(tag) =	ssettag $0x1  }
0x1: {  	s4 =	rddreg [dreg:$0x0]  }
0x2: {  	s0 =	srdreg.scid;
	s2 =	rddreg [dreg:$0x1]  }
0x3: {  	s1 =	rddreg [dreg:$0x2];
	s5 =	sand.u32 $0x1, s0  }
0x4: {  	s3 =	simm.s32 $0x0;
	s0 =	stileid.u32;
	s6 =	smul.u32 $0x8C000, s5  }
0x5: {  	s12 =	simm.s32 $0x1C80;
	s13 =	simm.s32 $0x1;
	s7 =	smul.u32 $0x8C00, s0  }
0x6: {  	s14 =	simm.s32 $0x50;
	s15 =	simm.s32 $0x1C00;
	s8 =	smul.u32 $0x280, s0  }
0x7: {  	s18 =	simm.s32 $0x0;
	[smem:$0x7FF] =	sst s3;
	s9 =	smul.u32 $0x2800, s5  }
0x8: {  	_ =	strace $0x8000004A;
	s5 =	ssub.s32 $0x2, s5;
	s16 =	sshll.u32 s0, $0x6  }
0x9: {  	s31 =	sshrl.u32 s5, $0x1;
	s6 =	sadd.s32 s7, s6;
	s29 =	sadd.s32 s8, s9  }
0xa: {  	s16 =	sor.u32 $0x1C01, s16;
	s6 =	sshrl.u32 s6, $0x3;
	s30 =	sshrl.u32 s29, $0x3  }
0xb: {  	s7 =	ssub.s32 s5, s31;
	s11 =	sadd.s32 s6, s4;
	s6 =	sadd.s32 s30, s4  }
0xc: {  	s4 =	sadd.s32 s8, s2;
	s5 =	sadd.s32 $0xEB400, s6;
	s6 =	smax.u32 s7, $0x1  }
0xd: {  	s7 =	sadd.s32 $0xA5400, s11;
	s8 =	sadd.s32 $0xA5780, s11;
	s9 =	sadd.s32 $0xA5B00, s11  }
0xe: {  	v0 =	vimm.f32 $0.0e+00;
	v1 =	vimm.f32 $1.000000000e+00;
	s10 =	sadd.s32 $0xA5E80, s11;
	s11 =	sadd.s32 $0xA6200, s11;
	s17 =	sshrl.u32 s4, $0x3  }
.LBB2_1:
0xf: {  	[tilespmem:$0x1C80] =	vst v0  }
0x10: {  	[tilespmem:$0x1C90] =	vst v0  }
0x11: {  	[tilespmem:$0x1CA0] =	vst v0  }
0x12: {  	[tilespmem:$0x1CB0] =	vst v0  }
0x13: {  	[tilespmem:$0x1CC0] =	vst v0  }
0x14: {  	[tilespmem:$0x1CD0] =	vst v0  }
0x15: {  	[tilespmem:$0x1CE0] =	vst v0  }
0x16: {  	[tilespmem:$0x1CF0] =	vst v0  }
0x17: {  	[tilespmem:$0x1D00] =	vst v0  }
0x18: {  	[tilespmem:$0x1D10] =	vst v0  }
0x19: {  	[tilespmem:$0x1D20] =	vst v0  }
0x1a: {  	[tilespmem:$0x1D30] =	vst v0  }
0x1b: {  	[tilespmem:$0x1D40] =	vst v0  }
0x1c: {  	[tilespmem:$0x1D50] =	vst v0  }
0x1d: {  	[tilespmem:$0x1D60] =	vst v0  }
0x1e: {  	[tilespmem:$0x1D70] =	vst v0  }
0x1f: {  	[tilespmem:$0x1D80] =	vst v0  }
0x20: {  	[tilespmem:$0x1D90] =	vst v0  }
0x21: {  	[tilespmem:$0x1DA0] =	vst v0  }
0x22: {  	[tilespmem:$0x1DB0] =	vst v0  }
0x23: {  	[tilespmem:$0x1DC0] =	vst v0  }
0x24: {  	[tilespmem:$0x1DD0] =	vst v0  }
0x25: {  	[tilespmem:$0x1DE0] =	vst v0  }
0x26: {  	[tilespmem:$0x1DF0] =	vst v0  }
0x27: {  	[tilespmem:$0x1E00] =	vst v0  }
0x28: {  	[tilespmem:$0x1E10] =	vst v0  }
0x29: {  	[tilespmem:$0x1E20] =	vst v0  }
0x2a: {  	[tilespmem:$0x1E30] =	vst v0  }
0x2b: {  	[tilespmem:$0x1E40] =	vst v0  }
0x2c: {  	[tilespmem:$0x1E50] =	vst v0  }
0x2d: {  	[tilespmem:$0x1E60] =	vst v0  }
0x2e: {  	[tilespmem:$0x1E70] =	vst v0  }
0x2f: {  	[tilespmem:$0x1E80] =	vst v0  }
0x30: {  	[tilespmem:$0x1E90] =	vst v0  }
0x31: {  	[tilespmem:$0x1EA0] =	vst v0  }
0x32: {  	[tilespmem:$0x1EB0] =	vst v0  }
0x33: {  	[tilespmem:$0x1EC0] =	vst v0  }
0x34: {  	[tilespmem:$0x1ED0] =	vst v0  }
0x35: {  	[tilespmem:$0x1EE0] =	vst v0  }
0x36: {  	[tilespmem:$0x1EF0] =	vst v0  }
0x37: {  	[tilespmem:$0x1C00] =	vst v1  }
0x38: {  	[tilespmem:$0x1C10] =	vst v1  }
0x39: {  	[tilespmem:$0x1C20] =	vst v1  }
0x3a: {  	[tilespmem:$0x1C30] =	vst v1  }
0x3b: {  	[tilespmem:$0x1C40] =	vst v1  }
0x3c: {  	[spmem:s4] =	stream.linear.scatter [tilespmem:s12], [sflag:$0x1], $0x280, $0x38;
	[tilespmem:$0x2180] =	vst v63  }
0x3d: {  	_ =	swait.ge [sflag:s13], $0x280  }
0x3e: {  	[sflag:s13] =	ssyncset.done $0x0  }
0x3f: {  	[sflag:s13] =	ssyncadd.s32 $0xFFFFFD80  }
0x40: {  	[bflag:$0x0] =	sbarrier.arrive $0xFFFF  }
0x41: {  	[tilespmem:s3], [sflag:$0x1] =	stream.linear.gather [hbm4b:s7+s3], $0x1900, $0x38;
	[tilespmem:$0x2180] =	vst v63  }
0x42: {  	_ =	swait.ge [sflag:s13], $0x1900  }
0x43: {  	[sflag:s13] =	ssyncset.done $0x0  }
0x44: {  	s19 =	simm.s32 $0x0;
	[sflag:s13] =	ssyncadd.s32 $0xFFFFE700  }
0x45: {  	[spmem:s2] =	stream.indirect.scatter.add.f32 [tilespmem:s15], [sflag:$0x1], $0x1, s19, s14, $0xb8;
	[tilespmem:$0x2180] =	vst v63  }
0x46: {  	_ =	swait.ge [sflag:s13], $0x50  }
0x47: {  	s19 =	simm.s32 $0x200;
	[sflag:s13] =	ssyncset.done $0x0  }
.LBB2_2:
0x48: {  	s20 =	sshra.s32 s19, $0x2;
	[sflag:s13] =	ssyncadd.s32 $0xFFFFFFB0;
	p0 =	sne.s32 s19, $0x6200  }
0x49: {  	[spmem:s2] =	stream.indirect.scatter.add.f32 [tilespmem:s15], [sflag:$0x1], $0x1, s20, s14, $0xb8;
	[tilespmem:$0x2180] =	vst v63  }
.Ltmp0:
0x4a: {  	_ = 	snop;
	(pc) =	sbr.rel @p0 .LBB2_2-.Ltmp0, $4  }
0x4b: {  	_ = 	snop  }
0x4c: {  	s19 =	sadd.s32 $0x200, s19  }
0x4d: {  	_ =	swait.ge [sflag:s13], $0x50  }
0x4e: {  	[sflag:s13] =	ssyncset.done $0x0  }
0x4f: {  	[sflag:s13] =	ssyncadd.s32 $0xFFFFFFB0;
	s19 =	simm.s32 $0x0  }
0x50: {  	[tilespmem:s19], [sflag:$0x1] =	stream.linear.gather [hbm4b:s8+s19], $0x1900, $0x38;
	[tilespmem:$0x2180] =	vst v63  }
0x51: {  	_ =	swait.ge [sflag:s13], $0x1900  }
0x52: {  	[sflag:s13] =	ssyncset.done $0x0  }
0x53: {  	s31 =	simm.s32 $0x0;
	[sflag:s13] =	ssyncadd.s32 $0xFFFFE700  }
0x54: {  	[spmem:s2] =	stream.indirect.scatter.add.f32 [tilespmem:s15], [sflag:$0x1], $0x1, s31, s14, $0xb8;
	[tilespmem:$0x2180] =	vst v63  }
0x55: {  	_ =	swait.ge [sflag:s13], $0x50  }
0x56: {  	s19 =	simm.s32 $0x200;
	[sflag:s13] =	ssyncset.done $0x0  }
.LBB2_4:
0x57: {  	s20 =	sshra.s32 s19, $0x2;
	[sflag:s13] =	ssyncadd.s32 $0xFFFFFFB0;
	p0 =	sne.s32 s19, $0x6200  }
0x58: {  	[spmem:s2] =	stream.indirect.scatter.add.f32 [tilespmem:s15], [sflag:$0x1], $0x1, s20, s14, $0xb8;
	[tilespmem:$0x2180] =	vst v63  }
.Ltmp1:
0x59: {  	_ = 	snop;
	(pc) =	sbr.rel @p0 .LBB2_4-.Ltmp1, $4  }
0x5a: {  	_ = 	snop  }
0x5b: {  	s19 =	sadd.s32 $0x200, s19  }
0x5c: {  	_ =	swait.ge [sflag:s13], $0x50  }
0x5d: {  	[sflag:s13] =	ssyncset.done $0x0  }
0x5e: {  	[sflag:s13] =	ssyncadd.s32 $0xFFFFFFB0;
	s19 =	simm.s32 $0x0  }
0x5f: {  	[tilespmem:s19], [sflag:$0x1] =	stream.linear.gather [hbm4b:s9+s19], $0x1900, $0x38;
	[tilespmem:$0x2180] =	vst v63  }
0x60: {  	_ =	swait.ge [sflag:s13], $0x1900  }
0x61: {  	[sflag:s13] =	ssyncset.done $0x0  }
0x62: {  	s31 =	simm.s32 $0x0;
	[sflag:s13] =	ssyncadd.s32 $0xFFFFE700  }
0x63: {  	[spmem:s2] =	stream.indirect.scatter.add.f32 [tilespmem:s15], [sflag:$0x1], $0x1, s31, s14, $0xb8;
	[tilespmem:$0x2180] =	vst v63  }
0x64: {  	_ =	swait.ge [sflag:s13], $0x50  }
0x65: {  	s19 =	simm.s32 $0x200;
	[sflag:s13] =	ssyncset.done $0x0  }
.LBB2_6:
0x66: {  	s20 =	sshra.s32 s19, $0x2;
	[sflag:s13] =	ssyncadd.s32 $0xFFFFFFB0;
	p0 =	sne.s32 s19, $0x6200  }
0x67: {  	[spmem:s2] =	stream.indirect.scatter.add.f32 [tilespmem:s15], [sflag:$0x1], $0x1, s20, s14, $0xb8;
	[tilespmem:$0x2180] =	vst v63  }
.Ltmp2:
0x68: {  	_ = 	snop;
	(pc) =	sbr.rel @p0 .LBB2_6-.Ltmp2, $4  }
0x69: {  	_ = 	snop  }
0x6a: {  	s19 =	sadd.s32 $0x200, s19  }
0x6b: {  	_ =	swait.ge [sflag:s13], $0x50  }
0x6c: {  	[sflag:s13] =	ssyncset.done $0x0  }
0x6d: {  	[sflag:s13] =	ssyncadd.s32 $0xFFFFFFB0;
	s19 =	simm.s32 $0x0  }
0x6e: {  	[tilespmem:s19], [sflag:$0x1] =	stream.linear.gather [hbm4b:s10+s19], $0x1900, $0x38;
	[tilespmem:$0x2180] =	vst v63  }
0x6f: {  	_ =	swait.ge [sflag:s13], $0x1900  }
0x70: {  	[sflag:s13] =	ssyncset.done $0x0  }
0x71: {  	s31 =	simm.s32 $0x0;
	[sflag:s13] =	ssyncadd.s32 $0xFFFFE700  }
0x72: {  	[spmem:s2] =	stream.indirect.scatter.add.f32 [tilespmem:s15], [sflag:$0x1], $0x1, s31, s14, $0xb8;
	[tilespmem:$0x2180] =	vst v63  }
0x73: {  	_ =	swait.ge [sflag:s13], $0x50  }
0x74: {  	s19 =	simm.s32 $0x200;
	[sflag:s13] =	ssyncset.done $0x0  }
.LBB2_8:
0x75: {  	s20 =	sshra.s32 s19, $0x2;
	[sflag:s13] =	ssyncadd.s32 $0xFFFFFFB0;
	p0 =	sne.s32 s19, $0x6200  }
0x76: {  	[spmem:s2] =	stream.indirect.scatter.add.f32 [tilespmem:s15], [sflag:$0x1], $0x1, s20, s14, $0xb8;
	[tilespmem:$0x2180] =	vst v63  }
.Ltmp3:
0x77: {  	_ = 	snop;
	(pc) =	sbr.rel @p0 .LBB2_8-.Ltmp3, $4  }
0x78: {  	_ = 	snop  }
0x79: {  	s19 =	sadd.s32 $0x200, s19  }
0x7a: {  	_ =	swait.ge [sflag:s13], $0x50  }
0x7b: {  	[sflag:s13] =	ssyncset.done $0x0  }
0x7c: {  	[sflag:s13] =	ssyncadd.s32 $0xFFFFFFB0;
	s19 =	simm.s32 $0x0  }
0x7d: {  	[tilespmem:s19], [sflag:$0x1] =	stream.linear.gather [hbm4b:s11+s19], $0x1900, $0x38;
	[tilespmem:$0x2180] =	vst v63  }
0x7e: {  	_ =	swait.ge [sflag:s13], $0x1900  }
0x7f: {  	[sflag:s13] =	ssyncset.done $0x0  }
0x80: {  	s31 =	simm.s32 $0x0;
	[sflag:s13] =	ssyncadd.s32 $0xFFFFE700  }
0x81: {  	[spmem:s2] =	stream.indirect.scatter.add.f32 [tilespmem:s15], [sflag:$0x1], $0x1, s31, s14, $0xb8;
	[tilespmem:$0x2180] =	vst v63  }
0x82: {  	_ =	swait.ge [sflag:s13], $0x50  }
0x83: {  	s19 =	simm.s32 $0x200;
	[sflag:s13] =	ssyncset.done $0x0  }
.LBB2_10:
0x84: {  	s20 =	sshra.s32 s19, $0x2;
	[sflag:s13] =	ssyncadd.s32 $0xFFFFFFB0;
	p0 =	sne.s32 s19, $0x6200  }
0x85: {  	[spmem:s2] =	stream.indirect.scatter.add.f32 [tilespmem:s15], [sflag:$0x1], $0x1, s20, s14, $0xb8;
	[tilespmem:$0x2180] =	vst v63  }
.Ltmp4:
0x86: {  	_ = 	snop;
	(pc) =	sbr.rel @p0 .LBB2_10-.Ltmp4, $4  }
0x87: {  	_ = 	snop  }
0x88: {  	s19 =	sadd.s32 $0x200, s19  }
0x89: {  	_ =	swait.ge [sflag:s13], $0x50  }
0x8a: {  	[sflag:s13] =	ssyncset.done $0x0  }
0x8b: {  	s18 =	sadd.s32 $0x1, s18  }
0x8c: {  	[sflag:s13] =	ssyncadd.s32 $0xFFFFFFB0;
	p0 =	sne.s32 s18, s6  }
.Ltmp5:
0x8d: {  	[bflag:$0x0] =	sbarrier.arrive $0xFFFF;
	(pc) =	sbr.rel @p0 .LBB2_1-.Ltmp5, $4  }
0x8e: {  	[hbm:s5], [sflag:s16] =	dma.local [spmem:s17], $0x50  }
0x8f: {  	_ =	swait.ge [sflag:s13], $0x50  }
0x90: {  	[sflag:s13] =	ssyncset.done $0x0  }
0x91: {  	[sflag:s13] =	ssyncadd.s32 $0xFFFFFFB0  }
0x92: {  	_ =	sfence.sel $0x180000  }
0x93: {  	[bflag:$0x0] =	sbarrier.arrive $0xFFFF  }
0x94: {  	p0 =	sne.s32 s0, $0x0;
	_ =	strace $0x9000004A  }
0x95: {  	s0 =	sadd.s32 @!p0 $0x100000, s1;
	[bflag:$0x2] =	sbarrier.arrive $0xFFFF  }
0x96: {  	[sflag:s0] =	ssyncadd.tile.s32 @!p0 $0x1;
	_ =	shalt  }
.Lfunc_end2:
_tile_overlayer_lowered:
.L_overlay_start_2:
0x97: {  	(tag) =	ssettag $0x2  }
0x98: {  	s0 =	rddreg [dreg:$0x0];
	s2 =	stileid.u32  }
0x99: {  	s1 =	rddreg [dreg:$0x1];
	p0 =	sne.s32 s2, $0x0  }
0x9a: {  	s3 =	rddreg [dreg:$0x2];
	[bflag:$0x3] =	sbarrier.arrive $0xFFFF;
	s2 =	simm.s32 @!p0 $0x1C01  }
0x9b: {  	[timem:s3], [sflag:s2] =	dma.local @!p0 [hbm:s0], s1  }
0x9c: {  	s0 =	simm.s32 @!p0 $0x1  }
0x9d: {  	_ =	swait.ge @!p0 [sflag:s0], s1  }
0x9e: {  	s1 =	ssub.s32 @!p0 $0x0, s1;
	[sflag:s0] =	ssyncset.done @!p0 $0x0  }
0x9f: {  	[sflag:s0] =	ssyncadd.s32 @!p0 s1  }
0xa0: {  	[bflag:$0x3] =	sbarrier.arrive $0xFFFF  }
0xa1: {  	_ =	shalt  }

// kernel: kernel.14.cloned.1.call-start
scs
__scs_entry_jumppad:
0x0: {  	(pc) =	sbr.rel $0x88, $3  }
0x1: {  	(tag) =	ssettag $0x0;
	lr =	simm.s32 $0x1  }
0x2: {  	[smem:$0x3F89] =	sst lr;
	_ =	strace $0xD0000000  }
0x3: {  	_ = 	snop  }
0x4: {  	_ = 	snop  }
0x5: {  	_ = 	snop  }
0x6: {  	_ = 	snop  }
0x7: {  	_ = 	snop  }
__scs_overlays_trampoline_lowered:
0x8: {  	[smem:$0x3F98] =	sst s0  }
0x9: {  	[smem:$0x3F99] =	sst s1  }
0xa: {  	[smem:$0x3F9A] =	sst s2  }
0xb: {  	[smem:$0x3F9B] =	sst s3  }
0xc: {  	[smem:$0x3F9C] =	sst s4  }
0xd: {  	[smem:$0x3F9D] =	sst s5  }
0xe: {  	[smem:$0x3F9E] =	sst s6  }
0xf: {  	[smem:$0x3F9F] =	sst s7  }
0x10: {  	[smem:$0x3FA0] =	sst s8  }
0x11: {  	[smem:$0x3FA1] =	sst s9;
	s0 =	simm.s32 @!p0 $0x0  }
0x12: {  	s1 =	sld [smem:$0x3F87];
	s0 =	simm.s32 @p0 $0x1  }
0x13: {  	[smem:$0x3FA2] =	sst s0;
	s0 =	simm.s32 @!p1 $0x0  }
0x14: {  	s2 =	sld [smem:$0x3F86];
	s0 =	simm.s32 @p1 $0x1  }
0x15: {  	[smem:$0x3FA3] =	sst s0;
	s0 =	simm.s32 @!p2 $0x0  }
0x16: {  	s3 =	sld [smem:$0x3FDB];
	s0 =	simm.s32 @p2 $0x1  }
0x17: {  	s4 =	simm.s32 $0x1BF5;
	[smem:$0x3FA5] =	sst s0  }
0x18: {  	s0 =	sld [smem:$0x3F88];
	_ =	swait.ge [sflag:s4], $0x0  }
0x19: {  	s7 =	sld [smem:$0x3F89]  }
0x1a: {  	s8 =	sadd.s32 $0xFFFFE003, lr  }
0x1b: {  	s9 =	sadd.s32 $0xFFFFFEF7, lr;
	s5 =	simm.s32 $0xFFFFFFFF;
	p2 =	slt.u32 s8, $0xFFFFF086  }
0x1c: {  	p1 =	slt.u32 s9, $0xF7A;
	s5 =	simm.s32 @!p2 $0x0  }
0x1d: {  	s5 =	simm.s32 @p1 $0x1;
	p0 =	seq.s32 s7, s2  }
0x1e: {  	s7 =	smul.u32 @!p0 $0xF7A, s2;
	p2 =	seq.s32 @!p0 s5, $0x0  }
0x1f: {  	s9 =	smul.u32 $0xF7A, s1;
	s8 =	simm.s32 @!p0 $0x1BF5;
	p2 =	por !p2, p0  }
0x20: {  	[sflag:s8] =	ssyncset.s32 @!p0 $0xFFFFF086;
	s6 =	sadd.s32 @!p0 s3, s7;
	s7 =	simm.s32 @!p0 $0x108  }
0x21: {  	s3 =	sadd.s32 s3, s9;
	s6 =	sadd.s32 @!p0 $0x88, s6;
	s7 =	simm.s32 @p2 $0x1082  }
0x22: {  	[simem:s7], [sflag:s8] =	dma.local @!p0 [hbm:s6], $0xF7A  }
0x23: {  	s9 =	sor.u32 $0xD0000000, s2;
	s6 =	simm.s32 $0x108;
	_ =	swait.ge @!p0 [sflag:s8], $0x0  }
0x24: {  	s3 =	sadd.s32 $0x88, s3;
	s6 =	simm.s32 @!p1 $0x1082;
	[sflag:s4] =	ssyncset.s32 $0xFFFFF086  }
0x25: {  	[simem:s6], [sflag:s4] =	dma.local [hbm:s3], $0xF7A  }
0x26: {  	[smem:$0x3F89] =	sst s1;
	(tag) =	ssettag s2;
	_ =	strace s9  }
0x27: {  	s1 =	sld [smem:$0x3F99]  }
0x28: {  	s2 =	sld [smem:$0x3F9A]  }
0x29: {  	s4 =	sld [smem:$0x3F9C]  }
0x2a: {  	p0 =	seq.s32 s5, $0x0;
	s5 =	sld [smem:$0x3F9D]  }
0x2b: {  	s6 =	sld [smem:$0x3F9E]  }
0x2c: {  	s7 =	sld [smem:$0x3F9F]  }
0x2d: {  	s3 =	simm.s32 $0x108;
	s8 =	sld [smem:$0x3FA0]  }
0x2e: {  	s3 =	simm.s32 @!p0 $0x1082;
	s9 =	sld [smem:$0x3FA1]  }
0x2f: {  	lr =	sadd.s32 s0, s3;
	s0 =	sld [smem:$0x3F98]  }
0x30: {  	s3 =	sld [smem:$0x3F9B]  }
0x31: {  	[smem:$0x3FA4] =	sst s10  }
0x32: {  	s10 =	sld [smem:$0x3FA2];
	_ =	sdelay $0x3  }
0x33: {  	p0 =	seq.s32 s10, $0x1;
	s10 =	sld [smem:$0x3FA4];
	_ =	sdelay $0x3  }
0x34: {  	[smem:$0x3FA4] =	sst s10  }
0x35: {  	s10 =	sld [smem:$0x3FA3];
	_ =	sdelay $0x3  }
0x36: {  	p1 =	seq.s32 s10, $0x1;
	s10 =	sld [smem:$0x3FA4];
	_ =	sdelay $0x3  }
0x37: {  	[smem:$0x3FA4] =	sst s10  }
0x38: {  	s10 =	sld [smem:$0x3FA5]  }
0x39: {  	_ = 	snop;
	(pc) =	sbr.ind lr, $3  }
0x3a: {  	_ = 	snop  }
0x3b: {  	_ = 	snop  }
0x3c: {  	p2 =	seq.s32 s10, $0x1;
	s10 =	sld [smem:$0x3FA4]  }
0x3d: {  	_ =	shalt  }
0x3e: {  	_ =	shalt  }
0x3f: {  	_ =	shalt  }
0x40: {  	_ =	shalt  }
0x41: {  	_ =	shalt  }
0x42: {  	_ =	shalt  }
0x43: {  	_ =	shalt  }
0x44: {  	_ =	shalt  }
0x45: {  	_ =	shalt  }
0x46: {  	_ =	shalt  }
0x47: {  	_ =	shalt  }
0x48: {  	_ =	shalt  }
0x49: {  	_ =	shalt  }
0x4a: {  	_ =	shalt  }
0x4b: {  	_ =	shalt  }
0x4c: {  	_ =	shalt  }
0x4d: {  	_ =	shalt  }
0x4e: {  	_ =	shalt  }
0x4f: {  	_ =	shalt  }
0x50: {  	_ =	shalt  }
0x51: {  	_ =	shalt  }
0x52: {  	_ =	shalt  }
0x53: {  	_ =	shalt  }
0x54: {  	_ =	shalt  }
0x55: {  	_ =	shalt  }
0x56: {  	_ =	shalt  }
0x57: {  	_ =	shalt  }
0x58: {  	_ =	shalt  }
0x59: {  	_ =	shalt  }
0x5a: {  	_ =	shalt  }
0x5b: {  	_ =	shalt  }
0x5c: {  	_ =	shalt  }
0x5d: {  	_ =	shalt  }
0x5e: {  	_ =	shalt  }
0x5f: {  	_ =	shalt  }
0x60: {  	_ =	shalt  }
0x61: {  	_ =	shalt  }
0x62: {  	_ =	shalt  }
0x63: {  	_ =	shalt  }
0x64: {  	_ =	shalt  }
0x65: {  	_ =	shalt  }
0x66: {  	_ =	shalt  }
0x67: {  	_ =	shalt  }
0x68: {  	_ =	shalt  }
0x69: {  	_ =	shalt  }
0x6a: {  	_ =	shalt  }
0x6b: {  	_ =	shalt  }
0x6c: {  	_ =	shalt  }
0x6d: {  	_ =	shalt  }
0x6e: {  	_ =	shalt  }
0x6f: {  	_ =	shalt  }
0x70: {  	_ =	shalt  }
0x71: {  	_ =	shalt  }
0x72: {  	_ =	shalt  }
0x73: {  	_ =	shalt  }
0x74: {  	_ =	shalt  }
0x75: {  	_ =	shalt  }
0x76: {  	_ =	shalt  }
0x77: {  	_ =	shalt  }
0x78: {  	_ =	shalt  }
0x79: {  	_ =	shalt  }
0x7a: {  	_ =	shalt  }
0x7b: {  	_ =	shalt  }
0x7c: {  	_ =	shalt  }
0x7d: {  	_ =	shalt  }
0x7e: {  	_ =	shalt  }
0x7f: {  	_ =	shalt  }
0x80: {  	_ =	shalt  }
0x81: {  	_ =	shalt  }
0x82: {  	_ =	shalt  }
0x83: {  	_ =	shalt  }
0x84: {  	_ =	shalt  }
0x85: {  	_ =	shalt  }
0x86: {  	_ =	shalt  }
0x87: {  	_ =	shalt  }
.Lfunc_end0:
.L_simem_size_0:
called_computation.2_lowered:
.L_overlay_start_0:
0x88: {  	s2 =	sld [smem:$0x3FD9]  }
0x89: {  	s3 =	sld [smem:$0x3FFE];
	_ =	sdelay $0x1  }
0x8a: {  	s1 =	srdreg.scid  }
0x8b: {  	s0 =	sand.u32 $0x1, s1  }
0x8c: {  	s17 =	sshll.u32 s0, $0xA;
	s2 =	sadd.s32 s3, s2  }
0x8d: {  	s2 =	sadd.s32 s2, s17  }
0x8e: {  	[smem:$0x3FB0] =	sst s2  }
0x8f: {  	_ = 	snop  }
0x90: {  	(tm) =	ssettm $0x1  }
0x91: {  	s18 =	sld [smem:$0x3FFB];
	_ =	sdelay $0x3  }
0x92: {  	_ =	strace s18  }
0x93: {  	s2 =	sld [smem:$0x3FFC];
	_ =	sdelay $0x3  }
0x94: {  	_ =	strace s2  }
0x95: {  	s2 =	sld [smem:$0x3FFD];
	_ =	sdelay $0x3  }
0x96: {  	_ =	strace s2  }
0x97: {  	_ =	strace $0x8FFFFFFF  }
0x98: {  	s19 =	sld [smem:$0x3FDB];
	_ =	sdelay $0x1  }
0x99: {  	s20 =	simm.s32 $_scs_section_size  }
0x9a: {  	s4 =	simm.s32 $_size__tile_overlayer_lowered;
	s5 =	simm.s32 $_tile_overlayer_lowered  }
0x9b: {  	s6 =	simm.s32 $0x1BFF;
	s21 =	sshll.u32 s5, $0x1;
	s3 =	sadd.s32 s20, s19  }
0x9c: {  	s22 =	simm.s32 $0x0;
	s4 =	sshll.u32 s4, $0x1;
	s5 =	sadd.s32 s21, s3  }
0x9d: {  	[timem:s22], [sflag:s6] =	dma.local [hbm:s5], s4  }
0x9e: {  	_ =	swait.ge [sflag:s6], s4  }
0x9f: {  	s4 =	ssub.s32 $0x0, s4;
	[sflag:s6] =	ssyncset.done $0x0  }
0xa0: {  	[sflag:s6] =	ssyncadd.s32 s4;
	_ =	sdelay $0x1  }
0xa1: {  	s23 =	simm.s32 $0x1B8B  }
0xa2: {  	_ =	swait.ge [sflag:s23], $0x1  }
0xa3: {  	[sflag:s23] =	ssyncset.done $0x0  }
0xa4: {  	[sflag:s23] =	ssyncadd.s32 $0xFFFFFFFF  }
0xa5: {  	s4 =	sld [smem:$0x0]  }
0xa6: {  	s5 =	sand.u32 $0xFFFFFFFE, s1  }
0xa7: {  	p0 =	sne.s32 s1, s5  }
0xa8: {  	s5 =	sshll.u32 @p0 s5, $0xE  }
0xa9: {  	s5 =	sadd.s32 @p0 $0x11B8D, s5;
	s6 =	sshll.u32 @p0 s4, $0x11  }
0xaa: {  	s5 =	sor.u32 @p0 s6, s5  }
0xab: {  	[sflag:s5] =	ssyncadd.remote.s32 @p0 $0x1;
	_ =	sdelay $0x1  }
0xac: {  	s5 =	simm.s32 @p0 $0x1B8D  }
0xad: {  	_ =	swait.eq @p0 [sflag:s5], $0x1  }
0xae: {  	[sflag:s5] =	ssyncadd.s32 @p0 $0xFFFFFFFF  }
0xaf: {  	s6 =	sshll.u32 @!p0 s1, $0xE  }
0xb0: {  	s6 =	sor.u32 @!p0 $0x4000, s6;
	s5 =	simm.s32 @!p0 $0x1B8D  }
0xb1: {  	s4 =	sshll.u32 @!p0 s4, $0x11;
	s6 =	sadd.s32 @!p0 $0x11B8D, s6;
	_ =	swait.eq @!p0 [sflag:s5], $0x1  }
0xb2: {  	s4 =	sor.u32 @!p0 s4, s6;
	[sflag:s5] =	ssyncadd.s32 @!p0 $0xFFFFFFFF  }
0xb3: {  	s25 =	simm.s32 $0x1B8E;
	s24 =	sld [smem:$0x3FFE];
	[sflag:s4] =	ssyncadd.remote.s32 @!p0 $0x1  }
0xb4: {  	s26 =	simm.s32 $execute0_lowered;
	[smem:$0x3FD2] =	sst s25  }
0xb5: {  	s5 =	sshll.u32 s26, $0x1;
	_ =	strace $0x8000004C;
	[dreg:$0x1] =	wrdreg $0xFFFFFFFF  }
0xb6: {  	s28 =	simm.s32 $_size_execute0_lowered;
	s3 =	sadd.s32 s3, s5;
	[dreg:$0x0] =	wrdreg $0x0  }
0xb7: {  	s5 =	sshll.u32 s28, $0x1;
	[dreg:$0x2] =	wrdreg s3  }
0xb8: {  	[dreg:$0x3] =	wrdreg s5  }
0xb9: {  	[dreg:$0x4] =	wrdreg $0xC0  }
0xba: {  	_ =	task [dreg:s22], $0x5FFFF  }
0xbb: {  	[dreg:$0x1] =	wrdreg $0xFFFFFFFF  }
0xbc: {  	[dreg:$0x0] =	wrdreg $0x60  }
0xbd: {  	[dreg:$0x2] =	wrdreg s24  }
0xbe: {  	[dreg:$0x3] =	wrdreg $0x80000  }
0xbf: {  	[dreg:$0x4] =	wrdreg $0xA  }
0xc0: {  	_ =	task.clear_ibuf [dreg:s22], $0x5FFFF;
	_ =	strace $0x9000004C  }
0xc1: {  	s29 =	simm.s32 $0xA;
	_ =	strace $0x8000004E  }
0xc2: {  	_ =	swait.ge [sflag:s29], $0x1  }
0xc3: {  	[sflag:s29] =	ssyncadd.s32 $0xFFFFFFFF  }
0xc4: {  	_ =	strace $0x9000004E  }
0xc5: {  	_ =	sfence  }
0xc6: {  	s30 =	sld [smem:$0x0];
	_ =	sdelay $0x2  }
0xc7: {  	s31 =	sshll.u32 s1, $0xD;
	s1 =	sshrl.u32 s1, $0x2  }
0xc8: {  	s4 =	sand.u32 $0x4000, s31;
	s1 =	sadd.s32 s1, s30  }
0xc9: {  	s0 =	sor.u32 s4, s0;
	s1 =	sshll.u32 s1, $0x11  }
0xca: {  	s0 =	sor.u32 s1, s0  }
0xcb: {  	s0 =	sadd.s32 $0x8F2B, s0  }
0xcc: {  	[sflag:s0] =	ssyncadd.remote.s32 $0x1  }
0xcd: {  	_ =	sfence.sel $0xFFFF  }
0xce: {  	[dreg:$0x0] =	wrdreg $0xFFFFFFFF;
	(pc) =	sbr.abs _section_cstart, $3  }
0xcf: {  	[dreg:$0x1] =	wrdreg $0xFFFFFFFF  }
0xd0: {  	_ =	task.clear_ibuf [dreg:s22], $0x2FFFF;
	_ =	strace $0x9FFFFFFF  }
0xd1: {  	(tm) =	ssettm $0x7FFFFFFF  }
tec
execute0_lowered:
.L_overlay_start_1:
0x0: {  	(tag) =	ssettag $0x1  }
0x1: {  	s7 =	rddreg [dreg:$0x0]  }
0x2: {  	s2 =	rddreg [dreg:$0x1]  }
0x3: {  	s4 =	srdreg.scid;
	s1 =	stileid.u32;
	s3 =	simm.s32 $0x0  }
0x4: {  	s21 =	simm.s32 $0x2;
	s22 =	simm.s32 $0x1C00;
	s23 =	simm.s32 $0x50  }
0x5: {  	s24 =	simm.s32 $0x3800;
	s25 =	simm.s32 $0x1;
	s8 =	smul.u32 $0x2800, s1  }
0x6: {  	s12 =	sand.u32 $0x1, s4;
	[smem:$0x7FF] =	sst s3;
	s10 =	smul.u32 $0x50000, s1  }
0x7: {  	s4 =	sadd.s32 $0x55400, s7;
	s5 =	sadd.s32 $0xC8400, s7;
	s20 =	smul.u32 $0x8C00, s1  }
0x8: {  	s6 =	sadd.s32 $0xA5400, s7;
	s9 =	smul.u32 $0x28000, s12;
	s30 =	ssub.s32 $0x2, s12  }
0x9: {  	_ =	strace $0x8000004D;
	s17 =	smul.u32 $0x8C000, s12;
	s31 =	sshrl.u32 s30, $0x1  }
0xa: {  	s10 =	sshrl.u32 s10, $0x2;
	s8 =	sadd.s32 s8, s9;
	s19 =	ssub.s32 s30, s31  }
0xb: {  	s17 =	sadd.s32 s20, s17;
	s18 =	sadd.s32 s8, s7;
	s7 =	sadd.s32 s10, s2  }
0xc: {  	s20 =	simm.s32 $0x6000;
	s19 =	smax.u32 s19, $0x1;
	s8 =	sadd.s32 $0x2000, s7  }
0xd: {  	s9 =	sadd.s32 $0x4000, s7;
	s10 =	sadd.s32 $0x6000, s7;
	s11 =	sadd.s32 $0x8000, s7  }
0xe: {  	s12 =	sadd.s32 $0xA000, s7;
	s13 =	sadd.s32 $0xC000, s7;
	s14 =	sadd.s32 $0xE000, s7  }
0xf: {  	v0 =	vimm.f32 $0.0e+00;
	s15 =	sadd.s32 $0x10000, s7;
	s16 =	sadd.s32 $0x12000, s7;
	s18 =	sadd.s32 $0x4400, s18  }
.LBB2_1:
0x10: {  	s26 =	simm.s32 $0x0;
	s28 =	simm.s32 $0x200  }
.LBB2_2:
0x11: {  	p0 =	sne.s32 s28, $0x7E00;
	[tilespmem:s26+$0x6070] =	vst v0  }
0x12: {  	[tilespmem:s26+$0x6000] =	vst v0  }
0x13: {  	[tilespmem:s26+$0x6010] =	vst v0  }
.Ltmp0:
0x14: {  	[tilespmem:s26+$0x6020] =	vst v0;
	(pc) =	sbr.rel @p0 .LBB2_2-.Ltmp0, $4  }
0x15: {  	[tilespmem:s26+$0x6030] =	vst v0  }
0x16: {  	[tilespmem:s26+$0x6040] =	vst v0  }
0x17: {  	[tilespmem:s26+$0x6050] =	vst v0  }
0x18: {  	[tilespmem:s26+$0x6060] =	vst v0;
	s26 =	sshra.s32 s28, $0x2;
	s28 =	sadd.s32 $0x200, s28  }
0x19: {  	[tilespmem:s26+$0x6070] =	vst v0  }
0x1a: {  	[tilespmem:s26+$0x6000] =	vst v0  }
0x1b: {  	[tilespmem:s26+$0x6010] =	vst v0  }
0x1c: {  	[tilespmem:s26+$0x6020] =	vst v0  }
0x1d: {  	[tilespmem:s26+$0x6030] =	vst v0  }
0x1e: {  	[tilespmem:s26+$0x6040] =	vst v0  }
0x1f: {  	[tilespmem:s26+$0x6050] =	vst v0  }
0x20: {  	[tilespmem:s26+$0x6060] =	vst v0  }
0x21: {  	[spmem:s7] =	stream.linear.scatter [tilespmem:s20], [sflag:$0x2], $0x2000, $0x38;
	[tilespmem:$0x1C000] =	vst v63  }
0x22: {  	_ =	swait.ge [sflag:s21], $0x2000  }
0x23: {  	[sflag:s21] =	ssyncset.done $0x0  }
0x24: {  	[sflag:s21] =	ssyncadd.s32 $0xFFFFE000  }
0x25: {  	[spmem:s8] =	stream.linear.scatter [tilespmem:s20], [sflag:$0x2], $0x2000, $0x38;
	[tilespmem:$0x1C000] =	vst v63  }
0x26: {  	_ =	swait.ge [sflag:s21], $0x2000  }
0x27: {  	[sflag:s21] =	ssyncset.done $0x0  }
0x28: {  	[sflag:s21] =	ssyncadd.s32 $0xFFFFE000  }
0x29: {  	[spmem:s9] =	stream.linear.scatter [tilespmem:s20], [sflag:$0x2], $0x2000, $0x38;
	[tilespmem:$0x1C000] =	vst v63  }
0x2a: {  	_ =	swait.ge [sflag:s21], $0x2000  }
0x2b: {  	[sflag:s21] =	ssyncset.done $0x0  }
0x2c: {  	[sflag:s21] =	ssyncadd.s32 $0xFFFFE000  }
0x2d: {  	[spmem:s10] =	stream.linear.scatter [tilespmem:s20], [sflag:$0x2], $0x2000, $0x38;
	[tilespmem:$0x1C000] =	vst v63  }
0x2e: {  	_ =	swait.ge [sflag:s21], $0x2000  }
0x2f: {  	[sflag:s21] =	ssyncset.done $0x0  }
0x30: {  	[sflag:s21] =	ssyncadd.s32 $0xFFFFE000  }
0x31: {  	[spmem:s11] =	stream.linear.scatter [tilespmem:s20], [sflag:$0x2], $0x2000, $0x38;
	[tilespmem:$0x1C000] =	vst v63  }
0x32: {  	_ =	swait.ge [sflag:s21], $0x2000  }
0x33: {  	[sflag:s21] =	ssyncset.done $0x0  }
0x34: {  	[sflag:s21] =	ssyncadd.s32 $0xFFFFE000  }
0x35: {  	[spmem:s12] =	stream.linear.scatter [tilespmem:s20], [sflag:$0x2], $0x2000, $0x38;
	[tilespmem:$0x1C000] =	vst v63  }
0x36: {  	_ =	swait.ge [sflag:s21], $0x2000  }
0x37: {  	[sflag:s21] =	ssyncset.done $0x0  }
0x38: {  	[sflag:s21] =	ssyncadd.s32 $0xFFFFE000  }
0x39: {  	[spmem:s13] =	stream.linear.scatter [tilespmem:s20], [sflag:$0x2], $0x2000, $0x38;
	[tilespmem:$0x1C000] =	vst v63  }
0x3a: {  	_ =	swait.ge [sflag:s21], $0x2000  }
0x3b: {  	[sflag:s21] =	ssyncset.done $0x0  }
0x3c: {  	[sflag:s21] =	ssyncadd.s32 $0xFFFFE000  }
0x3d: {  	[spmem:s14] =	stream.linear.scatter [tilespmem:s20], [sflag:$0x2], $0x2000, $0x38;
	[tilespmem:$0x1C000] =	vst v63  }
0x3e: {  	_ =	swait.ge [sflag:s21], $0x2000  }
0x3f: {  	[sflag:s21] =	ssyncset.done $0x0  }
0x40: {  	[sflag:s21] =	ssyncadd.s32 $0xFFFFE000  }
0x41: {  	[spmem:s15] =	stream.linear.scatter [tilespmem:s20], [sflag:$0x2], $0x2000, $0x38;
	[tilespmem:$0x1C000] =	vst v63  }
0x42: {  	_ =	swait.ge [sflag:s21], $0x2000  }
0x43: {  	[sflag:s21] =	ssyncset.done $0x0  }
0x44: {  	[sflag:s21] =	ssyncadd.s32 $0xFFFFE000  }
0x45: {  	[spmem:s16] =	stream.linear.scatter [tilespmem:s20], [sflag:$0x2], $0x2000, $0x38;
	[tilespmem:$0x1C000] =	vst v63  }
0x46: {  	_ =	swait.ge [sflag:s21], $0x2000  }
0x47: {  	[sflag:s21] =	ssyncset.done $0x0  }
0x48: {  	[sflag:s21] =	ssyncadd.s32 $0xFFFFE000  }
0x49: {  	s26 =	simm.s32 $0x0;
	s28 =	simm.s32 $0x0;
	[bflag:$0x0] =	sbarrier.arrive $0xFFFF  }
.LBB2_4:
0x4a: {  	s29 =	smul.u32 $0x1C00, s28;
	_ =	sdelay $0x1  }
0x4b: {  	s29 =	sadd.s32 s29, s17  }
0x4c: {  	s29 =	sshrl.u32 s29, $0x3  }
0x4d: {  	s30 =	sadd.s32 s5, s29  }
0x4e: {  	[tilespmem:s26], [sflag:$0x2] =	stream.linear.gather [hbm4b:s30+s26], $0x1900, $0x38;
	[tilespmem:$0x1C000] =	vst v63  }
0x4f: {  	_ =	swait.ge [sflag:s21], $0x1900  }
0x50: {  	[sflag:s21] =	ssyncset.done $0x0  }
0x51: {  	s29 =	sadd.s32 s6, s29;
	[sflag:s21] =	ssyncadd.s32 $0xFFFFE700  }
0x52: {  	[tilespmem:s22], [sflag:$0x2] =	stream.linear.gather [hbm4b:s29+s26], $0x1900, $0x38;
	[tilespmem:$0x1C000] =	vst v63  }
0x53: {  	_ =	swait.ge [sflag:s21], $0x1900  }
0x54: {  	[sflag:s21] =	ssyncset.done $0x0  }
0x55: {  	s29 =	simm.s32 $0x0;
	[sflag:s21] =	ssyncadd.s32 $0xFFFFE700  }
0x56: {  	[tilespmem:s24], [sflag:$0x1] =	stream.indirect.gather [hbm4b:s4+s23], $0x80, s29, s23, $0xb8;
	[tilespmem:$0x1C000] =	vst v63  }
0x57: {  	_ =	swait.ge [sflag:s25], $0x2800  }
0x58: {  	[sflag:s25] =	ssyncset.done $0x0  }
0x59: {  	s29 =	simm.s32 $0x1C00;
	[sflag:s25] =	ssyncadd.s32 $0xFFFFD800  }
0x5a: {  	[spmem:s2] =	stream.indirect.scatter.add.f32 [tilespmem:s24], [sflag:$0x2], $0x80, s29, s23, $0xb8;
	[tilespmem:$0x1C000] =	vst v63  }
0x5b: {  	_ =	swait.ge [sflag:s21], $0x2800  }
0x5c: {  	s30 =	simm.s32 $0x400;
	s29 =	simm.s32 $0x200;
	[sflag:s21] =	ssyncset.done $0x0  }
.LBB2_5:
0x5d: {  	s31 =	sshra.s32 s29, $0x2  }
0x5e: {  	[sflag:s21] =	ssyncadd.s32 $0xFFFFD800;
	s29 =	smov.u32 s30;
	s0 =	sadd.s32 $0x200, s30  }
0x5f: {  	[tilespmem:s24], [sflag:$0x1] =	stream.indirect.gather [hbm4b:s4+s23], $0x80, s31, s23, $0xb8;
	[tilespmem:$0x1C000] =	vst v63  }
0x60: {  	p0 =	sne.s32 s30, $0x6200;
	_ =	swait.ge [sflag:s25], $0x2800  }
.Ltmp1:
0x61: {  	[sflag:s25] =	ssyncset.done $0x0;
	(pc) =	sbr.rel @p0 .LBB2_5-.Ltmp1, $4  }
0x62: {  	s30 =	sadd.s32 $0x1C00, s31;
	[sflag:s25] =	ssyncadd.s32 $0xFFFFD800  }
0x63: {  	[spmem:s2] =	stream.indirect.scatter.add.f32 [tilespmem:s24], [sflag:$0x2], $0x80, s30, s23, $0xb8;
	[tilespmem:$0x1C000] =	vst v63  }
0x64: {  	_ =	swait.ge [sflag:s21], $0x2800  }
0x65: {  	s30 =	smov.u32 s0;
	[sflag:s21] =	ssyncset.done $0x0  }
0x66: {  	s0 =	sshra.s32 s29, $0x2;
	[sflag:s21] =	ssyncadd.s32 $0xFFFFD800  }
0x67: {  	[tilespmem:s24], [sflag:$0x1] =	stream.indirect.gather [hbm4b:s4+s23], $0x80, s0, s23, $0xb8;
	[tilespmem:$0x1C000] =	vst v63  }
0x68: {  	s28 =	sadd.s32 $0x1, s28;
	_ =	swait.ge [sflag:s25], $0x2800  }
0x69: {  	p0 =	sne.s32 s28, $0x5;
	[sflag:s25] =	ssyncset.done $0x0  }
.Ltmp2:
0x6a: {  	s0 =	sadd.s32 $0x1C00, s0;
	[sflag:s25] =	ssyncadd.s32 $0xFFFFD800;
	(pc) =	sbr.rel @p0 .LBB2_4-.Ltmp2, $4  }
0x6b: {  	[spmem:s2] =	stream.indirect.scatter.add.f32 [tilespmem:s24], [sflag:$0x2], $0x80, s0, s23, $0xb8;
	[tilespmem:$0x1C000] =	vst v63  }
0x6c: {  	_ =	swait.ge [sflag:s21], $0x2800  }
0x6d: {  	[sflag:s21] =	ssyncset.done $0x0  }
0x6e: {  	[sflag:s21] =	ssyncadd.s32 $0xFFFFD800  }
0x6f: {  	s3 =	sadd.s32 $0x1, s3  }
0x70: {  	s0 =	sshll.u32 s1, $0x6;
	[bflag:$0x0] =	sbarrier.arrive $0xFFFF;
	p0 =	sne.s32 s3, s19  }
.Ltmp3:
0x71: {  	s26 =	sshrl.u32 s7, $0x3;
	s0 =	sor.u32 $0x1C02, s0;
	(pc) =	sbr.rel @p0 .LBB2_1-.Ltmp3, $4  }
0x72: {  	[hbm:s18], [sflag:s0] =	dma.local [spmem:s26], $0x2800  }
0x73: {  	_ =	swait.ge [sflag:s21], $0x2800  }
0x74: {  	[sflag:s21] =	ssyncset.done $0x0  }
0x75: {  	[sflag:s21] =	ssyncadd.s32 $0xFFFFD800  }
0x76: {  	_ =	sfence.sel $0x180000  }
0x77: {  	[bflag:$0x0] =	sbarrier.arrive $0xFFFF  }
0x78: {  	_ =	strace $0x9000004D  }
0x79: {  	[bflag:$0x2] =	sbarrier.arrive $0xFFFF  }
0x7a: {  	p0 =	sne.s32 s1, $0x0;
	s0 =	rddreg [dreg:$0x2]  }
0x7b: {  	s0 =	sadd.s32 @!p0 $0x100000, s0  }
0x7c: {  	[sflag:s0] =	ssyncadd.tile.s32 @!p0 $0x1;
	_ =	shalt  }
.Lfunc_end2:
_tile_overlayer_lowered:
.L_overlay_start_2:
0x7d: {  	(tag) =	ssettag $0x2  }
0x7e: {  	s0 =	rddreg [dreg:$0x0];
	s2 =	stileid.u32  }
0x7f: {  	s1 =	rddreg [dreg:$0x1];
	p0 =	sne.s32 s2, $0x0  }
0x80: {  	s3 =	rddreg [dreg:$0x2];
	[bflag:$0x3] =	sbarrier.arrive $0xFFFF;
	s2 =	simm.s32 @!p0 $0x1C02  }
0x81: {  	[timem:s3], [sflag:s2] =	dma.local @!p0 [hbm:s0], s1  }
0x82: {  	s0 =	simm.s32 @!p0 $0x2  }
0x83: {  	_ =	swait.ge @!p0 [sflag:s0], s1  }
0x84: {  	s1 =	ssub.s32 @!p0 $0x0, s1;
	[sflag:s0] =	ssyncset.done @!p0 $0x0  }
0x85: {  	[sflag:s0] =	ssyncadd.s32 @!p0 s1  }
0x86: {  	[bflag:$0x3] =	sbarrier.arrive $0xFFFF  }
0x87: {  	_ =	shalt  }

// kernel: kernel.17.cloned.1.call-start
scs
__scs_entry_jumppad:
0x0: {  	(pc) =	sbr.rel $0x88, $3  }
0x1: {  	(tag) =	ssettag $0x0;
	lr =	simm.s32 $0x1  }
0x2: {  	[smem:$0x3F89] =	sst lr;
	_ =	strace $0xD0000000  }
0x3: {  	_ = 	snop  }
0x4: {  	_ = 	snop  }
0x5: {  	_ = 	snop  }
0x6: {  	_ = 	snop  }
0x7: {  	_ = 	snop  }
__scs_overlays_trampoline_lowered:
0x8: {  	[smem:$0x3F98] =	sst s0  }
0x9: {  	[smem:$0x3F99] =	sst s1  }
0xa: {  	[smem:$0x3F9A] =	sst s2  }
0xb: {  	[smem:$0x3F9B] =	sst s3  }
0xc: {  	[smem:$0x3F9C] =	sst s4  }
0xd: {  	[smem:$0x3F9D] =	sst s5  }
0xe: {  	[smem:$0x3F9E] =	sst s6  }
0xf: {  	[smem:$0x3F9F] =	sst s7  }
0x10: {  	[smem:$0x3FA0] =	sst s8  }
0x11: {  	[smem:$0x3FA1] =	sst s9;
	s0 =	simm.s32 @!p0 $0x0  }
0x12: {  	s1 =	sld [smem:$0x3F87];
	s0 =	simm.s32 @p0 $0x1  }
0x13: {  	[smem:$0x3FA2] =	sst s0;
	s0 =	simm.s32 @!p1 $0x0  }
0x14: {  	s2 =	sld [smem:$0x3F86];
	s0 =	simm.s32 @p1 $0x1  }
0x15: {  	[smem:$0x3FA3] =	sst s0;
	s0 =	simm.s32 @!p2 $0x0  }
0x16: {  	s3 =	sld [smem:$0x3FDB];
	s0 =	simm.s32 @p2 $0x1  }
0x17: {  	s4 =	simm.s32 $0x1BF5;
	[smem:$0x3FA5] =	sst s0  }
0x18: {  	s0 =	sld [smem:$0x3F88];
	_ =	swait.ge [sflag:s4], $0x0  }
0x19: {  	s7 =	sld [smem:$0x3F89]  }
0x1a: {  	s8 =	sadd.s32 $0xFFFFE003, lr  }
0x1b: {  	s9 =	sadd.s32 $0xFFFFFEF7, lr;
	s5 =	simm.s32 $0xFFFFFFFF;
	p2 =	slt.u32 s8, $0xFFFFF086  }
0x1c: {  	p1 =	slt.u32 s9, $0xF7A;
	s5 =	simm.s32 @!p2 $0x0  }
0x1d: {  	s5 =	simm.s32 @p1 $0x1;
	p0 =	seq.s32 s7, s2  }
0x1e: {  	s7 =	smul.u32 @!p0 $0xF7A, s2;
	p2 =	seq.s32 @!p0 s5, $0x0  }
0x1f: {  	s9 =	smul.u32 $0xF7A, s1;
	s8 =	simm.s32 @!p0 $0x1BF5;
	p2 =	por !p2, p0  }
0x20: {  	[sflag:s8] =	ssyncset.s32 @!p0 $0xFFFFF086;
	s6 =	sadd.s32 @!p0 s3, s7;
	s7 =	simm.s32 @!p0 $0x108  }
0x21: {  	s3 =	sadd.s32 s3, s9;
	s6 =	sadd.s32 @!p0 $0x88, s6;
	s7 =	simm.s32 @p2 $0x1082  }
0x22: {  	[simem:s7], [sflag:s8] =	dma.local @!p0 [hbm:s6], $0xF7A  }
0x23: {  	s9 =	sor.u32 $0xD0000000, s2;
	s6 =	simm.s32 $0x108;
	_ =	swait.ge @!p0 [sflag:s8], $0x0  }
0x24: {  	s3 =	sadd.s32 $0x88, s3;
	s6 =	simm.s32 @!p1 $0x1082;
	[sflag:s4] =	ssyncset.s32 $0xFFFFF086  }
0x25: {  	[simem:s6], [sflag:s4] =	dma.local [hbm:s3], $0xF7A  }
0x26: {  	[smem:$0x3F89] =	sst s1;
	(tag) =	ssettag s2;
	_ =	strace s9  }
0x27: {  	s1 =	sld [smem:$0x3F99]  }
0x28: {  	s2 =	sld [smem:$0x3F9A]  }
0x29: {  	s4 =	sld [smem:$0x3F9C]  }
0x2a: {  	p0 =	seq.s32 s5, $0x0;
	s5 =	sld [smem:$0x3F9D]  }
0x2b: {  	s6 =	sld [smem:$0x3F9E]  }
0x2c: {  	s7 =	sld [smem:$0x3F9F]  }
0x2d: {  	s3 =	simm.s32 $0x108;
	s8 =	sld [smem:$0x3FA0]  }
0x2e: {  	s3 =	simm.s32 @!p0 $0x1082;
	s9 =	sld [smem:$0x3FA1]  }
0x2f: {  	lr =	sadd.s32 s0, s3;
	s0 =	sld [smem:$0x3F98]  }
0x30: {  	s3 =	sld [smem:$0x3F9B]  }
0x31: {  	[smem:$0x3FA4] =	sst s10  }
0x32: {  	s10 =	sld [smem:$0x3FA2];
	_ =	sdelay $0x3  }
0x33: {  	p0 =	seq.s32 s10, $0x1;
	s10 =	sld [smem:$0x3FA4];
	_ =	sdelay $0x3  }
0x34: {  	[smem:$0x3FA4] =	sst s10  }
0x35: {  	s10 =	sld [smem:$0x3FA3];
	_ =	sdelay $0x3  }
0x36: {  	p1 =	seq.s32 s10, $0x1;
	s10 =	sld [smem:$0x3FA4];
	_ =	sdelay $0x3  }
0x37: {  	[smem:$0x3FA4] =	sst s10  }
0x38: {  	s10 =	sld [smem:$0x3FA5]  }
0x39: {  	_ = 	snop;
	(pc) =	sbr.ind lr, $3  }
0x3a: {  	_ = 	snop  }
0x3b: {  	_ = 	snop  }
0x3c: {  	p2 =	seq.s32 s10, $0x1;
	s10 =	sld [smem:$0x3FA4]  }
0x3d: {  	_ =	shalt  }
0x3e: {  	_ =	shalt  }
0x3f: {  	_ =	shalt  }
0x40: {  	_ =	shalt  }
0x41: {  	_ =	shalt  }
0x42: {  	_ =	shalt  }
0x43: {  	_ =	shalt  }
0x44: {  	_ =	shalt  }
0x45: {  	_ =	shalt  }
0x46: {  	_ =	shalt  }
0x47: {  	_ =	shalt  }
0x48: {  	_ =	shalt  }
0x49: {  	_ =	shalt  }
0x4a: {  	_ =	shalt  }
0x4b: {  	_ =	shalt  }
0x4c: {  	_ =	shalt  }
0x4d: {  	_ =	shalt  }
0x4e: {  	_ =	shalt  }
0x4f: {  	_ =	shalt  }
0x50: {  	_ =	shalt  }
0x51: {  	_ =	shalt  }
0x52: {  	_ =	shalt  }
0x53: {  	_ =	shalt  }
0x54: {  	_ =	shalt  }
0x55: {  	_ =	shalt  }
0x56: {  	_ =	shalt  }
0x57: {  	_ =	shalt  }
0x58: {  	_ =	shalt  }
0x59: {  	_ =	shalt  }
0x5a: {  	_ =	shalt  }
0x5b: {  	_ =	shalt  }
0x5c: {  	_ =	shalt  }
0x5d: {  	_ =	shalt  }
0x5e: {  	_ =	shalt  }
0x5f: {  	_ =	shalt  }
0x60: {  	_ =	shalt  }
0x61: {  	_ =	shalt  }
0x62: {  	_ =	shalt  }
0x63: {  	_ =	shalt  }
0x64: {  	_ =	shalt  }
0x65: {  	_ =	shalt  }
0x66: {  	_ =	shalt  }
0x67: {  	_ =	shalt  }
0x68: {  	_ =	shalt  }
0x69: {  	_ =	shalt  }
0x6a: {  	_ =	shalt  }
0x6b: {  	_ =	shalt  }
0x6c: {  	_ =	shalt  }
0x6d: {  	_ =	shalt  }
0x6e: {  	_ =	shalt  }
0x6f: {  	_ =	shalt  }
0x70: {  	_ =	shalt  }
0x71: {  	_ =	shalt  }
0x72: {  	_ =	shalt  }
0x73: {  	_ =	shalt  }
0x74: {  	_ =	shalt  }
0x75: {  	_ =	shalt  }
0x76: {  	_ =	shalt  }
0x77: {  	_ =	shalt  }
0x78: {  	_ =	shalt  }
0x79: {  	_ =	shalt  }
0x7a: {  	_ =	shalt  }
0x7b: {  	_ =	shalt  }
0x7c: {  	_ =	shalt  }
0x7d: {  	_ =	shalt  }
0x7e: {  	_ =	shalt  }
0x7f: {  	_ =	shalt  }
0x80: {  	_ =	shalt  }
0x81: {  	_ =	shalt  }
0x82: {  	_ =	shalt  }
0x83: {  	_ =	shalt  }
0x84: {  	_ =	shalt  }
0x85: {  	_ =	shalt  }
0x86: {  	_ =	shalt  }
0x87: {  	_ =	shalt  }
.Lfunc_end0:
.L_simem_size_0:
called_computation.3_lowered:
.L_overlay_start_0:
0x88: {  	s2 =	sld [smem:$0x3FD9]  }
0x89: {  	s3 =	sld [smem:$0x3FFE];
	_ =	sdelay $0x1  }
0x8a: {  	s1 =	srdreg.scid  }
0x8b: {  	s0 =	sand.u32 $0x1, s1  }
0x8c: {  	s16 =	sshll.u32 s0, $0xA;
	s2 =	sadd.s32 s3, s2  }
0x8d: {  	s2 =	sadd.s32 s2, s16  }
0x8e: {  	[smem:$0x3FB0] =	sst s2  }
0x8f: {  	_ = 	snop  }
0x90: {  	(tm) =	ssettm $0x1  }
0x91: {  	s17 =	sld [smem:$0x3FFB];
	_ =	sdelay $0x3  }
0x92: {  	_ =	strace s17  }
0x93: {  	s2 =	sld [smem:$0x3FFC];
	_ =	sdelay $0x3  }
0x94: {  	_ =	strace s2  }
0x95: {  	s2 =	sld [smem:$0x3FFD];
	_ =	sdelay $0x3  }
0x96: {  	_ =	strace s2  }
0x97: {  	_ =	strace $0x8FFFFFFF  }
0x98: {  	s18 =	sld [smem:$0x3FDB];
	_ =	sdelay $0x1  }
0x99: {  	s19 =	simm.s32 $_scs_section_size  }
0x9a: {  	s4 =	simm.s32 $_size__tile_overlayer_lowered;
	s5 =	simm.s32 $_tile_overlayer_lowered  }
0x9b: {  	s22 =	simm.s32 $0x1BFF;
	s21 =	sshll.u32 s5, $0x1;
	s2 =	sadd.s32 s19, s18  }
0x9c: {  	s6 =	simm.s32 $0x0;
	s20 =	sshll.u32 s4, $0x1;
	s4 =	sadd.s32 s21, s2  }
0x9d: {  	[timem:s6], [sflag:s22] =	dma.local [hbm:s4], s20  }
0x9e: {  	_ =	swait.ge [sflag:s22], s20  }
0x9f: {  	s3 =	ssub.s32 $0x0, s20;
	[sflag:s22] =	ssyncset.done $0x0  }
0xa0: {  	[sflag:s22] =	ssyncadd.s32 s3;
	_ =	sdelay $0x1  }
0xa1: {  	s23 =	simm.s32 $0x1B8B  }
0xa2: {  	_ =	swait.ge [sflag:s23], $0x1  }
0xa3: {  	[sflag:s23] =	ssyncset.done $0x0  }
0xa4: {  	s25 =	simm.s32 $0x1B8E;
	s24 =	sld [smem:$0x3FFE];
	[sflag:s23] =	ssyncadd.s32 $0xFFFFFFFF  }
0xa5: {  	s26 =	simm.s32 $execute0_lowered;
	[smem:$0x3FD2] =	sst s25  }
0xa6: {  	s4 =	sshll.u32 s26, $0x1;
	_ =	strace $0x8000004F;
	[dreg:$0x1] =	wrdreg $0xFFFFFFFF  }
0xa7: {  	s28 =	simm.s32 $_size_execute0_lowered;
	s2 =	sadd.s32 s2, s4;
	[dreg:$0x0] =	wrdreg $0x0  }
0xa8: {  	s4 =	sshll.u32 s28, $0x1;
	[dreg:$0x2] =	wrdreg s2  }
0xa9: {  	[dreg:$0x3] =	wrdreg s4  }
0xaa: {  	[dreg:$0x4] =	wrdreg $0xC0  }
0xab: {  	_ =	task [dreg:s6], $0x5FFFF  }
0xac: {  	[dreg:$0x1] =	wrdreg $0xFFFFFFFF  }
0xad: {  	[dreg:$0x0] =	wrdreg $0x60  }
0xae: {  	[dreg:$0x2] =	wrdreg s24  }
0xaf: {  	[dreg:$0x3] =	wrdreg $0x80000  }
0xb0: {  	[dreg:$0x4] =	wrdreg $0x9  }
0xb1: {  	_ =	task.clear_ibuf [dreg:s6], $0x5FFFF;
	_ =	strace $0x9000004F  }
0xb2: {  	s29 =	simm.s32 $0x9;
	_ =	strace $0x80000051  }
0xb3: {  	_ =	swait.ge [sflag:s29], $0x1  }
0xb4: {  	[sflag:s29] =	ssyncadd.s32 $0xFFFFFFFF  }
0xb5: {  	_ =	strace $0x90000051  }
0xb6: {  	_ =	sfence  }
0xb7: {  	s30 =	sld [smem:$0x0];
	_ =	sdelay $0x2  }
0xb8: {  	s31 =	sshll.u32 s1, $0xD;
	s1 =	sshrl.u32 s1, $0x2  }
0xb9: {  	s3 =	sand.u32 $0x4000, s31;
	s1 =	sadd.s32 s1, s30  }
0xba: {  	s0 =	sor.u32 s3, s0;
	s1 =	sshll.u32 s1, $0x11  }
0xbb: {  	s0 =	sor.u32 s1, s0  }
0xbc: {  	s0 =	sadd.s32 $0x8F2B, s0  }
0xbd: {  	[sflag:s0] =	ssyncadd.remote.s32 $0x1  }
0xbe: {  	_ =	sfence.sel $0xFFFF  }
0xbf: {  	[dreg:$0x0] =	wrdreg $0xFFFFFFFF;
	(pc) =	sbr.abs _section_cstart, $3  }
0xc0: {  	[dreg:$0x1] =	wrdreg $0xFFFFFFFF  }
0xc1: {  	_ =	task.clear_ibuf [dreg:s6], $0x2FFFF;
	_ =	strace $0x9FFFFFFF  }
0xc2: {  	(tm) =	ssettm $0x7FFFFFFF  }
0xc3: {  	_ =	shalt  }
tec
execute0_lowered:
.L_overlay_start_1:
0x0: {  	(tag) =	ssettag $0x1  }
0x1: {  	s7 =	rddreg [dreg:$0x0]  }
0x2: {  	s2 =	rddreg [dreg:$0x1]  }
0x3: {  	s4 =	srdreg.scid;
	s1 =	stileid.u32;
	s3 =	simm.s32 $0x0  }
0x4: {  	s21 =	simm.s32 $0x2;
	s22 =	simm.s32 $0x1C00;
	s23 =	simm.s32 $0x50  }
0x5: {  	s24 =	simm.s32 $0x3800;
	s25 =	simm.s32 $0x1;
	s8 =	smul.u32 $0x2800, s1  }
0x6: {  	s12 =	sand.u32 $0x1, s4;
	[smem:$0x7FF] =	sst s3;
	s10 =	smul.u32 $0x50000, s1  }
0x7: {  	s4 =	sadd.s32 $0x4400, s7;
	s5 =	sadd.s32 $0xC8400, s7;
	s20 =	smul.u32 $0x8C00, s1  }
0x8: {  	s6 =	sadd.s32 $0xA5400, s7;
	s9 =	smul.u32 $0x28000, s12;
	s30 =	ssub.s32 $0x2, s12  }
0x9: {  	_ =	strace $0x80000050;
	s17 =	smul.u32 $0x8C000, s12;
	s31 =	sshrl.u32 s30, $0x1  }
0xa: {  	s10 =	sshrl.u32 s10, $0x2;
	s8 =	sadd.s32 s8, s9;
	s19 =	ssub.s32 s30, s31  }
0xb: {  	s17 =	sadd.s32 s20, s17;
	s18 =	sadd.s32 s8, s7;
	s7 =	sadd.s32 s10, s2  }
0xc: {  	s20 =	simm.s32 $0x6000;
	s19 =	smax.u32 s19, $0x1;
	s8 =	sadd.s32 $0x2000, s7  }
0xd: {  	s9 =	sadd.s32 $0x4000, s7;
	s10 =	sadd.s32 $0x6000, s7;
	s11 =	sadd.s32 $0x8000, s7  }
0xe: {  	s12 =	sadd.s32 $0xA000, s7;
	s13 =	sadd.s32 $0xC000, s7;
	s14 =	sadd.s32 $0xE000, s7  }
0xf: {  	v0 =	vimm.f32 $0.0e+00;
	s15 =	sadd.s32 $0x10000, s7;
	s16 =	sadd.s32 $0x12000, s7;
	s18 =	sadd.s32 $0x54400, s18  }
.LBB2_1:
0x10: {  	s26 =	simm.s32 $0x0;
	s28 =	simm.s32 $0x200  }
.LBB2_2:
0x11: {  	p0 =	sne.s32 s28, $0x7E00;
	[tilespmem:s26+$0x6070] =	vst v0  }
0x12: {  	[tilespmem:s26+$0x6000] =	vst v0  }
0x13: {  	[tilespmem:s26+$0x6010] =	vst v0  }
.Ltmp0:
0x14: {  	[tilespmem:s26+$0x6020] =	vst v0;
	(pc) =	sbr.rel @p0 .LBB2_2-.Ltmp0, $4  }
0x15: {  	[tilespmem:s26+$0x6030] =	vst v0  }
0x16: {  	[tilespmem:s26+$0x6040] =	vst v0  }
0x17: {  	[tilespmem:s26+$0x6050] =	vst v0  }
0x18: {  	[tilespmem:s26+$0x6060] =	vst v0;
	s26 =	sshra.s32 s28, $0x2;
	s28 =	sadd.s32 $0x200, s28  }
0x19: {  	[tilespmem:s26+$0x6070] =	vst v0  }
0x1a: {  	[tilespmem:s26+$0x6000] =	vst v0  }
0x1b: {  	[tilespmem:s26+$0x6010] =	vst v0  }
0x1c: {  	[tilespmem:s26+$0x6020] =	vst v0  }
0x1d: {  	[tilespmem:s26+$0x6030] =	vst v0  }
0x1e: {  	[tilespmem:s26+$0x6040] =	vst v0  }
0x1f: {  	[tilespmem:s26+$0x6050] =	vst v0  }
0x20: {  	[tilespmem:s26+$0x6060] =	vst v0  }
0x21: {  	[spmem:s7] =	stream.linear.scatter [tilespmem:s20], [sflag:$0x2], $0x2000, $0x38;
	[tilespmem:$0x1C000] =	vst v63  }
0x22: {  	_ =	swait.ge [sflag:s21], $0x2000  }
0x23: {  	[sflag:s21] =	ssyncset.done $0x0  }
0x24: {  	[sflag:s21] =	ssyncadd.s32 $0xFFFFE000  }
0x25: {  	[spmem:s8] =	stream.linear.scatter [tilespmem:s20], [sflag:$0x2], $0x2000, $0x38;
	[tilespmem:$0x1C000] =	vst v63  }
0x26: {  	_ =	swait.ge [sflag:s21], $0x2000  }
0x27: {  	[sflag:s21] =	ssyncset.done $0x0  }
0x28: {  	[sflag:s21] =	ssyncadd.s32 $0xFFFFE000  }
0x29: {  	[spmem:s9] =	stream.linear.scatter [tilespmem:s20], [sflag:$0x2], $0x2000, $0x38;
	[tilespmem:$0x1C000] =	vst v63  }
0x2a: {  	_ =	swait.ge [sflag:s21], $0x2000  }
0x2b: {  	[sflag:s21] =	ssyncset.done $0x0  }
0x2c: {  	[sflag:s21] =	ssyncadd.s32 $0xFFFFE000  }
0x2d: {  	[spmem:s10] =	stream.linear.scatter [tilespmem:s20], [sflag:$0x2], $0x2000, $0x38;
	[tilespmem:$0x1C000] =	vst v63  }
0x2e: {  	_ =	swait.ge [sflag:s21], $0x2000  }
0x2f: {  	[sflag:s21] =	ssyncset.done $0x0  }
0x30: {  	[sflag:s21] =	ssyncadd.s32 $0xFFFFE000  }
0x31: {  	[spmem:s11] =	stream.linear.scatter [tilespmem:s20], [sflag:$0x2], $0x2000, $0x38;
	[tilespmem:$0x1C000] =	vst v63  }
0x32: {  	_ =	swait.ge [sflag:s21], $0x2000  }
0x33: {  	[sflag:s21] =	ssyncset.done $0x0  }
0x34: {  	[sflag:s21] =	ssyncadd.s32 $0xFFFFE000  }
0x35: {  	[spmem:s12] =	stream.linear.scatter [tilespmem:s20], [sflag:$0x2], $0x2000, $0x38;
	[tilespmem:$0x1C000] =	vst v63  }
0x36: {  	_ =	swait.ge [sflag:s21], $0x2000  }
0x37: {  	[sflag:s21] =	ssyncset.done $0x0  }
0x38: {  	[sflag:s21] =	ssyncadd.s32 $0xFFFFE000  }
0x39: {  	[spmem:s13] =	stream.linear.scatter [tilespmem:s20], [sflag:$0x2], $0x2000, $0x38;
	[tilespmem:$0x1C000] =	vst v63  }
0x3a: {  	_ =	swait.ge [sflag:s21], $0x2000  }
0x3b: {  	[sflag:s21] =	ssyncset.done $0x0  }
0x3c: {  	[sflag:s21] =	ssyncadd.s32 $0xFFFFE000  }
0x3d: {  	[spmem:s14] =	stream.linear.scatter [tilespmem:s20], [sflag:$0x2], $0x2000, $0x38;
	[tilespmem:$0x1C000] =	vst v63  }
0x3e: {  	_ =	swait.ge [sflag:s21], $0x2000  }
0x3f: {  	[sflag:s21] =	ssyncset.done $0x0  }
0x40: {  	[sflag:s21] =	ssyncadd.s32 $0xFFFFE000  }
0x41: {  	[spmem:s15] =	stream.linear.scatter [tilespmem:s20], [sflag:$0x2], $0x2000, $0x38;
	[tilespmem:$0x1C000] =	vst v63  }
0x42: {  	_ =	swait.ge [sflag:s21], $0x2000  }
0x43: {  	[sflag:s21] =	ssyncset.done $0x0  }
0x44: {  	[sflag:s21] =	ssyncadd.s32 $0xFFFFE000  }
0x45: {  	[spmem:s16] =	stream.linear.scatter [tilespmem:s20], [sflag:$0x2], $0x2000, $0x38;
	[tilespmem:$0x1C000] =	vst v63  }
0x46: {  	_ =	swait.ge [sflag:s21], $0x2000  }
0x47: {  	[sflag:s21] =	ssyncset.done $0x0  }
0x48: {  	[sflag:s21] =	ssyncadd.s32 $0xFFFFE000  }
0x49: {  	s26 =	simm.s32 $0x0;
	s28 =	simm.s32 $0x0;
	[bflag:$0x0] =	sbarrier.arrive $0xFFFF  }
.LBB2_4:
0x4a: {  	s29 =	smul.u32 $0x1C00, s28;
	_ =	sdelay $0x1  }
0x4b: {  	s29 =	sadd.s32 s29, s17  }
0x4c: {  	s29 =	sshrl.u32 s29, $0x3  }
0x4d: {  	s30 =	sadd.s32 s5, s29  }
0x4e: {  	[tilespmem:s26], [sflag:$0x2] =	stream.linear.gather [hbm4b:s30+s26], $0x1900, $0x38;
	[tilespmem:$0x1C000] =	vst v63  }
0x4f: {  	_ =	swait.ge [sflag:s21], $0x1900  }
0x50: {  	[sflag:s21] =	ssyncset.done $0x0  }
0x51: {  	s29 =	sadd.s32 s6, s29;
	[sflag:s21] =	ssyncadd.s32 $0xFFFFE700  }
0x52: {  	[tilespmem:s22], [sflag:$0x2] =	stream.linear.gather [hbm4b:s29+s26], $0x1900, $0x38;
	[tilespmem:$0x1C000] =	vst v63  }
0x53: {  	_ =	swait.ge [sflag:s21], $0x1900  }
0x54: {  	[sflag:s21] =	ssyncset.done $0x0  }
0x55: {  	s29 =	simm.s32 $0x0;
	[sflag:s21] =	ssyncadd.s32 $0xFFFFE700  }
0x56: {  	[tilespmem:s24], [sflag:$0x1] =	stream.indirect.gather [hbm4b:s4+s23], $0x80, s29, s23, $0xb8;
	[tilespmem:$0x1C000] =	vst v63  }
0x57: {  	_ =	swait.ge [sflag:s25], $0x2800  }
0x58: {  	[sflag:s25] =	ssyncset.done $0x0  }
0x59: {  	s29 =	simm.s32 $0x1C00;
	[sflag:s25] =	ssyncadd.s32 $0xFFFFD800  }
0x5a: {  	[spmem:s2] =	stream.indirect.scatter.add.f32 [tilespmem:s24], [sflag:$0x2], $0x80, s29, s23, $0xb8;
	[tilespmem:$0x1C000] =	vst v63  }
0x5b: {  	_ =	swait.ge [sflag:s21], $0x2800  }
0x5c: {  	s30 =	simm.s32 $0x400;
	s29 =	simm.s32 $0x200;
	[sflag:s21] =	ssyncset.done $0x0  }
.LBB2_5:
0x5d: {  	s31 =	sshra.s32 s29, $0x2  }
0x5e: {  	[sflag:s21] =	ssyncadd.s32 $0xFFFFD800;
	s29 =	smov.u32 s30;
	s0 =	sadd.s32 $0x200, s30  }
0x5f: {  	[tilespmem:s24], [sflag:$0x1] =	stream.indirect.gather [hbm4b:s4+s23], $0x80, s31, s23, $0xb8;
	[tilespmem:$0x1C000] =	vst v63  }
0x60: {  	p0 =	sne.s32 s30, $0x6200;
	_ =	swait.ge [sflag:s25], $0x2800  }
.Ltmp1:
0x61: {  	[sflag:s25] =	ssyncset.done $0x0;
	(pc) =	sbr.rel @p0 .LBB2_5-.Ltmp1, $4  }
0x62: {  	s30 =	sadd.s32 $0x1C00, s31;
	[sflag:s25] =	ssyncadd.s32 $0xFFFFD800  }
0x63: {  	[spmem:s2] =	stream.indirect.scatter.add.f32 [tilespmem:s24], [sflag:$0x2], $0x80, s30, s23, $0xb8;
	[tilespmem:$0x1C000] =	vst v63  }
0x64: {  	_ =	swait.ge [sflag:s21], $0x2800  }
0x65: {  	s30 =	smov.u32 s0;
	[sflag:s21] =	ssyncset.done $0x0  }
0x66: {  	s0 =	sshra.s32 s29, $0x2;
	[sflag:s21] =	ssyncadd.s32 $0xFFFFD800  }
0x67: {  	[tilespmem:s24], [sflag:$0x1] =	stream.indirect.gather [hbm4b:s4+s23], $0x80, s0, s23, $0xb8;
	[tilespmem:$0x1C000] =	vst v63  }
0x68: {  	s28 =	sadd.s32 $0x1, s28;
	_ =	swait.ge [sflag:s25], $0x2800  }
0x69: {  	p0 =	sne.s32 s28, $0x5;
	[sflag:s25] =	ssyncset.done $0x0  }
.Ltmp2:
0x6a: {  	s0 =	sadd.s32 $0x1C00, s0;
	[sflag:s25] =	ssyncadd.s32 $0xFFFFD800;
	(pc) =	sbr.rel @p0 .LBB2_4-.Ltmp2, $4  }
0x6b: {  	[spmem:s2] =	stream.indirect.scatter.add.f32 [tilespmem:s24], [sflag:$0x2], $0x80, s0, s23, $0xb8;
	[tilespmem:$0x1C000] =	vst v63  }
0x6c: {  	_ =	swait.ge [sflag:s21], $0x2800  }
0x6d: {  	[sflag:s21] =	ssyncset.done $0x0  }
0x6e: {  	[sflag:s21] =	ssyncadd.s32 $0xFFFFD800  }
0x6f: {  	s3 =	sadd.s32 $0x1, s3  }
0x70: {  	s0 =	sshll.u32 s1, $0x6;
	[bflag:$0x0] =	sbarrier.arrive $0xFFFF;
	p0 =	sne.s32 s3, s19  }
.Ltmp3:
0x71: {  	s26 =	sshrl.u32 s7, $0x3;
	s0 =	sor.u32 $0x1C02, s0;
	(pc) =	sbr.rel @p0 .LBB2_1-.Ltmp3, $4  }
0x72: {  	[hbm:s18], [sflag:s0] =	dma.local [spmem:s26], $0x2800  }
0x73: {  	_ =	swait.ge [sflag:s21], $0x2800  }
0x74: {  	[sflag:s21] =	ssyncset.done $0x0  }
0x75: {  	[sflag:s21] =	ssyncadd.s32 $0xFFFFD800  }
0x76: {  	_ =	sfence.sel $0x180000  }
0x77: {  	[bflag:$0x0] =	sbarrier.arrive $0xFFFF  }
0x78: {  	_ =	strace $0x90000050  }
0x79: {  	[bflag:$0x2] =	sbarrier.arrive $0xFFFF  }
0x7a: {  	p0 =	sne.s32 s1, $0x0;
	s0 =	rddreg [dreg:$0x2]  }
0x7b: {  	s0 =	sadd.s32 @!p0 $0x100000, s0  }
0x7c: {  	[sflag:s0] =	ssyncadd.tile.s32 @!p0 $0x1;
	_ =	shalt  }
.Lfunc_end2:
_tile_overlayer_lowered:
.L_overlay_start_2:
0x7d: {  	(tag) =	ssettag $0x2  }
0x7e: {  	s0 =	rddreg [dreg:$0x0];
	s2 =	stileid.u32  }
0x7f: {  	s1 =	rddreg [dreg:$0x1];
	p0 =	sne.s32 s2, $0x0  }
0x80: {  	s3 =	rddreg [dreg:$0x2];
	[bflag:$0x3] =	sbarrier.arrive $0xFFFF;
	s2 =	simm.s32 @!p0 $0x1C02  }
0x81: {  	[timem:s3], [sflag:s2] =	dma.local @!p0 [hbm:s0], s1  }
0x82: {  	s0 =	simm.s32 @!p0 $0x2  }
0x83: {  	_ =	swait.ge @!p0 [sflag:s0], s1  }
0x84: {  	s1 =	ssub.s32 @!p0 $0x0, s1;
	[sflag:s0] =	ssyncset.done @!p0 $0x0  }
0x85: {  	[sflag:s0] =	ssyncadd.s32 @!p0 s1  }
0x86: {  	[bflag:$0x3] =	sbarrier.arrive $0xFFFF  }
0x87: {  	_ =	shalt  }

// kernel: kernel.8.cloned.1.call-start
scs
__scs_entry_jumppad:
0x0: {  	(pc) =	sbr.rel $0x88, $3  }
0x1: {  	(tag) =	ssettag $0x0;
	lr =	simm.s32 $0x1  }
0x2: {  	[smem:$0x3F89] =	sst lr;
	_ =	strace $0xD0000000  }
0x3: {  	_ = 	snop  }
0x4: {  	_ = 	snop  }
0x5: {  	_ = 	snop  }
0x6: {  	_ = 	snop  }
0x7: {  	_ = 	snop  }
__scs_overlays_trampoline_lowered:
0x8: {  	[smem:$0x3F98] =	sst s0  }
0x9: {  	[smem:$0x3F99] =	sst s1  }
0xa: {  	[smem:$0x3F9A] =	sst s2  }
0xb: {  	[smem:$0x3F9B] =	sst s3  }
0xc: {  	[smem:$0x3F9C] =	sst s4  }
0xd: {  	[smem:$0x3F9D] =	sst s5  }
0xe: {  	[smem:$0x3F9E] =	sst s6  }
0xf: {  	[smem:$0x3F9F] =	sst s7  }
0x10: {  	[smem:$0x3FA0] =	sst s8  }
0x11: {  	[smem:$0x3FA1] =	sst s9;
	s0 =	simm.s32 @!p0 $0x0  }
0x12: {  	s1 =	sld [smem:$0x3F87];
	s0 =	simm.s32 @p0 $0x1  }
0x13: {  	[smem:$0x3FA2] =	sst s0;
	s0 =	simm.s32 @!p1 $0x0  }
0x14: {  	s2 =	sld [smem:$0x3F86];
	s0 =	simm.s32 @p1 $0x1  }
0x15: {  	[smem:$0x3FA3] =	sst s0;
	s0 =	simm.s32 @!p2 $0x0  }
0x16: {  	s3 =	sld [smem:$0x3FDB];
	s0 =	simm.s32 @p2 $0x1  }
0x17: {  	s4 =	simm.s32 $0x1BF5;
	[smem:$0x3FA5] =	sst s0  }
0x18: {  	s0 =	sld [smem:$0x3F88];
	_ =	swait.ge [sflag:s4], $0x0  }
0x19: {  	s7 =	sld [smem:$0x3F89]  }
0x1a: {  	s8 =	sadd.s32 $0xFFFFE003, lr  }
0x1b: {  	s9 =	sadd.s32 $0xFFFFFEF7, lr;
	s5 =	simm.s32 $0xFFFFFFFF;
	p2 =	slt.u32 s8, $0xFFFFF086  }
0x1c: {  	p1 =	slt.u32 s9, $0xF7A;
	s5 =	simm.s32 @!p2 $0x0  }
0x1d: {  	s5 =	simm.s32 @p1 $0x1;
	p0 =	seq.s32 s7, s2  }
0x1e: {  	s7 =	smul.u32 @!p0 $0xF7A, s2;
	p2 =	seq.s32 @!p0 s5, $0x0  }
0x1f: {  	s9 =	smul.u32 $0xF7A, s1;
	s8 =	simm.s32 @!p0 $0x1BF5;
	p2 =	por !p2, p0  }
0x20: {  	[sflag:s8] =	ssyncset.s32 @!p0 $0xFFFFF086;
	s6 =	sadd.s32 @!p0 s3, s7;
	s7 =	simm.s32 @!p0 $0x108  }
0x21: {  	s3 =	sadd.s32 s3, s9;
	s6 =	sadd.s32 @!p0 $0x88, s6;
	s7 =	simm.s32 @p2 $0x1082  }
0x22: {  	[simem:s7], [sflag:s8] =	dma.local @!p0 [hbm:s6], $0xF7A  }
0x23: {  	s9 =	sor.u32 $0xD0000000, s2;
	s6 =	simm.s32 $0x108;
	_ =	swait.ge @!p0 [sflag:s8], $0x0  }
0x24: {  	s3 =	sadd.s32 $0x88, s3;
	s6 =	simm.s32 @!p1 $0x1082;
	[sflag:s4] =	ssyncset.s32 $0xFFFFF086  }
0x25: {  	[simem:s6], [sflag:s4] =	dma.local [hbm:s3], $0xF7A  }
0x26: {  	[smem:$0x3F89] =	sst s1;
	(tag) =	ssettag s2;
	_ =	strace s9  }
0x27: {  	s1 =	sld [smem:$0x3F99]  }
0x28: {  	s2 =	sld [smem:$0x3F9A]  }
0x29: {  	s4 =	sld [smem:$0x3F9C]  }
0x2a: {  	p0 =	seq.s32 s5, $0x0;
	s5 =	sld [smem:$0x3F9D]  }
0x2b: {  	s6 =	sld [smem:$0x3F9E]  }
0x2c: {  	s7 =	sld [smem:$0x3F9F]  }
0x2d: {  	s3 =	simm.s32 $0x108;
	s8 =	sld [smem:$0x3FA0]  }
0x2e: {  	s3 =	simm.s32 @!p0 $0x1082;
	s9 =	sld [smem:$0x3FA1]  }
0x2f: {  	lr =	sadd.s32 s0, s3;
	s0 =	sld [smem:$0x3F98]  }
0x30: {  	s3 =	sld [smem:$0x3F9B]  }
0x31: {  	[smem:$0x3FA4] =	sst s10  }
0x32: {  	s10 =	sld [smem:$0x3FA2];
	_ =	sdelay $0x3  }
0x33: {  	p0 =	seq.s32 s10, $0x1;
	s10 =	sld [smem:$0x3FA4];
	_ =	sdelay $0x3  }
0x34: {  	[smem:$0x3FA4] =	sst s10  }
0x35: {  	s10 =	sld [smem:$0x3FA3];
	_ =	sdelay $0x3  }
0x36: {  	p1 =	seq.s32 s10, $0x1;
	s10 =	sld [smem:$0x3FA4];
	_ =	sdelay $0x3  }
0x37: {  	[smem:$0x3FA4] =	sst s10  }
0x38: {  	s10 =	sld [smem:$0x3FA5]  }
0x39: {  	_ = 	snop;
	(pc) =	sbr.ind lr, $3  }
0x3a: {  	_ = 	snop  }
0x3b: {  	_ = 	snop  }
0x3c: {  	p2 =	seq.s32 s10, $0x1;
	s10 =	sld [smem:$0x3FA4]  }
0x3d: {  	_ =	shalt  }
0x3e: {  	_ =	shalt  }
0x3f: {  	_ =	shalt  }
0x40: {  	_ =	shalt  }
0x41: {  	_ =	shalt  }
0x42: {  	_ =	shalt  }
0x43: {  	_ =	shalt  }
0x44: {  	_ =	shalt  }
0x45: {  	_ =	shalt  }
0x46: {  	_ =	shalt  }
0x47: {  	_ =	shalt  }
0x48: {  	_ =	shalt  }
0x49: {  	_ =	shalt  }
0x4a: {  	_ =	shalt  }
0x4b: {  	_ =	shalt  }
0x4c: {  	_ =	shalt  }
0x4d: {  	_ =	shalt  }
0x4e: {  	_ =	shalt  }
0x4f: {  	_ =	shalt  }
0x50: {  	_ =	shalt  }
0x51: {  	_ =	shalt  }
0x52: {  	_ =	shalt  }
0x53: {  	_ =	shalt  }
0x54: {  	_ =	shalt  }
0x55: {  	_ =	shalt  }
0x56: {  	_ =	shalt  }
0x57: {  	_ =	shalt  }
0x58: {  	_ =	shalt  }
0x59: {  	_ =	shalt  }
0x5a: {  	_ =	shalt  }
0x5b: {  	_ =	shalt  }
0x5c: {  	_ =	shalt  }
0x5d: {  	_ =	shalt  }
0x5e: {  	_ =	shalt  }
0x5f: {  	_ =	shalt  }
0x60: {  	_ =	shalt  }
0x61: {  	_ =	shalt  }
0x62: {  	_ =	shalt  }
0x63: {  	_ =	shalt  }
0x64: {  	_ =	shalt  }
0x65: {  	_ =	shalt  }
0x66: {  	_ =	shalt  }
0x67: {  	_ =	shalt  }
0x68: {  	_ =	shalt  }
0x69: {  	_ =	shalt  }
0x6a: {  	_ =	shalt  }
0x6b: {  	_ =	shalt  }
0x6c: {  	_ =	shalt  }
0x6d: {  	_ =	shalt  }
0x6e: {  	_ =	shalt  }
0x6f: {  	_ =	shalt  }
0x70: {  	_ =	shalt  }
0x71: {  	_ =	shalt  }
0x72: {  	_ =	shalt  }
0x73: {  	_ =	shalt  }
0x74: {  	_ =	shalt  }
0x75: {  	_ =	shalt  }
0x76: {  	_ =	shalt  }
0x77: {  	_ =	shalt  }
0x78: {  	_ =	shalt  }
0x79: {  	_ =	shalt  }
0x7a: {  	_ =	shalt  }
0x7b: {  	_ =	shalt  }
0x7c: {  	_ =	shalt  }
0x7d: {  	_ =	shalt  }
0x7e: {  	_ =	shalt  }
0x7f: {  	_ =	shalt  }
0x80: {  	_ =	shalt  }
0x81: {  	_ =	shalt  }
0x82: {  	_ =	shalt  }
0x83: {  	_ =	shalt  }
0x84: {  	_ =	shalt  }
0x85: {  	_ =	shalt  }
0x86: {  	_ =	shalt  }
0x87: {  	_ =	shalt  }
.Lfunc_end0:
.L_simem_size_0:
called_computation_lowered:
.L_overlay_start_0:
0x88: {  	s2 =	sld [smem:$0x3FD9]  }
0x89: {  	s3 =	sld [smem:$0x3FFE];
	_ =	sdelay $0x1  }
0x8a: {  	s1 =	srdreg.scid  }
0x8b: {  	s0 =	sand.u32 $0x1, s1  }
0x8c: {  	s16 =	sshll.u32 s0, $0xA;
	s2 =	sadd.s32 s3, s2  }
0x8d: {  	s2 =	sadd.s32 s2, s16  }
0x8e: {  	[smem:$0x3FB0] =	sst s2  }
0x8f: {  	_ = 	snop  }
0x90: {  	(tm) =	ssettm $0x1  }
0x91: {  	s17 =	sld [smem:$0x3FFB];
	_ =	sdelay $0x3  }
0x92: {  	_ =	strace s17  }
0x93: {  	s2 =	sld [smem:$0x3FFC];
	_ =	sdelay $0x3  }
0x94: {  	_ =	strace s2  }
0x95: {  	s2 =	sld [smem:$0x3FFD];
	_ =	sdelay $0x3  }
0x96: {  	_ =	strace s2  }
0x97: {  	_ =	strace $0x8FFFFFFF  }
0x98: {  	s18 =	sld [smem:$0x3FDB];
	_ =	sdelay $0x1  }
0x99: {  	s19 =	simm.s32 $_scs_section_size  }
0x9a: {  	s4 =	simm.s32 $_size__tile_overlayer_lowered;
	s5 =	simm.s32 $_tile_overlayer_lowered  }
0x9b: {  	s22 =	simm.s32 $0x1BFF;
	s21 =	sshll.u32 s5, $0x1;
	s2 =	sadd.s32 s19, s18  }
0x9c: {  	s6 =	simm.s32 $0x0;
	s20 =	sshll.u32 s4, $0x1;
	s4 =	sadd.s32 s21, s2  }
0x9d: {  	[timem:s6], [sflag:s22] =	dma.local [hbm:s4], s20  }
0x9e: {  	_ =	swait.ge [sflag:s22], s20  }
0x9f: {  	s3 =	ssub.s32 $0x0, s20;
	[sflag:s22] =	ssyncset.done $0x0  }
0xa0: {  	[sflag:s22] =	ssyncadd.s32 s3;
	_ =	sdelay $0x1  }
0xa1: {  	s23 =	simm.s32 $0x1B8B  }
0xa2: {  	_ =	swait.ge [sflag:s23], $0x1  }
0xa3: {  	[sflag:s23] =	ssyncset.done $0x0  }
0xa4: {  	s25 =	simm.s32 $0x1B8E;
	s24 =	sld [smem:$0x3FFE];
	[sflag:s23] =	ssyncadd.s32 $0xFFFFFFFF  }
0xa5: {  	s26 =	simm.s32 $execute0_lowered;
	[smem:$0x3FD2] =	sst s25  }
0xa6: {  	s4 =	sshll.u32 s26, $0x1;
	_ =	strace $0x80000046;
	[dreg:$0x1] =	wrdreg $0xFFFFFFFF  }
0xa7: {  	s28 =	simm.s32 $_size_execute0_lowered;
	s2 =	sadd.s32 s2, s4;
	[dreg:$0x0] =	wrdreg $0x0  }
0xa8: {  	s4 =	sshll.u32 s28, $0x1;
	[dreg:$0x2] =	wrdreg s2  }
0xa9: {  	[dreg:$0x3] =	wrdreg s4  }
0xaa: {  	[dreg:$0x4] =	wrdreg $0xC0  }
0xab: {  	_ =	task [dreg:s6], $0x5FFFF  }
0xac: {  	[dreg:$0x1] =	wrdreg $0xFFFFFFFF  }
0xad: {  	[dreg:$0x0] =	wrdreg $0x60  }
0xae: {  	[dreg:$0x2] =	wrdreg s24  }
0xaf: {  	[dreg:$0x3] =	wrdreg $0xA  }
0xb0: {  	_ =	task.clear_ibuf [dreg:s6], $0x4FFFF;
	_ =	strace $0x90000046  }
0xb1: {  	s29 =	simm.s32 $0xA;
	_ =	strace $0x80000048  }
0xb2: {  	_ =	swait.ge [sflag:s29], $0x1  }
0xb3: {  	[sflag:s29] =	ssyncadd.s32 $0xFFFFFFFF  }
0xb4: {  	_ =	strace $0x90000048  }
0xb5: {  	_ =	sfence  }
0xb6: {  	s30 =	sld [smem:$0x0];
	_ =	sdelay $0x2  }
0xb7: {  	s31 =	sshll.u32 s1, $0xD;
	s1 =	sshrl.u32 s1, $0x2  }
0xb8: {  	s3 =	sand.u32 $0x4000, s31;
	s1 =	sadd.s32 s1, s30  }
0xb9: {  	s0 =	sor.u32 s3, s0;
	s1 =	sshll.u32 s1, $0x11  }
0xba: {  	s0 =	sor.u32 s1, s0  }
0xbb: {  	s0 =	sadd.s32 $0x8F2B, s0  }
0xbc: {  	[sflag:s0] =	ssyncadd.remote.s32 $0x1  }
0xbd: {  	_ =	sfence.sel $0xFFFF  }
0xbe: {  	[dreg:$0x0] =	wrdreg $0xFFFFFFFF;
	(pc) =	sbr.abs _section_cstart, $3  }
0xbf: {  	[dreg:$0x1] =	wrdreg $0xFFFFFFFF  }
0xc0: {  	_ =	task.clear_ibuf [dreg:s6], $0x2FFFF;
	_ =	strace $0x9FFFFFFF  }
0xc1: {  	(tm) =	ssettm $0x7FFFFFFF  }
tec
execute0_lowered:
.L_overlay_start_1:
0x0: {  	(tag) =	ssettag $0x1  }
0x1: {  	s9 =	rddreg [dreg:$0x0]  }
0x2: {  	s0 =	rddreg [dreg:$0x1]  }
0x3: {  	s1 =	stileid.u32;
	s3 =	srdreg.scid  }
0x4: {  	s2 =	simm.s32 $0x0;
	s4 =	sshll.u32 s1, $0x7;
	s15 =	sand.u32 $0x1, s3  }
0x5: {  	[smem:$0x7FF] =	sst s2;
	s30 =	sadd.s32 s4, s9;
	s31 =	sshll.u32 s15, $0xB  }
0x6: {  	s7 =	smul.u32 $0x280, s1;
	_ =	strace $0x80000047;
	s3 =	sadd.s32 s31, s30  }
0x7: {  	s6 =	smul.u32 $0x2800, s15;
	s4 =	sadd.s32 $0x4400, s3;
	s3 =	simm.s32 $0x2  }
0x8: {  	[tilespmem:s2], [sflag:$0x2] =	stream.linear.gather [hbm4b:s4+s2], $0x280, $0x38;
	[tilespmem:$0x4400] =	vst v63  }
0x9: {  	s8 =	simm.s32 $0x1;
	_ =	swait.ge [sflag:s3], $0x280  }
0xa: {  	s5 =	sadd.s32 $0x5400, s9;
	s10 =	sadd.s32 s7, s6;
	[sflag:s3] =	ssyncset.done $0x0  }
0xb: {  	s6 =	simm.s32 $0x80;
	s7 =	simm.s32 $0x400;
	[sflag:s3] =	ssyncadd.s32 $0xFFFFFD80  }
0xc: {  	[tilespmem:s7], [sflag:$0x1] =	stream.indirect.gather [hbm4b:s5+s6], $0x80, s2, s6, $0xb8;
	[tilespmem:$0x4400] =	vst v63  }
0xd: {  	s10 =	sshll.u32 s10, $0x4;
	_ =	swait.ge [sflag:s8], $0x4000  }
0xe: {  	s16 =	sadd.s32 s10, s9;
	[sflag:s8] =	ssyncset.done $0x0  }
0xf: {  	s9 =	sadd.s32 $0x55400, s16;
	[sflag:s8] =	ssyncadd.s32 $0xFFFFC000  }
0x10: {  	[hbm4b:s9+s2] =	stream.linear.scatter [tilespmem:s7], [sflag:$0x2], $0x4000, $0x38;
	[tilespmem:$0x4400] =	vst v63  }
0x11: {  	_ =	swait.ge [sflag:s3], $0x4000  }
0x12: {  	[sflag:s3] =	ssyncset.done $0x0  }
0x13: {  	[sflag:s3] =	ssyncadd.s32 $0xFFFFC000  }
0x14: {  	[tilespmem:s7], [sflag:$0x1] =	stream.indirect.gather [hbm4b:s5+s6], $0x80, s6, s6, $0xb8;
	[tilespmem:$0x4400] =	vst v63  }
0x15: {  	_ =	swait.ge [sflag:s8], $0x4000  }
0x16: {  	[sflag:s8] =	ssyncset.done $0x0  }
0x17: {  	s10 =	sadd.s32 $0x55C00, s16;
	[sflag:s8] =	ssyncadd.s32 $0xFFFFC000  }
0x18: {  	[hbm4b:s10+s2] =	stream.linear.scatter [tilespmem:s7], [sflag:$0x2], $0x4000, $0x38;
	[tilespmem:$0x4400] =	vst v63  }
0x19: {  	_ =	swait.ge [sflag:s3], $0x4000  }
0x1a: {  	[sflag:s3] =	ssyncset.done $0x0  }
0x1b: {  	s11 =	simm.s32 $0x100;
	[sflag:s3] =	ssyncadd.s32 $0xFFFFC000  }
0x1c: {  	[tilespmem:s7], [sflag:$0x1] =	stream.indirect.gather [hbm4b:s5+s6], $0x80, s11, s6, $0xb8;
	[tilespmem:$0x4400] =	vst v63  }
0x1d: {  	_ =	swait.ge [sflag:s8], $0x4000  }
0x1e: {  	[sflag:s8] =	ssyncset.done $0x0  }
0x1f: {  	s12 =	sadd.s32 $0x56400, s16;
	[sflag:s8] =	ssyncadd.s32 $0xFFFFC000  }
0x20: {  	[hbm4b:s12+s2] =	stream.linear.scatter [tilespmem:s7], [sflag:$0x2], $0x4000, $0x38;
	[tilespmem:$0x4400] =	vst v63  }
0x21: {  	_ =	swait.ge [sflag:s3], $0x4000  }
0x22: {  	[sflag:s3] =	ssyncset.done $0x0  }
0x23: {  	s13 =	simm.s32 $0x180;
	[sflag:s3] =	ssyncadd.s32 $0xFFFFC000  }
0x24: {  	[tilespmem:s7], [sflag:$0x1] =	stream.indirect.gather [hbm4b:s5+s6], $0x80, s13, s6, $0xb8;
	[tilespmem:$0x4400] =	vst v63  }
0x25: {  	_ =	swait.ge [sflag:s8], $0x4000  }
0x26: {  	[sflag:s8] =	ssyncset.done $0x0  }
0x27: {  	s17 =	ssub.s32 $0x2, s15;
	s14 =	sadd.s32 $0x56C00, s16;
	[sflag:s8] =	ssyncadd.s32 $0xFFFFC000  }
0x28: {  	[hbm4b:s14+s2] =	stream.linear.scatter [tilespmem:s7], [sflag:$0x2], $0x4000, $0x38;
	[tilespmem:$0x4400] =	vst v63  }
0x29: {  	s18 =	sshrl.u32 s17, $0x1;
	_ =	swait.ge [sflag:s3], $0x4000  }
0x2a: {  	s17 =	ssub.s32 s17, s18;
	[sflag:s3] =	ssyncset.done $0x0  }
0x2b: {  	s15 =	simm.s32 $0x200;
	s17 =	smax.u32 s17, $0x1;
	[sflag:s3] =	ssyncadd.s32 $0xFFFFC000  }
0x2c: {  	[tilespmem:s7], [sflag:$0x1] =	stream.indirect.gather [hbm4b:s5+s6], $0x80, s15, s6, $0xb8;
	[tilespmem:$0x4400] =	vst v63  }
0x2d: {  	p0 =	sne.s32 s17, $0x1;
	_ =	swait.ge [sflag:s8], $0x4000  }
.Ltmp0:
0x2e: {  	[sflag:s8] =	ssyncset.done $0x0;
	(pc) =	sbr.rel @!p0 .LBB2_2-.Ltmp0, $4  }
0x2f: {  	s16 =	sadd.s32 $0x57400, s16;
	[sflag:s8] =	ssyncadd.s32 $0xFFFFC000  }
0x30: {  	[hbm4b:s16+s2] =	stream.linear.scatter [tilespmem:s7], [sflag:$0x2], $0x4000, $0x38;
	[tilespmem:$0x4400] =	vst v63  }
0x31: {  	_ =	swait.ge [sflag:s3], $0x4000  }
0x32: {  	s17 =	sadd.s32 $0xFFFFFFFF, s17;
	[sflag:s3] =	ssyncset.done $0x0  }
.LBB2_1:
0x33: {  	p0 =	sne.s32 s17, $0x1;
	s17 =	sadd.s32 $0xFFFFFFFF, s17;
	[sflag:s3] =	ssyncadd.s32 $0xFFFFC000  }
0x34: {  	[tilespmem:s2], [sflag:$0x2] =	stream.linear.gather [hbm4b:s4+s2], $0x280, $0x38;
	[tilespmem:$0x4400] =	vst v63  }
0x35: {  	_ =	swait.ge [sflag:s3], $0x280  }
0x36: {  	[sflag:s3] =	ssyncset.done $0x0  }
0x37: {  	[sflag:s3] =	ssyncadd.s32 $0xFFFFFD80  }
0x38: {  	[tilespmem:s7], [sflag:$0x1] =	stream.indirect.gather [hbm4b:s5+s6], $0x80, s2, s6, $0xb8;
	[tilespmem:$0x4400] =	vst v63  }
0x39: {  	_ =	swait.ge [sflag:s8], $0x4000  }
0x3a: {  	[sflag:s8] =	ssyncset.done $0x0  }
0x3b: {  	[sflag:s8] =	ssyncadd.s32 $0xFFFFC000  }
0x3c: {  	[hbm4b:s9+s2] =	stream.linear.scatter [tilespmem:s7], [sflag:$0x2], $0x4000, $0x38;
	[tilespmem:$0x4400] =	vst v63  }
0x3d: {  	_ =	swait.ge [sflag:s3], $0x4000  }
0x3e: {  	[sflag:s3] =	ssyncset.done $0x0  }
0x3f: {  	[sflag:s3] =	ssyncadd.s32 $0xFFFFC000  }
0x40: {  	[tilespmem:s7], [sflag:$0x1] =	stream.indirect.gather [hbm4b:s5+s6], $0x80, s6, s6, $0xb8;
	[tilespmem:$0x4400] =	vst v63  }
0x41: {  	_ =	swait.ge [sflag:s8], $0x4000  }
0x42: {  	[sflag:s8] =	ssyncset.done $0x0  }
0x43: {  	[sflag:s8] =	ssyncadd.s32 $0xFFFFC000  }
0x44: {  	[hbm4b:s10+s2] =	stream.linear.scatter [tilespmem:s7], [sflag:$0x2], $0x4000, $0x38;
	[tilespmem:$0x4400] =	vst v63  }
0x45: {  	_ =	swait.ge [sflag:s3], $0x4000  }
0x46: {  	[sflag:s3] =	ssyncset.done $0x0  }
0x47: {  	[sflag:s3] =	ssyncadd.s32 $0xFFFFC000  }
0x48: {  	[tilespmem:s7], [sflag:$0x1] =	stream.indirect.gather [hbm4b:s5+s6], $0x80, s11, s6, $0xb8;
	[tilespmem:$0x4400] =	vst v63  }
0x49: {  	_ =	swait.ge [sflag:s8], $0x4000  }
0x4a: {  	[sflag:s8] =	ssyncset.done $0x0  }
0x4b: {  	[sflag:s8] =	ssyncadd.s32 $0xFFFFC000  }
0x4c: {  	[hbm4b:s12+s2] =	stream.linear.scatter [tilespmem:s7], [sflag:$0x2], $0x4000, $0x38;
	[tilespmem:$0x4400] =	vst v63  }
0x4d: {  	_ =	swait.ge [sflag:s3], $0x4000  }
0x4e: {  	[sflag:s3] =	ssyncset.done $0x0  }
0x4f: {  	[sflag:s3] =	ssyncadd.s32 $0xFFFFC000  }
0x50: {  	[tilespmem:s7], [sflag:$0x1] =	stream.indirect.gather [hbm4b:s5+s6], $0x80, s13, s6, $0xb8;
	[tilespmem:$0x4400] =	vst v63  }
0x51: {  	_ =	swait.ge [sflag:s8], $0x4000  }
0x52: {  	[sflag:s8] =	ssyncset.done $0x0  }
0x53: {  	[sflag:s8] =	ssyncadd.s32 $0xFFFFC000  }
0x54: {  	[hbm4b:s14+s2] =	stream.linear.scatter [tilespmem:s7], [sflag:$0x2], $0x4000, $0x38;
	[tilespmem:$0x4400] =	vst v63  }
0x55: {  	_ =	swait.ge [sflag:s3], $0x4000  }
0x56: {  	[sflag:s3] =	ssyncset.done $0x0  }
0x57: {  	[sflag:s3] =	ssyncadd.s32 $0xFFFFC000  }
0x58: {  	[tilespmem:s7], [sflag:$0x1] =	stream.indirect.gather [hbm4b:s5+s6], $0x80, s15, s6, $0xb8;
	[tilespmem:$0x4400] =	vst v63  }
0x59: {  	_ =	swait.ge [sflag:s8], $0x4000  }
.Ltmp1:
0x5a: {  	[sflag:s8] =	ssyncset.done $0x0;
	(pc) =	sbr.rel @p0 .LBB2_1-.Ltmp1, $4  }
0x5b: {  	[sflag:s8] =	ssyncadd.s32 $0xFFFFC000  }
0x5c: {  	[hbm4b:s16+s2] =	stream.linear.scatter [tilespmem:s7], [sflag:$0x2], $0x4000, $0x38;
	[tilespmem:$0x4400] =	vst v63  }
0x5d: {  	_ =	swait.ge [sflag:s3], $0x4000  }
0x5e: {  	[sflag:s3] =	ssyncset.done $0x0  }
.LBB2_2:
0x5f: {  	[sflag:s3] =	ssyncadd.s32 $0xFFFFC000  }
0x60: {  	_ =	sfence.sel $0x180000  }
0x61: {  	[bflag:$0x0] =	sbarrier.arrive $0xFFFF  }
0x62: {  	p0 =	sne.s32 s1, $0x0;
	_ =	strace $0x90000047  }
0x63: {  	s0 =	sadd.s32 @!p0 $0x100000, s0;
	[bflag:$0x2] =	sbarrier.arrive $0xFFFF  }
0x64: {  	[sflag:s0] =	ssyncadd.tile.s32 @!p0 $0x1;
	_ =	shalt  }
.Lfunc_end2:
_tile_overlayer_lowered:
.L_overlay_start_2:
0x65: {  	(tag) =	ssettag $0x2  }
0x66: {  	s0 =	rddreg [dreg:$0x0];
	s2 =	stileid.u32  }
0x67: {  	s1 =	rddreg [dreg:$0x1];
	p0 =	sne.s32 s2, $0x0  }
0x68: {  	s3 =	rddreg [dreg:$0x2];
	[bflag:$0x3] =	sbarrier.arrive $0xFFFF;
	s2 =	simm.s32 @!p0 $0x1C02  }
0x69: {  	[timem:s3], [sflag:s2] =	dma.local @!p0 [hbm:s0], s1  }
0x6a: {  	s0 =	simm.s32 @!p0 $0x2  }
0x6b: {  	_ =	swait.ge @!p0 [sflag:s0], s1  }
0x6c: {  	s1 =	ssub.s32 @!p0 $0x0, s1;
	[sflag:s0] =	ssyncset.done @!p0 $0x0  }
0x6d: {  	[sflag:s0] =	ssyncadd.s32 @!p0 s1  }
0x6e: {  	[bflag:$0x3] =	sbarrier.arrive $0xFFFF  }
0x6f: {  	_ =	shalt  }

</sc_bundles>
